<compile_context>
chip_gen: v7x
topology: tpu7x:2x2x1
jax: 0.10.2.dev20260603
libtpu: 0.0.44.dev20260713+nightly
codegen_flags: <defaults>
</compile_context>

<pallas_src>
import jax
import jax.numpy as jnp
from jax import lax
from jax.experimental import pallas as pl
from jax.experimental.pallas import tpu as pltpu
from jax.experimental.pallas import tpu_sc as plsc

N = 10000
E = 320000
D = 128
NC = 2
NS = 16
NW = NC * NS
EPT = E // NW
CH = 100
NCHP = 100
EPTP = NCHP * CH
NP = 10240
RT = NP // NS
GCH = 80

_mesh = plsc.VectorSubcoreMesh(core_axis_name="c", subcore_axis_name="s")


def _sc_prelim_body(t1_hbm, label_hbm, dst_hbm, zeros_hbm, z0_hbm, deg_hbm,
                    label_v, rows_v, dst_v, ones_v, degbuf,
                    sem, sem_a, sem_b):
    c = lax.axis_index("c")
    s = lax.axis_index("s")
    wid = c * NS + s

    pltpu.sync_copy(zeros_hbm, degbuf.at[pl.ds(s * RT, RT)])
    plsc.subcore_barrier()

    pltpu.sync_copy(label_hbm.at[wid], label_v)
    for g in range(4):
        pltpu.async_copy(t1_hbm.at[label_v.at[g]], rows_v, sem).wait()
        pltpu.sync_copy(rows_v, z0_hbm.at[pl.ds(wid * 320 + g * GCH, GCH)])

    pltpu.sync_copy(dst_hbm.at[wid], dst_v)
    o16 = jnp.ones((16,), jnp.float32)

    def _fill_ones(i, _):
        for j in range(D // 16):
            ones_v[i, pl.ds(j * 16, 16)] = o16
        return 0
    lax.fori_loop(0, CH, _fill_ones, 0)

    def _deg_pair(i, _):
        a = 2 * i
        sa = pltpu.async_copy(ones_v, degbuf.at[dst_v.at[a]], sem_a,
                              add=True)
        sb = pltpu.async_copy(ones_v, degbuf.at[dst_v.at[a + 1]], sem_b,
                              add=True)
        sa.wait()
        sb.wait()
        return 0
    lax.fori_loop(0, NCHP // 2, _deg_pair, 0)

    plsc.subcore_barrier()
    pltpu.sync_copy(degbuf.at[pl.ds(s * RT, RT)],
                    deg_hbm.at[c, pl.ds(s * RT, RT)])


_sc_prelim = pl.kernel(
    _sc_prelim_body,
    out_type=(jax.ShapeDtypeStruct((NP, D), jnp.float32),
              jax.ShapeDtypeStruct((NC, NP, D), jnp.float32)),
    mesh=_mesh,
    scratch_types=[
        pltpu.VMEM((4, GCH), jnp.int32),
        pltpu.VMEM((GCH, D), jnp.float32),
        pltpu.VMEM((NCHP, CH), jnp.int32),
        pltpu.VMEM((CH, D), jnp.float32),
        pltpu.VMEM_SHARED((NP, D), jnp.float32),
        pltpu.SemaphoreType.DMA,
        pltpu.SemaphoreType.DMA,
        pltpu.SemaphoreType.DMA,
    ],
)


def _sc_edge_body(z_hbm, src_hbm, dst_hbm, zeros_hbm, out_hbm,
                  src_v, dba, dbb, rows_a, rows_b, agg,
                  sem_da, sem_db, sem_a, sem_b):
    c = lax.axis_index("c")
    s = lax.axis_index("s")
    wid = c * NS + s

    pltpu.sync_copy(zeros_hbm, agg.at[pl.ds(s * RT, RT)])
    pltpu.sync_copy(src_hbm.at[wid], src_v)
    plsc.subcore_barrier()

    def pair(i, _):
        a = 2 * i
        da = pltpu.async_copy(dst_hbm.at[wid, a], dba.at[0], sem_da)
        db = pltpu.async_copy(dst_hbm.at[wid, a + 1], dbb.at[0], sem_db)
        ga = pltpu.async_copy(z_hbm.at[src_v.at[a]], rows_a, sem_a)
        gb = pltpu.async_copy(z_hbm.at[src_v.at[a + 1]], rows_b, sem_b)
        ga.wait()
        da.wait()
        pltpu.sync_copy(rows_a, agg.at[dba.at[0]], add=True)
        gb.wait()
        db.wait()
        pltpu.sync_copy(rows_b, agg.at[dbb.at[0]], add=True)
        return 0
    lax.fori_loop(0, NCHP // 2, pair, 0)

    plsc.subcore_barrier()
    pltpu.sync_copy(agg.at[pl.ds(s * RT, RT)],
                    out_hbm.at[c, pl.ds(s * RT, RT)])


_sc_edge = pl.kernel(
    _sc_edge_body,
    out_type=jax.ShapeDtypeStruct((NC, NP, D), jnp.float32),
    mesh=_mesh,
    scratch_types=[
        pltpu.VMEM((NCHP, CH), jnp.int32),
        pltpu.VMEM((1, CH), jnp.int32),
        pltpu.VMEM((1, CH), jnp.int32),
        pltpu.VMEM((CH, D), jnp.float32),
        pltpu.VMEM((CH, D), jnp.float32),
        pltpu.VMEM_SHARED((NP, D), jnp.float32),
        pltpu.SemaphoreType.DMA,
        pltpu.SemaphoreType.DMA,
        pltpu.SemaphoreType.DMA,
        pltpu.SemaphoreType.DMA,
    ],
)


def _mm_body(a_ref, w_ref, o_ref):
    o_ref[...] = jnp.dot(a_ref[...], w_ref[...],
                         preferred_element_type=jnp.float32)


def _small_matmul(a, w):
    return pl.pallas_call(
        _mm_body,
        out_shape=jax.ShapeDtypeStruct((a.shape[0], w.shape[1]), jnp.float32),
    )(a, w)


def _tc_layer(aggp, degp, b, res, w):
    has_res = res is not None
    has_w = w is not None

    def body(*refs):
        agg_ref, deg_ref, b_ref = refs[0], refs[1], refs[2]
        i = 3
        res_ref = None
        w_ref = None
        if has_res:
            res_ref = refs[i]; i += 1
        if has_w:
            w_ref = refs[i]; i += 1
        h_ref = refs[i]; i += 1
        a = agg_ref[0] + agg_ref[1]
        deg = deg_ref[0, :, 0:1] + deg_ref[1, :, 0:1]
        h = jnp.maximum(a / jnp.clip(deg, 1.0, None) + b_ref[...], 0.0)
        if has_res:
            h = h + res_ref[...]
        h_ref[...] = h
        if has_w:
            z_ref = refs[i]
            z_ref[...] = jnp.dot(h, w_ref[...],
                                 preferred_element_type=jnp.float32)

    outs = [jax.ShapeDtypeStruct((NP, D), jnp.float32)]
    if has_w:
        outs.append(jax.ShapeDtypeStruct((NP, D), jnp.float32))
    args = [aggp, degp, b]
    if has_res:
        args.append(res)
    if has_w:
        args.append(w)
    r = pl.pallas_call(body, out_shape=tuple(outs))(*args)
    return (r[0], r[1]) if has_w else (r[0], None)


def kernel(label, edge_index, emb, W1, b1, W2, b2, W3, b3, W4, b4, W5, b5):
    label = label.astype(jnp.int32)
    pad = EPTP - EPT
    srcp = jnp.pad(edge_index[0].astype(jnp.int32).reshape(NW, EPT),
                   ((0, 0), (0, pad))).reshape(NW, NCHP, CH)
    dstp = jnp.pad(edge_index[1].astype(jnp.int32).reshape(NW, EPT),
                   ((0, 0), (0, pad)),
                   constant_values=NP - 1).reshape(NW, NCHP, CH)
    label3 = jnp.pad(label, (0, NP - N)).reshape(NW, 4, GCH)

    zrows = jnp.zeros((RT, D), jnp.float32)
    t1 = _small_matmul(emb, W1)
    z, degp_full = _sc_prelim(t1, label3, dstp, zrows)
    degp = degp_full[:, :, :8]

    bs = [b1.reshape(1, D), b2.reshape(1, D), b3.reshape(1, D),
          b4.reshape(1, D), b5.reshape(1, D)]
    ws_next = [W2, W3, W4, W5, None]

    h_prev = None
    h = None
    for layer in range(5):
        aggp = _sc_edge(z, srcp, dstp, zrows)
        res = h_prev if layer in (1, 3) else None
        h, z = _tc_layer(aggp, degp, bs[layer], res, ws_next[layer])
        if layer in (0, 2):
            h_prev = h
        else:
            h_prev = None
    return h[:N]

# --- scband reference (transcript-rebuilt; emitter-appended) ---
"""Pipeline reference for scband-gcn-a-l-57303453663605 (READ-ONLY COPY).

The authoritative reference and input builder live on the scoring server;
editing this copy changes nothing except your own understanding.
"""

import jax, jax.numpy as jnp
import numpy as np

N = 10000   # number of 'ast' nodes
E = 320000  # number of edges
D = 128     # hidden_feats
L = 1000    # num_ast_labels


def setup_inputs(seed: int = 0) -> dict:
    key = jax.random.key(seed)
    ks = jax.random.split(key, 16)
    label = jax.random.randint(ks[0], (N,), 0, L)
    edge_index = jax.random.randint(ks[1], (2, E), 0, N)
    # xavier_normal init for the label embedding table
    emb = jax.random.normal(ks[2], (L, D), dtype=jnp.float32) * np.sqrt(2.0 / (L + D))
    inp = {"label": label, "edge_index": edge_index, "emb": emb}
    for i in range(5):
        inp[f"W{i+1}"] = jax.random.normal(ks[3 + i], (D, D), dtype=jnp.float32) * np.sqrt(1.0 / D)
        inp[f"b{i+1}"] = jnp.zeros((D,), dtype=jnp.float32)
    return inp


def _gcn_layer(h, src, dst, W, b):
    # DGL-style GCN layer on the ('ast','ast2ast','ast') relation:
    # gather source features, mean-aggregate into destination nodes,
    # then linear + ReLU.
    msg = jnp.take(h, src, axis=0)                              # gather  [E, D]
    agg = jax.ops.segment_sum(msg, dst, num_segments=N)         # scatter-add [N, D]
    deg = jax.ops.segment_sum(jnp.ones((src.shape[0],), h.dtype), dst, num_segments=N)
    agg = agg / jnp.clip(deg, 1.0, None)[:, None]
    return jax.nn.relu(agg @ W + b)


def reference(label, edge_index, emb, W1, b1, W2, b2, W3, b3, W4, b4, W5, b5):
    src, dst = edge_index[0], edge_index[1]
    # h_g.nodes['ast'].data['h'] = ast_label_encoder(label)
    h = jnp.take(emb, label, axis=0)
    h = _gcn_layer(h, src, dst, W1, b1)       # h_process1
    ast_feats = h
    h = _gcn_layer(h, src, dst, W2, b2)       # h_process2
    h = ast_feats + h                          # residual add
    h = _gcn_layer(h, src, dst, W3, b3)       # h_process3
    ast_feats = h
    h = _gcn_layer(h, src, dst, W4, b4)       # h_process4
    h = ast_feats + h                          # residual add
    h = _gcn_layer(h, src, dst, W5, b5)       # h_process5
    return h

if __name__ == "__main__":
    import jax
    _d = setup_inputs()
    print(jax.jit(kernel)(*tuple(_d.values())))

</pallas_src>

<mosaic_0001>
#map = affine_map<(d0, d1) -> (0, 0)>
#map1 = affine_map<(d0, d1) -> (0, 0, 0)>
module attributes {stable_mosaic.version = 14 : i64} {
  func.func @_sc_prelim_body(%arg0: i32, %arg1: i32, %arg2: memref<1000x128xf32, #tpu.memory_space<hbm>>, %arg3: memref<32x4x80xi32, #tpu.memory_space<hbm>>, %arg4: memref<32x100x100xi32, #tpu.memory_space<hbm>>, %arg5: memref<640x128xf32, #tpu.memory_space<hbm>>, %arg6: memref<10240x128xf32, #tpu.memory_space<hbm>>, %arg7: memref<2x10240x128xf32, #tpu.memory_space<hbm>>, %arg8: memref<4x80xi32, #tpu.memory_space<vmem>>, %arg9: memref<80x128xf32, #tpu.memory_space<vmem>>, %arg10: memref<100x100xi32, #tpu.memory_space<vmem>>, %arg11: memref<100x128xf32, #tpu.memory_space<vmem>>, %arg12: memref<10240x128xf32, #tpu.memory_space<vmem_shared>>, %arg13: memref<!tpu.dma_semaphore, #tpu.memory_space<semaphore_mem>>, %arg14: memref<!tpu.dma_semaphore, #tpu.memory_space<semaphore_mem>>, %arg15: memref<!tpu.dma_semaphore, #tpu.memory_space<semaphore_mem>>) attributes {dimension_semantics = [#tpu.dimension_semantics<core_parallel>, #tpu.dimension_semantics<subcore_parallel>], iteration_bounds = array<i64: 2, 16>, scalar_prefetch = 0 : i64, scratch_operands = 8 : i64, tpu.core_type = #tpu.core_type<sc_vector_subcore>, window_params = [{transform_indices = #map}, {transform_indices = #map1}, {transform_indices = #map1}, {transform_indices = #map}, {transform_indices = #map}, {transform_indices = #map1}]} {
    %mul3A = arith.constant 16 : i32
    %mul3A_0 = arith.muli %arg0, %mul3A : i32
    %add3A = arith.addi %mul3A_0, %arg1 : i32
    %mul3A_1 = arith.constant 640 : i32
    %mul3A_2 = arith.muli %arg1, %mul3A_1 : i32
    "tpu.region"() ({
      %run_scoped3A = tpu.sem_alloc : memref<!tpu.dma_semaphore, #tpu.memory_space<semaphore_mem>>
      %dma_start3A_92 = arith.constant 0 : i32
      %dma_start3A_93 = tpu.memref_slice %arg12[%mul3A_2, %dma_start3A_92] : memref<10240x128xf32, #tpu.memory_space<vmem_shared>> -> memref<640x128xf32, #tpu.memory_space<vmem_shared>>
      tpu.enqueue_dma source(%arg5 : memref<640x128xf32, #tpu.memory_space<hbm>>) target(%dma_start3A_93 : memref<640x128xf32, #tpu.memory_space<vmem_shared>>) target_semaphore(%run_scoped3A : memref<!tpu.dma_semaphore, #tpu.memory_space<semaphore_mem>>)
      %dma_wait3A_94 = arith.constant 0 : i32
      %dma_wait3A_95 = tpu.memref_slice %arg12[%mul3A_2, %dma_wait3A_94] : memref<10240x128xf32, #tpu.memory_space<vmem_shared>> -> memref<640x128xf32, #tpu.memory_space<vmem_shared>>
      tpu.wait_dma2 semaphore(%run_scoped3A : memref<!tpu.dma_semaphore, #tpu.memory_space<semaphore_mem>>) src(%arg5 : memref<640x128xf32, #tpu.memory_space<hbm>>) dst(%dma_wait3A_95 : memref<640x128xf32, #tpu.memory_space<vmem_shared>>)
      tpu.yield
    }) : () -> ()
    %barrier3A = arith.constant 0 : index
    tpu.barrier barrier_id(%barrier3A)
    "tpu.region"() ({
      %run_scoped3A = tpu.sem_alloc : memref<!tpu.dma_semaphore, #tpu.memory_space<semaphore_mem>>
      %dma_start3A_92 = arith.constant 0 : i32
      %dma_start3A_93 = arith.constant 0 : i32
      %dma_start3A_94 = tpu.memref_slice %arg3[%add3A, %dma_start3A_92, %dma_start3A_93] : memref<32x4x80xi32, #tpu.memory_space<hbm>> -> memref<1x4x80xi32, #tpu.memory_space<hbm>>
      %dma_start3A_95 = tpu.memref_squeeze %dma_start3A_94 : memref<1x4x80xi32, #tpu.memory_space<hbm>> -> memref<4x80xi32, #tpu.memory_space<hbm>>
      %dma_start3A_96 = arith.constant 0 : i32
      %dma_start3A_97 = arith.constant 0 : i32
      %dma_start3A_98 = tpu.memref_slice %arg3[%add3A, %dma_start3A_96, %dma_start3A_97] : memref<32x4x80xi32, #tpu.memory_space<hbm>> -> memref<1x4x80xi32, #tpu.memory_space<hbm>>
      %dma_start3A_99 = tpu.memref_squeeze %dma_start3A_98 : memref<1x4x80xi32, #tpu.memory_space<hbm>> -> memref<4x80xi32, #tpu.memory_space<hbm>>
      tpu.enqueue_dma source(%dma_start3A_99 : memref<4x80xi32, #tpu.memory_space<hbm>>) target(%arg8 : memref<4x80xi32, #tpu.memory_space<vmem>>) target_semaphore(%run_scoped3A : memref<!tpu.dma_semaphore, #tpu.memory_space<semaphore_mem>>)
      %dma_wait3A_100 = arith.constant 0 : i32
      %dma_wait3A_101 = arith.constant 0 : i32
      %dma_wait3A_102 = tpu.memref_slice %arg3[%add3A, %dma_wait3A_100, %dma_wait3A_101] : memref<32x4x80xi32, #tpu.memory_space<hbm>> -> memref<1x4x80xi32, #tpu.memory_space<hbm>>
      %dma_wait3A_103 = tpu.memref_squeeze %dma_wait3A_102 : memref<1x4x80xi32, #tpu.memory_space<hbm>> -> memref<4x80xi32, #tpu.memory_space<hbm>>
      %dma_wait3A_104 = arith.constant 0 : i32
      %dma_wait3A_105 = arith.constant 0 : i32
      %dma_wait3A_106 = tpu.memref_slice %arg3[%add3A, %dma_wait3A_104, %dma_wait3A_105] : memref<32x4x80xi32, #tpu.memory_space<hbm>> -> memref<1x4x80xi32, #tpu.memory_space<hbm>>
      %dma_wait3A_107 = tpu.memref_squeeze %dma_wait3A_106 : memref<1x4x80xi32, #tpu.memory_space<hbm>> -> memref<4x80xi32, #tpu.memory_space<hbm>>
      tpu.wait_dma2 semaphore(%run_scoped3A : memref<!tpu.dma_semaphore, #tpu.memory_space<semaphore_mem>>) src(%dma_wait3A_107 : memref<4x80xi32, #tpu.memory_space<hbm>>) dst(%arg8 : memref<4x80xi32, #tpu.memory_space<vmem>>)
      tpu.yield
    }) : () -> ()
    %dma_start3A = arith.constant 0 : i32
    %dma_start3A_3 = arith.constant 0 : i32
    %dma_start3A_4 = tpu.memref_slice %arg8[%dma_start3A, %dma_start3A_3] : memref<4x80xi32, #tpu.memory_space<vmem>> -> memref<1x80xi32, #tpu.memory_space<vmem>>
    %dma_start3A_5 = tpu.memref_squeeze %dma_start3A_4 : memref<1x80xi32, #tpu.memory_space<vmem>> -> memref<80xi32, #tpu.memory_space<vmem>>
    %dma_start3A_6 = arith.constant 0 : i32
    %dma_start3A_7 = arith.constant 0 : i32
    %dma_start3A_8 = tpu.memref_slice %arg2[%dma_start3A_6, %dma_start3A_7] : memref<1000x128xf32, #tpu.memory_space<hbm>> -> memref<1000x128xf32, #tpu.memory_space<hbm>>
    tpu.enqueue_indirect_dma source(%dma_start3A_8 : memref<1000x128xf32, #tpu.memory_space<hbm>>) target(%arg9 : memref<80x128xf32, #tpu.memory_space<vmem>>) offsets(%dma_start3A_5 : memref<80xi32, #tpu.memory_space<vmem>>) semaphore(%arg13 : memref<!tpu.dma_semaphore, #tpu.memory_space<semaphore_mem>>)
    %dma_wait3A = arith.constant 0 : i32
    %dma_wait3A_9 = arith.constant 0 : i32
    %dma_wait3A_10 = tpu.memref_slice %arg8[%dma_wait3A, %dma_wait3A_9] : memref<4x80xi32, #tpu.memory_space<vmem>> -> memref<1x80xi32, #tpu.memory_space<vmem>>
    %dma_wait3A_11 = tpu.memref_squeeze %dma_wait3A_10 : memref<1x80xi32, #tpu.memory_space<vmem>> -> memref<80xi32, #tpu.memory_space<vmem>>
    %dma_wait3A_12 = arith.constant 0 : i32
    %dma_wait3A_13 = arith.constant 0 : i32
    %dma_wait3A_14 = tpu.memref_slice %arg2[%dma_wait3A_12, %dma_wait3A_13] : memref<1000x128xf32, #tpu.memory_space<hbm>> -> memref<1000x128xf32, #tpu.memory_space<hbm>>
    tpu.wait_indirect_dma semaphore(%arg13 : memref<!tpu.dma_semaphore, #tpu.memory_space<semaphore_mem>>) src(%dma_wait3A_14 : memref<1000x128xf32, #tpu.memory_space<hbm>>) dst(%arg9 : memref<80x128xf32, #tpu.memory_space<vmem>>)
    %mul3A_15 = arith.constant 320 : i32
    %mul3A_16 = arith.muli %add3A, %mul3A_15 : i32
    %add3A_17 = arith.constant 0 : i32
    %add3A_18 = arith.addi %mul3A_16, %add3A_17 : i32
    "tpu.region"() ({
      %run_scoped3A = tpu.sem_alloc : memref<!tpu.dma_semaphore, #tpu.memory_space<semaphore_mem>>
      %dma_start3A_92 = arith.constant 0 : i32
      %dma_start3A_93 = tpu.memref_slice %arg6[%add3A_18, %dma_start3A_92] : memref<10240x128xf32, #tpu.memory_space<hbm>> -> memref<80x128xf32, #tpu.memory_space<hbm>>
      %dma_start3A_94 = arith.constant 0 : i32
      %dma_start3A_95 = tpu.memref_slice %arg6[%add3A_18, %dma_start3A_94] : memref<10240x128xf32, #tpu.memory_space<hbm>> -> memref<80x128xf32, #tpu.memory_space<hbm>>
      tpu.enqueue_dma source(%arg9 : memref<80x128xf32, #tpu.memory_space<vmem>>) target(%dma_start3A_95 : memref<80x128xf32, #tpu.memory_space<hbm>>) target_semaphore(%run_scoped3A : memref<!tpu.dma_semaphore, #tpu.memory_space<semaphore_mem>>)
      %dma_wait3A_96 = arith.constant 0 : i32
      %dma_wait3A_97 = tpu.memref_slice %arg6[%add3A_18, %dma_wait3A_96] : memref<10240x128xf32, #tpu.memory_space<hbm>> -> memref<80x128xf32, #tpu.memory_space<hbm>>
      %dma_wait3A_98 = arith.constant 0 : i32
      %dma_wait3A_99 = tpu.memref_slice %arg6[%add3A_18, %dma_wait3A_98] : memref<10240x128xf32, #tpu.memory_space<hbm>> -> memref<80x128xf32, #tpu.memory_space<hbm>>
      tpu.wait_dma2 semaphore(%run_scoped3A : memref<!tpu.dma_semaphore, #tpu.memory_space<semaphore_mem>>) src(%arg9 : memref<80x128xf32, #tpu.memory_space<vmem>>) dst(%dma_wait3A_99 : memref<80x128xf32, #tpu.memory_space<hbm>>)
      tpu.yield
    }) : () -> ()
    %dma_start3A_19 = arith.constant 1 : i32
    %dma_start3A_20 = arith.constant 0 : i32
    %dma_start3A_21 = tpu.memref_slice %arg8[%dma_start3A_19, %dma_start3A_20] : memref<4x80xi32, #tpu.memory_space<vmem>> -> memref<1x80xi32, #tpu.memory_space<vmem>>
    %dma_start3A_22 = tpu.memref_squeeze %dma_start3A_21 : memref<1x80xi32, #tpu.memory_space<vmem>> -> memref<80xi32, #tpu.memory_space<vmem>>
    %dma_start3A_23 = arith.constant 0 : i32
    %dma_start3A_24 = arith.constant 0 : i32
    %dma_start3A_25 = tpu.memref_slice %arg2[%dma_start3A_23, %dma_start3A_24] : memref<1000x128xf32, #tpu.memory_space<hbm>> -> memref<1000x128xf32, #tpu.memory_space<hbm>>
    tpu.enqueue_indirect_dma source(%dma_start3A_25 : memref<1000x128xf32, #tpu.memory_space<hbm>>) target(%arg9 : memref<80x128xf32, #tpu.memory_space<vmem>>) offsets(%dma_start3A_22 : memref<80xi32, #tpu.memory_space<vmem>>) semaphore(%arg13 : memref<!tpu.dma_semaphore, #tpu.memory_space<semaphore_mem>>)
    %dma_wait3A_26 = arith.constant 1 : i32
    %dma_wait3A_27 = arith.constant 0 : i32
    %dma_wait3A_28 = tpu.memref_slice %arg8[%dma_wait3A_26, %dma_wait3A_27] : memref<4x80xi32, #tpu.memory_space<vmem>> -> memref<1x80xi32, #tpu.memory_space<vmem>>
    %dma_wait3A_29 = tpu.memref_squeeze %dma_wait3A_28 : memref<1x80xi32, #tpu.memory_space<vmem>> -> memref<80xi32, #tpu.memory_space<vmem>>
    %dma_wait3A_30 = arith.constant 0 : i32
    %dma_wait3A_31 = arith.constant 0 : i32
    %dma_wait3A_32 = tpu.memref_slice %arg2[%dma_wait3A_30, %dma_wait3A_31] : memref<1000x128xf32, #tpu.memory_space<hbm>> -> memref<1000x128xf32, #tpu.memory_space<hbm>>
    tpu.wait_indirect_dma semaphore(%arg13 : memref<!tpu.dma_semaphore, #tpu.memory_space<semaphore_mem>>) src(%dma_wait3A_32 : memref<1000x128xf32, #tpu.memory_space<hbm>>) dst(%arg9 : memref<80x128xf32, #tpu.memory_space<vmem>>)
    %mul3A_33 = arith.constant 320 : i32
    %mul3A_34 = arith.muli %add3A, %mul3A_33 : i32
    %add3A_35 = arith.constant 80 : i32
    %add3A_36 = arith.addi %mul3A_34, %add3A_35 : i32
    "tpu.region"() ({
      %run_scoped3A = tpu.sem_alloc : memref<!tpu.dma_semaphore, #tpu.memory_space<semaphore_mem>>
      %dma_start3A_92 = arith.constant 0 : i32
      %dma_start3A_93 = tpu.memref_slice %arg6[%add3A_36, %dma_start3A_92] : memref<10240x128xf32, #tpu.memory_space<hbm>> -> memref<80x128xf32, #tpu.memory_space<hbm>>
      %dma_start3A_94 = arith.constant 0 : i32
      %dma_start3A_95 = tpu.memref_slice %arg6[%add3A_36, %dma_start3A_94] : memref<10240x128xf32, #tpu.memory_space<hbm>> -> memref<80x128xf32, #tpu.memory_space<hbm>>
      tpu.enqueue_dma source(%arg9 : memref<80x128xf32, #tpu.memory_space<vmem>>) target(%dma_start3A_95 : memref<80x128xf32, #tpu.memory_space<hbm>>) target_semaphore(%run_scoped3A : memref<!tpu.dma_semaphore, #tpu.memory_space<semaphore_mem>>)
      %dma_wait3A_96 = arith.constant 0 : i32
      %dma_wait3A_97 = tpu.memref_slice %arg6[%add3A_36, %dma_wait3A_96] : memref<10240x128xf32, #tpu.memory_space<hbm>> -> memref<80x128xf32, #tpu.memory_space<hbm>>
      %dma_wait3A_98 = arith.constant 0 : i32
      %dma_wait3A_99 = tpu.memref_slice %arg6[%add3A_36, %dma_wait3A_98] : memref<10240x128xf32, #tpu.memory_space<hbm>> -> memref<80x128xf32, #tpu.memory_space<hbm>>
      tpu.wait_dma2 semaphore(%run_scoped3A : memref<!tpu.dma_semaphore, #tpu.memory_space<semaphore_mem>>) src(%arg9 : memref<80x128xf32, #tpu.memory_space<vmem>>) dst(%dma_wait3A_99 : memref<80x128xf32, #tpu.memory_space<hbm>>)
      tpu.yield
    }) : () -> ()
    %dma_start3A_37 = arith.constant 2 : i32
    %dma_start3A_38 = arith.constant 0 : i32
    %dma_start3A_39 = tpu.memref_slice %arg8[%dma_start3A_37, %dma_start3A_38] : memref<4x80xi32, #tpu.memory_space<vmem>> -> memref<1x80xi32, #tpu.memory_space<vmem>>
    %dma_start3A_40 = tpu.memref_squeeze %dma_start3A_39 : memref<1x80xi32, #tpu.memory_space<vmem>> -> memref<80xi32, #tpu.memory_space<vmem>>
    %dma_start3A_41 = arith.constant 0 : i32
    %dma_start3A_42 = arith.constant 0 : i32
    %dma_start3A_43 = tpu.memref_slice %arg2[%dma_start3A_41, %dma_start3A_42] : memref<1000x128xf32, #tpu.memory_space<hbm>> -> memref<1000x128xf32, #tpu.memory_space<hbm>>
    tpu.enqueue_indirect_dma source(%dma_start3A_43 : memref<1000x128xf32, #tpu.memory_space<hbm>>) target(%arg9 : memref<80x128xf32, #tpu.memory_space<vmem>>) offsets(%dma_start3A_40 : memref<80xi32, #tpu.memory_space<vmem>>) semaphore(%arg13 : memref<!tpu.dma_semaphore, #tpu.memory_space<semaphore_mem>>)
    %dma_wait3A_44 = arith.constant 2 : i32
    %dma_wait3A_45 = arith.constant 0 : i32
    %dma_wait3A_46 = tpu.memref_slice %arg8[%dma_wait3A_44, %dma_wait3A_45] : memref<4x80xi32, #tpu.memory_space<vmem>> -> memref<1x80xi32, #tpu.memory_space<vmem>>
    %dma_wait3A_47 = tpu.memref_squeeze %dma_wait3A_46 : memref<1x80xi32, #tpu.memory_space<vmem>> -> memref<80xi32, #tpu.memory_space<vmem>>
    %dma_wait3A_48 = arith.constant 0 : i32
    %dma_wait3A_49 = arith.constant 0 : i32
    %dma_wait3A_50 = tpu.memref_slice %arg2[%dma_wait3A_48, %dma_wait3A_49] : memref<1000x128xf32, #tpu.memory_space<hbm>> -> memref<1000x128xf32, #tpu.memory_space<hbm>>
    tpu.wait_indirect_dma semaphore(%arg13 : memref<!tpu.dma_semaphore, #tpu.memory_space<semaphore_mem>>) src(%dma_wait3A_50 : memref<1000x128xf32, #tpu.memory_space<hbm>>) dst(%arg9 : memref<80x128xf32, #tpu.memory_space<vmem>>)
    %mul3A_51 = arith.constant 320 : i32
    %mul3A_52 = arith.muli %add3A, %mul3A_51 : i32
    %add3A_53 = arith.constant 160 : i32
    %add3A_54 = arith.addi %mul3A_52, %add3A_53 : i32
    "tpu.region"() ({
      %run_scoped3A = tpu.sem_alloc : memref<!tpu.dma_semaphore, #tpu.memory_space<semaphore_mem>>
      %dma_start3A_92 = arith.constant 0 : i32
      %dma_start3A_93 = tpu.memref_slice %arg6[%add3A_54, %dma_start3A_92] : memref<10240x128xf32, #tpu.memory_space<hbm>> -> memref<80x128xf32, #tpu.memory_space<hbm>>
      %dma_start3A_94 = arith.constant 0 : i32
      %dma_start3A_95 = tpu.memref_slice %arg6[%add3A_54, %dma_start3A_94] : memref<10240x128xf32, #tpu.memory_space<hbm>> -> memref<80x128xf32, #tpu.memory_space<hbm>>
      tpu.enqueue_dma source(%arg9 : memref<80x128xf32, #tpu.memory_space<vmem>>) target(%dma_start3A_95 : memref<80x128xf32, #tpu.memory_space<hbm>>) target_semaphore(%run_scoped3A : memref<!tpu.dma_semaphore, #tpu.memory_space<semaphore_mem>>)
      %dma_wait3A_96 = arith.constant 0 : i32
      %dma_wait3A_97 = tpu.memref_slice %arg6[%add3A_54, %dma_wait3A_96] : memref<10240x128xf32, #tpu.memory_space<hbm>> -> memref<80x128xf32, #tpu.memory_space<hbm>>
      %dma_wait3A_98 = arith.constant 0 : i32
      %dma_wait3A_99 = tpu.memref_slice %arg6[%add3A_54, %dma_wait3A_98] : memref<10240x128xf32, #tpu.memory_space<hbm>> -> memref<80x128xf32, #tpu.memory_space<hbm>>
      tpu.wait_dma2 semaphore(%run_scoped3A : memref<!tpu.dma_semaphore, #tpu.memory_space<semaphore_mem>>) src(%arg9 : memref<80x128xf32, #tpu.memory_space<vmem>>) dst(%dma_wait3A_99 : memref<80x128xf32, #tpu.memory_space<hbm>>)
      tpu.yield
    }) : () -> ()
    %dma_start3A_55 = arith.constant 3 : i32
    %dma_start3A_56 = arith.constant 0 : i32
    %dma_start3A_57 = tpu.memref_slice %arg8[%dma_start3A_55, %dma_start3A_56] : memref<4x80xi32, #tpu.memory_space<vmem>> -> memref<1x80xi32, #tpu.memory_space<vmem>>
    %dma_start3A_58 = tpu.memref_squeeze %dma_start3A_57 : memref<1x80xi32, #tpu.memory_space<vmem>> -> memref<80xi32, #tpu.memory_space<vmem>>
    %dma_start3A_59 = arith.constant 0 : i32
    %dma_start3A_60 = arith.constant 0 : i32
    %dma_start3A_61 = tpu.memref_slice %arg2[%dma_start3A_59, %dma_start3A_60] : memref<1000x128xf32, #tpu.memory_space<hbm>> -> memref<1000x128xf32, #tpu.memory_space<hbm>>
    tpu.enqueue_indirect_dma source(%dma_start3A_61 : memref<1000x128xf32, #tpu.memory_space<hbm>>) target(%arg9 : memref<80x128xf32, #tpu.memory_space<vmem>>) offsets(%dma_start3A_58 : memref<80xi32, #tpu.memory_space<vmem>>) semaphore(%arg13 : memref<!tpu.dma_semaphore, #tpu.memory_space<semaphore_mem>>)
    %dma_wait3A_62 = arith.constant 3 : i32
    %dma_wait3A_63 = arith.constant 0 : i32
    %dma_wait3A_64 = tpu.memref_slice %arg8[%dma_wait3A_62, %dma_wait3A_63] : memref<4x80xi32, #tpu.memory_space<vmem>> -> memref<1x80xi32, #tpu.memory_space<vmem>>
    %dma_wait3A_65 = tpu.memref_squeeze %dma_wait3A_64 : memref<1x80xi32, #tpu.memory_space<vmem>> -> memref<80xi32, #tpu.memory_space<vmem>>
    %dma_wait3A_66 = arith.constant 0 : i32
    %dma_wait3A_67 = arith.constant 0 : i32
    %dma_wait3A_68 = tpu.memref_slice %arg2[%dma_wait3A_66, %dma_wait3A_67] : memref<1000x128xf32, #tpu.memory_space<hbm>> -> memref<1000x128xf32, #tpu.memory_space<hbm>>
    tpu.wait_indirect_dma semaphore(%arg13 : memref<!tpu.dma_semaphore, #tpu.memory_space<semaphore_mem>>) src(%dma_wait3A_68 : memref<1000x128xf32, #tpu.memory_space<hbm>>) dst(%arg9 : memref<80x128xf32, #tpu.memory_space<vmem>>)
    %mul3A_69 = arith.constant 320 : i32
    %mul3A_70 = arith.muli %add3A, %mul3A_69 : i32
    %add3A_71 = arith.constant 240 : i32
    %add3A_72 = arith.addi %mul3A_70, %add3A_71 : i32
    "tpu.region"() ({
      %run_scoped3A = tpu.sem_alloc : memref<!tpu.dma_semaphore, #tpu.memory_space<semaphore_mem>>
      %dma_start3A_92 = arith.constant 0 : i32
      %dma_start3A_93 = tpu.memref_slice %arg6[%add3A_72, %dma_start3A_92] : memref<10240x128xf32, #tpu.memory_space<hbm>> -> memref<80x128xf32, #tpu.memory_space<hbm>>
      %dma_start3A_94 = arith.constant 0 : i32
      %dma_start3A_95 = tpu.memref_slice %arg6[%add3A_72, %dma_start3A_94] : memref<10240x128xf32, #tpu.memory_space<hbm>> -> memref<80x128xf32, #tpu.memory_space<hbm>>
      tpu.enqueue_dma source(%arg9 : memref<80x128xf32, #tpu.memory_space<vmem>>) target(%dma_start3A_95 : memref<80x128xf32, #tpu.memory_space<hbm>>) target_semaphore(%run_scoped3A : memref<!tpu.dma_semaphore, #tpu.memory_space<semaphore_mem>>)
      %dma_wait3A_96 = arith.constant 0 : i32
      %dma_wait3A_97 = tpu.memref_slice %arg6[%add3A_72, %dma_wait3A_96] : memref<10240x128xf32, #tpu.memory_space<hbm>> -> memref<80x128xf32, #tpu.memory_space<hbm>>
      %dma_wait3A_98 = arith.constant 0 : i32
      %dma_wait3A_99 = tpu.memref_slice %arg6[%add3A_72, %dma_wait3A_98] : memref<10240x128xf32, #tpu.memory_space<hbm>> -> memref<80x128xf32, #tpu.memory_space<hbm>>
      tpu.wait_dma2 semaphore(%run_scoped3A : memref<!tpu.dma_semaphore, #tpu.memory_space<semaphore_mem>>) src(%arg9 : memref<80x128xf32, #tpu.memory_space<vmem>>) dst(%dma_wait3A_99 : memref<80x128xf32, #tpu.memory_space<hbm>>)
      tpu.yield
    }) : () -> ()
    "tpu.region"() ({
      %run_scoped3A = tpu.sem_alloc : memref<!tpu.dma_semaphore, #tpu.memory_space<semaphore_mem>>
      %dma_start3A_92 = arith.constant 0 : i32
      %dma_start3A_93 = arith.constant 0 : i32
      %dma_start3A_94 = tpu.memref_slice %arg4[%add3A, %dma_start3A_92, %dma_start3A_93] : memref<32x100x100xi32, #tpu.memory_space<hbm>> -> memref<1x100x100xi32, #tpu.memory_space<hbm>>
      %dma_start3A_95 = tpu.memref_squeeze %dma_start3A_94 : memref<1x100x100xi32, #tpu.memory_space<hbm>> -> memref<100x100xi32, #tpu.memory_space<hbm>>
      %dma_start3A_96 = arith.constant 0 : i32
      %dma_start3A_97 = arith.constant 0 : i32
      %dma_start3A_98 = tpu.memref_slice %arg4[%add3A, %dma_start3A_96, %dma_start3A_97] : memref<32x100x100xi32, #tpu.memory_space<hbm>> -> memref<1x100x100xi32, #tpu.memory_space<hbm>>
      %dma_start3A_99 = tpu.memref_squeeze %dma_start3A_98 : memref<1x100x100xi32, #tpu.memory_space<hbm>> -> memref<100x100xi32, #tpu.memory_space<hbm>>
      tpu.enqueue_dma source(%dma_start3A_99 : memref<100x100xi32, #tpu.memory_space<hbm>>) target(%arg10 : memref<100x100xi32, #tpu.memory_space<vmem>>) target_semaphore(%run_scoped3A : memref<!tpu.dma_semaphore, #tpu.memory_space<semaphore_mem>>)
      %dma_wait3A_100 = arith.constant 0 : i32
      %dma_wait3A_101 = arith.constant 0 : i32
      %dma_wait3A_102 = tpu.memref_slice %arg4[%add3A, %dma_wait3A_100, %dma_wait3A_101] : memref<32x100x100xi32, #tpu.memory_space<hbm>> -> memref<1x100x100xi32, #tpu.memory_space<hbm>>
      %dma_wait3A_103 = tpu.memref_squeeze %dma_wait3A_102 : memref<1x100x100xi32, #tpu.memory_space<hbm>> -> memref<100x100xi32, #tpu.memory_space<hbm>>
      %dma_wait3A_104 = arith.constant 0 : i32
      %dma_wait3A_105 = arith.constant 0 : i32
      %dma_wait3A_106 = tpu.memref_slice %arg4[%add3A, %dma_wait3A_104, %dma_wait3A_105] : memref<32x100x100xi32, #tpu.memory_space<hbm>> -> memref<1x100x100xi32, #tpu.memory_space<hbm>>
      %dma_wait3A_107 = tpu.memref_squeeze %dma_wait3A_106 : memref<1x100x100xi32, #tpu.memory_space<hbm>> -> memref<100x100xi32, #tpu.memory_space<hbm>>
      tpu.wait_dma2 semaphore(%run_scoped3A : memref<!tpu.dma_semaphore, #tpu.memory_space<semaphore_mem>>) src(%dma_wait3A_107 : memref<100x100xi32, #tpu.memory_space<hbm>>) dst(%arg10 : memref<100x100xi32, #tpu.memory_space<vmem>>)
      tpu.yield
    }) : () -> ()
    %broadcast_in_dim3A = arith.constant 1.000000e+00 : f32
    %broadcast_in_dim3A_73 = vector.broadcast %broadcast_in_dim3A : f32 to vector<16xf32>
    %scan3A = arith.constant 0 : i32
    %scan3A_74 = arith.constant 0 : i32
    %scan3A_75 = arith.constant 100 : i32
    %scan3A_76 = arith.addi %scan3A_74, %scan3A_75 : i32
    %scan3A_77 = arith.constant 1 : i32
    %scan3A_78 = scf.for %scan3A_92 = %scan3A_74 to %scan3A_76 step %scan3A_77 iter_args(%scan3A_93 = %scan3A) -> (i32)  : i32 {
      %swap3A = arith.index_cast %scan3A_92 : i32 to index
      %swap3A_94 = arith.constant 0 : index
      %swap3A_95 = tpu.vector_load %arg11[%swap3A, %swap3A_94] {strides = array<i32>} : memref<100x128xf32, #tpu.memory_space<vmem>>, vector<1x16xf32>,
      %swap3A_96 = vector.shape_cast %swap3A_95 : vector<1x16xf32> to vector<16xf32>
      %swap3A_97 = vector.shape_cast %broadcast_in_dim3A_73 : vector<16xf32> to vector<1x16xf32>
      tpu.vector_store %arg11[%swap3A, %swap3A_94], %swap3A_97 {strides = array<i32>} : memref<100x128xf32, #tpu.memory_space<vmem>>, vector<1x16xf32>,
      %swap3A_98 = arith.index_cast %scan3A_92 : i32 to index
      %swap3A_99 = arith.constant 16 : index
      %swap3A_100 = tpu.vector_load %arg11[%swap3A_98, %swap3A_99] {strides = array<i32>} : memref<100x128xf32, #tpu.memory_space<vmem>>, vector<1x16xf32>,
      %swap3A_101 = vector.shape_cast %swap3A_100 : vector<1x16xf32> to vector<16xf32>
      %swap3A_102 = vector.shape_cast %broadcast_in_dim3A_73 : vector<16xf32> to vector<1x16xf32>
      tpu.vector_store %arg11[%swap3A_98, %swap3A_99], %swap3A_102 {strides = array<i32>} : memref<100x128xf32, #tpu.memory_space<vmem>>, vector<1x16xf32>,
      %swap3A_103 = arith.index_cast %scan3A_92 : i32 to index
      %swap3A_104 = arith.constant 32 : index
      %swap3A_105 = tpu.vector_load %arg11[%swap3A_103, %swap3A_104] {strides = array<i32>} : memref<100x128xf32, #tpu.memory_space<vmem>>, vector<1x16xf32>,
      %swap3A_106 = vector.shape_cast %swap3A_105 : vector<1x16xf32> to vector<16xf32>
      %swap3A_107 = vector.shape_cast %broadcast_in_dim3A_73 : vector<16xf32> to vector<1x16xf32>
      tpu.vector_store %arg11[%swap3A_103, %swap3A_104], %swap3A_107 {strides = array<i32>} : memref<100x128xf32, #tpu.memory_space<vmem>>, vector<1x16xf32>,
      %swap3A_108 = arith.index_cast %scan3A_92 : i32 to index
      %swap3A_109 = arith.constant 48 : index
      %swap3A_110 = tpu.vector_load %arg11[%swap3A_108, %swap3A_109] {strides = array<i32>} : memref<100x128xf32, #tpu.memory_space<vmem>>, vector<1x16xf32>,
      %swap3A_111 = vector.shape_cast %swap3A_110 : vector<1x16xf32> to vector<16xf32>
      %swap3A_112 = vector.shape_cast %broadcast_in_dim3A_73 : vector<16xf32> to vector<1x16xf32>
      tpu.vector_store %arg11[%swap3A_108, %swap3A_109], %swap3A_112 {strides = array<i32>} : memref<100x128xf32, #tpu.memory_space<vmem>>, vector<1x16xf32>,
      %swap3A_113 = arith.index_cast %scan3A_92 : i32 to index
      %swap3A_114 = arith.constant 64 : index
      %swap3A_115 = tpu.vector_load %arg11[%swap3A_113, %swap3A_114] {strides = array<i32>} : memref<100x128xf32, #tpu.memory_space<vmem>>, vector<1x16xf32>,
      %swap3A_116 = vector.shape_cast %swap3A_115 : vector<1x16xf32> to vector<16xf32>
      %swap3A_117 = vector.shape_cast %broadcast_in_dim3A_73 : vector<16xf32> to vector<1x16xf32>
      tpu.vector_store %arg11[%swap3A_113, %swap3A_114], %swap3A_117 {strides = array<i32>} : memref<100x128xf32, #tpu.memory_space<vmem>>, vector<1x16xf32>,
      %swap3A_118 = arith.index_cast %scan3A_92 : i32 to index
      %swap3A_119 = arith.constant 80 : index
      %swap3A_120 = tpu.vector_load %arg11[%swap3A_118, %swap3A_119] {strides = array<i32>} : memref<100x128xf32, #tpu.memory_space<vmem>>, vector<1x16xf32>,
      %swap3A_121 = vector.shape_cast %swap3A_120 : vector<1x16xf32> to vector<16xf32>
      %swap3A_122 = vector.shape_cast %broadcast_in_dim3A_73 : vector<16xf32> to vector<1x16xf32>
      tpu.vector_store %arg11[%swap3A_118, %swap3A_119], %swap3A_122 {strides = array<i32>} : memref<100x128xf32, #tpu.memory_space<vmem>>, vector<1x16xf32>,
      %swap3A_123 = arith.index_cast %scan3A_92 : i32 to index
      %swap3A_124 = arith.constant 96 : index
      %swap3A_125 = tpu.vector_load %arg11[%swap3A_123, %swap3A_124] {strides = array<i32>} : memref<100x128xf32, #tpu.memory_space<vmem>>, vector<1x16xf32>,
      %swap3A_126 = vector.shape_cast %swap3A_125 : vector<1x16xf32> to vector<16xf32>
      %swap3A_127 = vector.shape_cast %broadcast_in_dim3A_73 : vector<16xf32> to vector<1x16xf32>
      tpu.vector_store %arg11[%swap3A_123, %swap3A_124], %swap3A_127 {strides = array<i32>} : memref<100x128xf32, #tpu.memory_space<vmem>>, vector<1x16xf32>,
      %swap3A_128 = arith.index_cast %scan3A_92 : i32 to index
      %swap3A_129 = arith.constant 112 : index
      %swap3A_130 = tpu.vector_load %arg11[%swap3A_128, %swap3A_129] {strides = array<i32>} : memref<100x128xf32, #tpu.memory_space<vmem>>, vector<1x16xf32>,
      %swap3A_131 = vector.shape_cast %swap3A_130 : vector<1x16xf32> to vector<16xf32>
      %swap3A_132 = vector.shape_cast %broadcast_in_dim3A_73 : vector<16xf32> to vector<1x16xf32>
      tpu.vector_store %arg11[%swap3A_128, %swap3A_129], %swap3A_132 {strides = array<i32>} : memref<100x128xf32, #tpu.memory_space<vmem>>, vector<1x16xf32>,
      %scan3A_133 = arith.constant 0 : i32
      scf.yield %scan3A_133 : i32
    }
    %scan3A_79 = arith.constant 100 : i32
    %scan3A_80 = arith.constant 0 : i32
    %scan3A_81 = arith.constant 0 : i32
    %scan3A_82 = arith.constant 50 : i32
    %scan3A_83 = arith.addi %scan3A_81, %scan3A_82 : i32
    %scan3A_84 = arith.constant 1 : i32
    %scan3A_85 = scf.for %scan3A_92 = %scan3A_81 to %scan3A_83 step %scan3A_84 iter_args(%scan3A_93 = %scan3A_80) -> (i32)  : i32 {
      %mul3A_94 = arith.constant 2 : i32
      %mul3A_95 = arith.muli %mul3A_94, %scan3A_92 : i32
      %dma_start3A_96 = arith.constant 0 : i32
      %dma_start3A_97 = tpu.memref_slice %arg10[%mul3A_95, %dma_start3A_96] : memref<100x100xi32, #tpu.memory_space<vmem>> -> memref<1x100xi32, #tpu.memory_space<vmem>>
      %dma_start3A_98 = tpu.memref_squeeze %dma_start3A_97 : memref<1x100xi32, #tpu.memory_space<vmem>> -> memref<100xi32, #tpu.memory_space<vmem>>
      %dma_start3A_99 = arith.constant 0 : i32
      %dma_start3A_100 = arith.constant 0 : i32
      %dma_start3A_101 = tpu.memref_slice %arg12[%dma_start3A_99, %dma_start3A_100] : memref<10240x128xf32, #tpu.memory_space<vmem_shared>> -> memref<10240x128xf32, #tpu.memory_space<vmem_shared>>
      tpu.enqueue_indirect_dma source(%arg11 : memref<100x128xf32, #tpu.memory_space<vmem>>) target(%dma_start3A_101 : memref<10240x128xf32, #tpu.memory_space<vmem_shared>>) offsets(%dma_start3A_98 : memref<100xi32, #tpu.memory_space<vmem>>) semaphore(%arg14 : memref<!tpu.dma_semaphore, #tpu.memory_space<semaphore_mem>>) {add = true}
      %add3A_102 = arith.constant 1 : i32
      %add3A_103 = arith.addi %mul3A_95, %add3A_102 : i32
      %dma_start3A_104 = arith.constant 0 : i32
      %dma_start3A_105 = tpu.memref_slice %arg10[%add3A_103, %dma_start3A_104] : memref<100x100xi32, #tpu.memory_space<vmem>> -> memref<1x100xi32, #tpu.memory_space<vmem>>
      %dma_start3A_106 = tpu.memref_squeeze %dma_start3A_105 : memref<1x100xi32, #tpu.memory_space<vmem>> -> memref<100xi32, #tpu.memory_space<vmem>>
      %dma_start3A_107 = arith.constant 0 : i32
      %dma_start3A_108 = arith.constant 0 : i32
      %dma_start3A_109 = tpu.memref_slice %arg12[%dma_start3A_107, %dma_start3A_108] : memref<10240x128xf32, #tpu.memory_space<vmem_shared>> -> memref<10240x128xf32, #tpu.memory_space<vmem_shared>>
      tpu.enqueue_indirect_dma source(%arg11 : memref<100x128xf32, #tpu.memory_space<vmem>>) target(%dma_start3A_109 : memref<10240x128xf32, #tpu.memory_space<vmem_shared>>) offsets(%dma_start3A_106 : memref<100xi32, #tpu.memory_space<vmem>>) semaphore(%arg15 : memref<!tpu.dma_semaphore, #tpu.memory_space<semaphore_mem>>) {add = true}
      %dma_wait3A_110 = arith.constant 0 : i32
      %dma_wait3A_111 = tpu.memref_slice %arg10[%mul3A_95, %dma_wait3A_110] : memref<100x100xi32, #tpu.memory_space<vmem>> -> memref<1x100xi32, #tpu.memory_space<vmem>>
      %dma_wait3A_112 = tpu.memref_squeeze %dma_wait3A_111 : memref<1x100xi32, #tpu.memory_space<vmem>> -> memref<100xi32, #tpu.memory_space<vmem>>
      %dma_wait3A_113 = arith.constant 0 : i32
      %dma_wait3A_114 = arith.constant 0 : i32
      %dma_wait3A_115 = tpu.memref_slice %arg12[%dma_wait3A_113, %dma_wait3A_114] : memref<10240x128xf32, #tpu.memory_space<vmem_shared>> -> memref<10240x128xf32, #tpu.memory_space<vmem_shared>>
      tpu.wait_indirect_dma semaphore(%arg14 : memref<!tpu.dma_semaphore, #tpu.memory_space<semaphore_mem>>) src(%arg11 : memref<100x128xf32, #tpu.memory_space<vmem>>) dst(%dma_wait3A_115 : memref<10240x128xf32, #tpu.memory_space<vmem_shared>>)
      %dma_wait3A_116 = arith.constant 0 : i32
      %dma_wait3A_117 = tpu.memref_slice %arg10[%add3A_103, %dma_wait3A_116] : memref<100x100xi32, #tpu.memory_space<vmem>> -> memref<1x100xi32, #tpu.memory_space<vmem>>
      %dma_wait3A_118 = tpu.memref_squeeze %dma_wait3A_117 : memref<1x100xi32, #tpu.memory_space<vmem>> -> memref<100xi32, #tpu.memory_space<vmem>>
      %dma_wait3A_119 = arith.constant 0 : i32
      %dma_wait3A_120 = arith.constant 0 : i32
      %dma_wait3A_121 = tpu.memref_slice %arg12[%dma_wait3A_119, %dma_wait3A_120] : memref<10240x128xf32, #tpu.memory_space<vmem_shared>> -> memref<10240x128xf32, #tpu.memory_space<vmem_shared>>
      tpu.wait_indirect_dma semaphore(%arg15 : memref<!tpu.dma_semaphore, #tpu.memory_space<semaphore_mem>>) src(%arg11 : memref<100x128xf32, #tpu.memory_space<vmem>>) dst(%dma_wait3A_121 : memref<10240x128xf32, #tpu.memory_space<vmem_shared>>)
      %scan3A_122 = arith.constant 0 : i32
      scf.yield %scan3A_122 : i32
    }
    %scan3A_86 = arith.constant 50 : i32
    %barrier3A_87 = arith.constant 0 : index
    tpu.barrier barrier_id(%barrier3A_87)
    %mul3A_88 = arith.constant 640 : i32
    %mul3A_89 = arith.muli %arg1, %mul3A_88 : i32
    %mul3A_90 = arith.constant 640 : i32
    %mul3A_91 = arith.muli %arg1, %mul3A_90 : i32
    "tpu.region"() ({
      %run_scoped3A = tpu.sem_alloc : memref<!tpu.dma_semaphore, #tpu.memory_space<semaphore_mem>>
      %dma_start3A_92 = arith.constant 0 : i32
      %dma_start3A_93 = tpu.memref_slice %arg7[%arg0, %mul3A_91, %dma_start3A_92] : memref<2x10240x128xf32, #tpu.memory_space<hbm>> -> memref<1x640x128xf32, #tpu.memory_space<hbm>>
      %dma_start3A_94 = tpu.memref_squeeze %dma_start3A_93 : memref<1x640x128xf32, #tpu.memory_space<hbm>> -> memref<640x128xf32, #tpu.memory_space<hbm>>
      %dma_start3A_95 = arith.constant 0 : i32
      %dma_start3A_96 = tpu.memref_slice %arg12[%mul3A_89, %dma_start3A_95] : memref<10240x128xf32, #tpu.memory_space<vmem_shared>> -> memref<640x128xf32, #tpu.memory_space<vmem_shared>>
      tpu.enqueue_dma source(%dma_start3A_96 : memref<640x128xf32, #tpu.memory_space<vmem_shared>>) target(%dma_start3A_94 : memref<640x128xf32, #tpu.memory_space<hbm>>) target_semaphore(%run_scoped3A : memref<!tpu.dma_semaphore, #tpu.memory_space<semaphore_mem>>)
      %dma_wait3A_97 = arith.constant 0 : i32
      %dma_wait3A_98 = tpu.memref_slice %arg7[%arg0, %mul3A_91, %dma_wait3A_97] : memref<2x10240x128xf32, #tpu.memory_space<hbm>> -> memref<1x640x128xf32, #tpu.memory_space<hbm>>
      %dma_wait3A_99 = tpu.memref_squeeze %dma_wait3A_98 : memref<1x640x128xf32, #tpu.memory_space<hbm>> -> memref<640x128xf32, #tpu.memory_space<hbm>>
      %dma_wait3A_100 = arith.constant 0 : i32
      %dma_wait3A_101 = tpu.memref_slice %arg12[%mul3A_89, %dma_wait3A_100] : memref<10240x128xf32, #tpu.memory_space<vmem_shared>> -> memref<640x128xf32, #tpu.memory_space<vmem_shared>>
      tpu.wait_dma2 semaphore(%run_scoped3A : memref<!tpu.dma_semaphore, #tpu.memory_space<semaphore_mem>>) src(%dma_wait3A_101 : memref<640x128xf32, #tpu.memory_space<vmem_shared>>) dst(%dma_wait3A_99 : memref<640x128xf32, #tpu.memory_space<hbm>>)
      tpu.yield
    }) : () -> ()
    return
  }
}

#map = affine_map<(d0, d1) -> (0, 0)>
#map1 = affine_map<(d0, d1) -> (0, 0, 0)>
module attributes {stable_mosaic.version = 14 : i64} {
  func.func @_sc_edge_body(%arg0: i32, %arg1: i32, %arg2: memref<10240x128xf32, #tpu.memory_space<hbm>>, %arg3: memref<32x100x100xi32, #tpu.memory_space<hbm>>, %arg4: memref<32x100x100xi32, #tpu.memory_space<hbm>>, %arg5: memref<640x128xf32, #tpu.memory_space<hbm>>, %arg6: memref<2x10240x128xf32, #tpu.memory_space<hbm>>, %arg7: memref<100x100xi32, #tpu.memory_space<vmem>>, %arg8: memref<1x100xi32, #tpu.memory_space<vmem>>, %arg9: memref<1x100xi32, #tpu.memory_space<vmem>>, %arg10: memref<100x128xf32, #tpu.memory_space<vmem>>, %arg11: memref<100x128xf32, #tpu.memory_space<vmem>>, %arg12: memref<10240x128xf32, #tpu.memory_space<vmem_shared>>, %arg13: memref<!tpu.dma_semaphore, #tpu.memory_space<semaphore_mem>>, %arg14: memref<!tpu.dma_semaphore, #tpu.memory_space<semaphore_mem>>, %arg15: memref<!tpu.dma_semaphore, #tpu.memory_space<semaphore_mem>>, %arg16: memref<!tpu.dma_semaphore, #tpu.memory_space<semaphore_mem>>) attributes {dimension_semantics = [#tpu.dimension_semantics<core_parallel>, #tpu.dimension_semantics<subcore_parallel>], iteration_bounds = array<i64: 2, 16>, scalar_prefetch = 0 : i64, scratch_operands = 10 : i64, tpu.core_type = #tpu.core_type<sc_vector_subcore>, window_params = [{transform_indices = #map}, {transform_indices = #map1}, {transform_indices = #map1}, {transform_indices = #map}, {transform_indices = #map1}]} {
    %mul3A = arith.constant 16 : i32
    %mul3A_0 = arith.muli %arg0, %mul3A : i32
    %add3A = arith.addi %mul3A_0, %arg1 : i32
    %mul3A_1 = arith.constant 640 : i32
    %mul3A_2 = arith.muli %arg1, %mul3A_1 : i32
    "tpu.region"() ({
      %run_scoped3A = tpu.sem_alloc : memref<!tpu.dma_semaphore, #tpu.memory_space<semaphore_mem>>
      %dma_start3A = arith.constant 0 : i32
      %dma_start3A_14 = tpu.memref_slice %arg12[%mul3A_2, %dma_start3A] : memref<10240x128xf32, #tpu.memory_space<vmem_shared>> -> memref<640x128xf32, #tpu.memory_space<vmem_shared>>
      tpu.enqueue_dma source(%arg5 : memref<640x128xf32, #tpu.memory_space<hbm>>) target(%dma_start3A_14 : memref<640x128xf32, #tpu.memory_space<vmem_shared>>) target_semaphore(%run_scoped3A : memref<!tpu.dma_semaphore, #tpu.memory_space<semaphore_mem>>)
      %dma_wait3A = arith.constant 0 : i32
      %dma_wait3A_15 = tpu.memref_slice %arg12[%mul3A_2, %dma_wait3A] : memref<10240x128xf32, #tpu.memory_space<vmem_shared>> -> memref<640x128xf32, #tpu.memory_space<vmem_shared>>
      tpu.wait_dma2 semaphore(%run_scoped3A : memref<!tpu.dma_semaphore, #tpu.memory_space<semaphore_mem>>) src(%arg5 : memref<640x128xf32, #tpu.memory_space<hbm>>) dst(%dma_wait3A_15 : memref<640x128xf32, #tpu.memory_space<vmem_shared>>)
      tpu.yield
    }) : () -> ()
    "tpu.region"() ({
      %run_scoped3A = tpu.sem_alloc : memref<!tpu.dma_semaphore, #tpu.memory_space<semaphore_mem>>
      %dma_start3A = arith.constant 0 : i32
      %dma_start3A_14 = arith.constant 0 : i32
      %dma_start3A_15 = tpu.memref_slice %arg3[%add3A, %dma_start3A, %dma_start3A_14] : memref<32x100x100xi32, #tpu.memory_space<hbm>> -> memref<1x100x100xi32, #tpu.memory_space<hbm>>
      %dma_start3A_16 = tpu.memref_squeeze %dma_start3A_15 : memref<1x100x100xi32, #tpu.memory_space<hbm>> -> memref<100x100xi32, #tpu.memory_space<hbm>>
      %dma_start3A_17 = arith.constant 0 : i32
      %dma_start3A_18 = arith.constant 0 : i32
      %dma_start3A_19 = tpu.memref_slice %arg3[%add3A, %dma_start3A_17, %dma_start3A_18] : memref<32x100x100xi32, #tpu.memory_space<hbm>> -> memref<1x100x100xi32, #tpu.memory_space<hbm>>
      %dma_start3A_20 = tpu.memref_squeeze %dma_start3A_19 : memref<1x100x100xi32, #tpu.memory_space<hbm>> -> memref<100x100xi32, #tpu.memory_space<hbm>>
      tpu.enqueue_dma source(%dma_start3A_20 : memref<100x100xi32, #tpu.memory_space<hbm>>) target(%arg7 : memref<100x100xi32, #tpu.memory_space<vmem>>) target_semaphore(%run_scoped3A : memref<!tpu.dma_semaphore, #tpu.memory_space<semaphore_mem>>)
      %dma_wait3A = arith.constant 0 : i32
      %dma_wait3A_21 = arith.constant 0 : i32
      %dma_wait3A_22 = tpu.memref_slice %arg3[%add3A, %dma_wait3A, %dma_wait3A_21] : memref<32x100x100xi32, #tpu.memory_space<hbm>> -> memref<1x100x100xi32, #tpu.memory_space<hbm>>
      %dma_wait3A_23 = tpu.memref_squeeze %dma_wait3A_22 : memref<1x100x100xi32, #tpu.memory_space<hbm>> -> memref<100x100xi32, #tpu.memory_space<hbm>>
      %dma_wait3A_24 = arith.constant 0 : i32
      %dma_wait3A_25 = arith.constant 0 : i32
      %dma_wait3A_26 = tpu.memref_slice %arg3[%add3A, %dma_wait3A_24, %dma_wait3A_25] : memref<32x100x100xi32, #tpu.memory_space<hbm>> -> memref<1x100x100xi32, #tpu.memory_space<hbm>>
      %dma_wait3A_27 = tpu.memref_squeeze %dma_wait3A_26 : memref<1x100x100xi32, #tpu.memory_space<hbm>> -> memref<100x100xi32, #tpu.memory_space<hbm>>
      tpu.wait_dma2 semaphore(%run_scoped3A : memref<!tpu.dma_semaphore, #tpu.memory_space<semaphore_mem>>) src(%dma_wait3A_27 : memref<100x100xi32, #tpu.memory_space<hbm>>) dst(%arg7 : memref<100x100xi32, #tpu.memory_space<vmem>>)
      tpu.yield
    }) : () -> ()
    %barrier3A = arith.constant 0 : index
    tpu.barrier barrier_id(%barrier3A)
    %scan3A = arith.constant 0 : i32
    %scan3A_3 = arith.constant 0 : i32
    %scan3A_4 = arith.constant 50 : i32
    %scan3A_5 = arith.addi %scan3A_3, %scan3A_4 : i32
    %scan3A_6 = arith.constant 1 : i32
    %scan3A_7 = scf.for %scan3A_14 = %scan3A_3 to %scan3A_5 step %scan3A_6 iter_args(%scan3A_15 = %scan3A) -> (i32)  : i32 {
      %mul3A_16 = arith.constant 2 : i32
      %mul3A_17 = arith.muli %mul3A_16, %scan3A_14 : i32
      %dma_start3A = arith.constant 0 : i32
      %dma_start3A_18 = arith.constant 0 : i32
      %dma_start3A_19 = tpu.memref_slice %arg8[%dma_start3A, %dma_start3A_18] : memref<1x100xi32, #tpu.memory_space<vmem>> -> memref<1x100xi32, #tpu.memory_space<vmem>>
      %dma_start3A_20 = tpu.memref_squeeze %dma_start3A_19 : memref<1x100xi32, #tpu.memory_space<vmem>> -> memref<100xi32, #tpu.memory_space<vmem>>
      %dma_start3A_21 = arith.constant 0 : i32
      %dma_start3A_22 = tpu.memref_slice %arg4[%add3A, %mul3A_17, %dma_start3A_21] : memref<32x100x100xi32, #tpu.memory_space<hbm>> -> memref<1x1x100xi32, #tpu.memory_space<hbm>>
      %dma_start3A_23 = tpu.memref_squeeze %dma_start3A_22 : memref<1x1x100xi32, #tpu.memory_space<hbm>> -> memref<100xi32, #tpu.memory_space<hbm>>
      %dma_start3A_24 = arith.constant 0 : i32
      %dma_start3A_25 = tpu.memref_slice %arg8[%dma_start3A, %dma_start3A_24] : memref<1x100xi32, #tpu.memory_space<vmem>> -> memref<1x100xi32, #tpu.memory_space<vmem>>
      %dma_start3A_26 = tpu.memref_squeeze %dma_start3A_25 : memref<1x100xi32, #tpu.memory_space<vmem>> -> memref<100xi32, #tpu.memory_space<vmem>>
      %dma_start3A_27 = arith.constant 0 : i32
      %dma_start3A_28 = tpu.memref_slice %arg4[%add3A, %mul3A_17, %dma_start3A_27] : memref<32x100x100xi32, #tpu.memory_space<hbm>> -> memref<1x1x100xi32, #tpu.memory_space<hbm>>
      %dma_start3A_29 = tpu.memref_squeeze %dma_start3A_28 : memref<1x1x100xi32, #tpu.memory_space<hbm>> -> memref<100xi32, #tpu.memory_space<hbm>>
      tpu.enqueue_dma source(%dma_start3A_29 : memref<100xi32, #tpu.memory_space<hbm>>) target(%dma_start3A_26 : memref<100xi32, #tpu.memory_space<vmem>>) target_semaphore(%arg13 : memref<!tpu.dma_semaphore, #tpu.memory_space<semaphore_mem>>)
      %add3A_30 = arith.constant 1 : i32
      %add3A_31 = arith.addi %mul3A_17, %add3A_30 : i32
      %dma_start3A_32 = arith.constant 0 : i32
      %dma_start3A_33 = arith.constant 0 : i32
      %dma_start3A_34 = tpu.memref_slice %arg9[%dma_start3A_32, %dma_start3A_33] : memref<1x100xi32, #tpu.memory_space<vmem>> -> memref<1x100xi32, #tpu.memory_space<vmem>>
      %dma_start3A_35 = tpu.memref_squeeze %dma_start3A_34 : memref<1x100xi32, #tpu.memory_space<vmem>> -> memref<100xi32, #tpu.memory_space<vmem>>
      %dma_start3A_36 = arith.constant 0 : i32
      %dma_start3A_37 = tpu.memref_slice %arg4[%add3A, %add3A_31, %dma_start3A_36] : memref<32x100x100xi32, #tpu.memory_space<hbm>> -> memref<1x1x100xi32, #tpu.memory_space<hbm>>
      %dma_start3A_38 = tpu.memref_squeeze %dma_start3A_37 : memref<1x1x100xi32, #tpu.memory_space<hbm>> -> memref<100xi32, #tpu.memory_space<hbm>>
      %dma_start3A_39 = arith.constant 0 : i32
      %dma_start3A_40 = tpu.memref_slice %arg9[%dma_start3A_32, %dma_start3A_39] : memref<1x100xi32, #tpu.memory_space<vmem>> -> memref<1x100xi32, #tpu.memory_space<vmem>>
      %dma_start3A_41 = tpu.memref_squeeze %dma_start3A_40 : memref<1x100xi32, #tpu.memory_space<vmem>> -> memref<100xi32, #tpu.memory_space<vmem>>
      %dma_start3A_42 = arith.constant 0 : i32
      %dma_start3A_43 = tpu.memref_slice %arg4[%add3A, %add3A_31, %dma_start3A_42] : memref<32x100x100xi32, #tpu.memory_space<hbm>> -> memref<1x1x100xi32, #tpu.memory_space<hbm>>
      %dma_start3A_44 = tpu.memref_squeeze %dma_start3A_43 : memref<1x1x100xi32, #tpu.memory_space<hbm>> -> memref<100xi32, #tpu.memory_space<hbm>>
      tpu.enqueue_dma source(%dma_start3A_44 : memref<100xi32, #tpu.memory_space<hbm>>) target(%dma_start3A_41 : memref<100xi32, #tpu.memory_space<vmem>>) target_semaphore(%arg14 : memref<!tpu.dma_semaphore, #tpu.memory_space<semaphore_mem>>)
      %dma_start3A_45 = arith.constant 0 : i32
      %dma_start3A_46 = tpu.memref_slice %arg7[%mul3A_17, %dma_start3A_45] : memref<100x100xi32, #tpu.memory_space<vmem>> -> memref<1x100xi32, #tpu.memory_space<vmem>>
      %dma_start3A_47 = tpu.memref_squeeze %dma_start3A_46 : memref<1x100xi32, #tpu.memory_space<vmem>> -> memref<100xi32, #tpu.memory_space<vmem>>
      %dma_start3A_48 = arith.constant 0 : i32
      %dma_start3A_49 = arith.constant 0 : i32
      %dma_start3A_50 = tpu.memref_slice %arg2[%dma_start3A_48, %dma_start3A_49] : memref<10240x128xf32, #tpu.memory_space<hbm>> -> memref<10240x128xf32, #tpu.memory_space<hbm>>
      tpu.enqueue_indirect_dma source(%dma_start3A_50 : memref<10240x128xf32, #tpu.memory_space<hbm>>) target(%arg10 : memref<100x128xf32, #tpu.memory_space<vmem>>) offsets(%dma_start3A_47 : memref<100xi32, #tpu.memory_space<vmem>>) semaphore(%arg15 : memref<!tpu.dma_semaphore, #tpu.memory_space<semaphore_mem>>)
      %add3A_51 = arith.constant 1 : i32
      %add3A_52 = arith.addi %mul3A_17, %add3A_51 : i32
      %dma_start3A_53 = arith.constant 0 : i32
      %dma_start3A_54 = tpu.memref_slice %arg7[%add3A_52, %dma_start3A_53] : memref<100x100xi32, #tpu.memory_space<vmem>> -> memref<1x100xi32, #tpu.memory_space<vmem>>
      %dma_start3A_55 = tpu.memref_squeeze %dma_start3A_54 : memref<1x100xi32, #tpu.memory_space<vmem>> -> memref<100xi32, #tpu.memory_space<vmem>>
      %dma_start3A_56 = arith.constant 0 : i32
      %dma_start3A_57 = arith.constant 0 : i32
      %dma_start3A_58 = tpu.memref_slice %arg2[%dma_start3A_56, %dma_start3A_57] : memref<10240x128xf32, #tpu.memory_space<hbm>> -> memref<10240x128xf32, #tpu.memory_space<hbm>>
      tpu.enqueue_indirect_dma source(%dma_start3A_58 : memref<10240x128xf32, #tpu.memory_space<hbm>>) target(%arg11 : memref<100x128xf32, #tpu.memory_space<vmem>>) offsets(%dma_start3A_55 : memref<100xi32, #tpu.memory_space<vmem>>) semaphore(%arg16 : memref<!tpu.dma_semaphore, #tpu.memory_space<semaphore_mem>>)
      %dma_wait3A = arith.constant 0 : i32
      %dma_wait3A_59 = tpu.memref_slice %arg7[%mul3A_17, %dma_wait3A] : memref<100x100xi32, #tpu.memory_space<vmem>> -> memref<1x100xi32, #tpu.memory_space<vmem>>
      %dma_wait3A_60 = tpu.memref_squeeze %dma_wait3A_59 : memref<1x100xi32, #tpu.memory_space<vmem>> -> memref<100xi32, #tpu.memory_space<vmem>>
      %dma_wait3A_61 = arith.constant 0 : i32
      %dma_wait3A_62 = arith.constant 0 : i32
      %dma_wait3A_63 = tpu.memref_slice %arg2[%dma_wait3A_61, %dma_wait3A_62] : memref<10240x128xf32, #tpu.memory_space<hbm>> -> memref<10240x128xf32, #tpu.memory_space<hbm>>
      tpu.wait_indirect_dma semaphore(%arg15 : memref<!tpu.dma_semaphore, #tpu.memory_space<semaphore_mem>>) src(%dma_wait3A_63 : memref<10240x128xf32, #tpu.memory_space<hbm>>) dst(%arg10 : memref<100x128xf32, #tpu.memory_space<vmem>>)
      %dma_wait3A_64 = arith.constant 0 : i32
      %dma_wait3A_65 = arith.constant 0 : i32
      %dma_wait3A_66 = tpu.memref_slice %arg8[%dma_wait3A_64, %dma_wait3A_65] : memref<1x100xi32, #tpu.memory_space<vmem>> -> memref<1x100xi32, #tpu.memory_space<vmem>>
      %dma_wait3A_67 = tpu.memref_squeeze %dma_wait3A_66 : memref<1x100xi32, #tpu.memory_space<vmem>> -> memref<100xi32, #tpu.memory_space<vmem>>
      %dma_wait3A_68 = arith.constant 0 : i32
      %dma_wait3A_69 = tpu.memref_slice %arg4[%add3A, %mul3A_17, %dma_wait3A_68] : memref<32x100x100xi32, #tpu.memory_space<hbm>> -> memref<1x1x100xi32, #tpu.memory_space<hbm>>
      %dma_wait3A_70 = tpu.memref_squeeze %dma_wait3A_69 : memref<1x1x100xi32, #tpu.memory_space<hbm>> -> memref<100xi32, #tpu.memory_space<hbm>>
      %dma_wait3A_71 = arith.constant 0 : i32
      %dma_wait3A_72 = tpu.memref_slice %arg8[%dma_wait3A_64, %dma_wait3A_71] : memref<1x100xi32, #tpu.memory_space<vmem>> -> memref<1x100xi32, #tpu.memory_space<vmem>>
      %dma_wait3A_73 = tpu.memref_squeeze %dma_wait3A_72 : memref<1x100xi32, #tpu.memory_space<vmem>> -> memref<100xi32, #tpu.memory_space<vmem>>
      %dma_wait3A_74 = arith.constant 0 : i32
      %dma_wait3A_75 = tpu.memref_slice %arg4[%add3A, %mul3A_17, %dma_wait3A_74] : memref<32x100x100xi32, #tpu.memory_space<hbm>> -> memref<1x1x100xi32, #tpu.memory_space<hbm>>
      %dma_wait3A_76 = tpu.memref_squeeze %dma_wait3A_75 : memref<1x1x100xi32, #tpu.memory_space<hbm>> -> memref<100xi32, #tpu.memory_space<hbm>>
      tpu.wait_dma2 semaphore(%arg13 : memref<!tpu.dma_semaphore, #tpu.memory_space<semaphore_mem>>) src(%dma_wait3A_76 : memref<100xi32, #tpu.memory_space<hbm>>) dst(%dma_wait3A_73 : memref<100xi32, #tpu.memory_space<vmem>>)
      %run_scoped3A = arith.constant 0 : i32
      "tpu.region"() ({
        %run_scoped3A_98 = tpu.sem_alloc : memref<!tpu.dma_semaphore, #tpu.memory_space<semaphore_mem>>
        %dma_start3A_99 = arith.constant 0 : i32
        %dma_start3A_100 = tpu.memref_slice %arg8[%run_scoped3A, %dma_start3A_99] : memref<1x100xi32, #tpu.memory_space<vmem>> -> memref<1x100xi32, #tpu.memory_space<vmem>>
        %dma_start3A_101 = tpu.memref_squeeze %dma_start3A_100 : memref<1x100xi32, #tpu.memory_space<vmem>> -> memref<100xi32, #tpu.memory_space<vmem>>
        %dma_start3A_102 = arith.constant 0 : i32
        %dma_start3A_103 = arith.constant 0 : i32
        %dma_start3A_104 = tpu.memref_slice %arg12[%dma_start3A_102, %dma_start3A_103] : memref<10240x128xf32, #tpu.memory_space<vmem_shared>> -> memref<10240x128xf32, #tpu.memory_space<vmem_shared>>
        tpu.enqueue_indirect_dma source(%arg10 : memref<100x128xf32, #tpu.memory_space<vmem>>) target(%dma_start3A_104 : memref<10240x128xf32, #tpu.memory_space<vmem_shared>>) offsets(%dma_start3A_101 : memref<100xi32, #tpu.memory_space<vmem>>) semaphore(%run_scoped3A_98 : memref<!tpu.dma_semaphore, #tpu.memory_space<semaphore_mem>>) {add = true}
        %dma_wait3A_105 = arith.constant 0 : i32
        %dma_wait3A_106 = tpu.memref_slice %arg8[%run_scoped3A, %dma_wait3A_105] : memref<1x100xi32, #tpu.memory_space<vmem>> -> memref<1x100xi32, #tpu.memory_space<vmem>>
        %dma_wait3A_107 = tpu.memref_squeeze %dma_wait3A_106 : memref<1x100xi32, #tpu.memory_space<vmem>> -> memref<100xi32, #tpu.memory_space<vmem>>
        %dma_wait3A_108 = arith.constant 0 : i32
        %dma_wait3A_109 = arith.constant 0 : i32
        %dma_wait3A_110 = tpu.memref_slice %arg12[%dma_wait3A_108, %dma_wait3A_109] : memref<10240x128xf32, #tpu.memory_space<vmem_shared>> -> memref<10240x128xf32, #tpu.memory_space<vmem_shared>>
        tpu.wait_indirect_dma semaphore(%run_scoped3A_98 : memref<!tpu.dma_semaphore, #tpu.memory_space<semaphore_mem>>) src(%arg10 : memref<100x128xf32, #tpu.memory_space<vmem>>) dst(%dma_wait3A_110 : memref<10240x128xf32, #tpu.memory_space<vmem_shared>>)
        tpu.yield
      }) : () -> ()
      %dma_wait3A_77 = arith.constant 0 : i32
      %dma_wait3A_78 = tpu.memref_slice %arg7[%add3A_52, %dma_wait3A_77] : memref<100x100xi32, #tpu.memory_space<vmem>> -> memref<1x100xi32, #tpu.memory_space<vmem>>
      %dma_wait3A_79 = tpu.memref_squeeze %dma_wait3A_78 : memref<1x100xi32, #tpu.memory_space<vmem>> -> memref<100xi32, #tpu.memory_space<vmem>>
      %dma_wait3A_80 = arith.constant 0 : i32
      %dma_wait3A_81 = arith.constant 0 : i32
      %dma_wait3A_82 = tpu.memref_slice %arg2[%dma_wait3A_80, %dma_wait3A_81] : memref<10240x128xf32, #tpu.memory_space<hbm>> -> memref<10240x128xf32, #tpu.memory_space<hbm>>
      tpu.wait_indirect_dma semaphore(%arg16 : memref<!tpu.dma_semaphore, #tpu.memory_space<semaphore_mem>>) src(%dma_wait3A_82 : memref<10240x128xf32, #tpu.memory_space<hbm>>) dst(%arg11 : memref<100x128xf32, #tpu.memory_space<vmem>>)
      %dma_wait3A_83 = arith.constant 0 : i32
      %dma_wait3A_84 = arith.constant 0 : i32
      %dma_wait3A_85 = tpu.memref_slice %arg9[%dma_wait3A_83, %dma_wait3A_84] : memref<1x100xi32, #tpu.memory_space<vmem>> -> memref<1x100xi32, #tpu.memory_space<vmem>>
      %dma_wait3A_86 = tpu.memref_squeeze %dma_wait3A_85 : memref<1x100xi32, #tpu.memory_space<vmem>> -> memref<100xi32, #tpu.memory_space<vmem>>
      %dma_wait3A_87 = arith.constant 0 : i32
      %dma_wait3A_88 = tpu.memref_slice %arg4[%add3A, %add3A_31, %dma_wait3A_87] : memref<32x100x100xi32, #tpu.memory_space<hbm>> -> memref<1x1x100xi32, #tpu.memory_space<hbm>>
      %dma_wait3A_89 = tpu.memref_squeeze %dma_wait3A_88 : memref<1x1x100xi32, #tpu.memory_space<hbm>> -> memref<100xi32, #tpu.memory_space<hbm>>
      %dma_wait3A_90 = arith.constant 0 : i32
      %dma_wait3A_91 = tpu.memref_slice %arg9[%dma_wait3A_83, %dma_wait3A_90] : memref<1x100xi32, #tpu.memory_space<vmem>> -> memref<1x100xi32, #tpu.memory_space<vmem>>
      %dma_wait3A_92 = tpu.memref_squeeze %dma_wait3A_91 : memref<1x100xi32, #tpu.memory_space<vmem>> -> memref<100xi32, #tpu.memory_space<vmem>>
      %dma_wait3A_93 = arith.constant 0 : i32
      %dma_wait3A_94 = tpu.memref_slice %arg4[%add3A, %add3A_31, %dma_wait3A_93] : memref<32x100x100xi32, #tpu.memory_space<hbm>> -> memref<1x1x100xi32, #tpu.memory_space<hbm>>
      %dma_wait3A_95 = tpu.memref_squeeze %dma_wait3A_94 : memref<1x1x100xi32, #tpu.memory_space<hbm>> -> memref<100xi32, #tpu.memory_space<hbm>>
      tpu.wait_dma2 semaphore(%arg14 : memref<!tpu.dma_semaphore, #tpu.memory_space<semaphore_mem>>) src(%dma_wait3A_95 : memref<100xi32, #tpu.memory_space<hbm>>) dst(%dma_wait3A_92 : memref<100xi32, #tpu.memory_space<vmem>>)
      %run_scoped3A_96 = arith.constant 0 : i32
      "tpu.region"() ({
        %run_scoped3A_98 = tpu.sem_alloc : memref<!tpu.dma_semaphore, #tpu.memory_space<semaphore_mem>>
        %dma_start3A_99 = arith.constant 0 : i32
        %dma_start3A_100 = tpu.memref_slice %arg9[%run_scoped3A_96, %dma_start3A_99] : memref<1x100xi32, #tpu.memory_space<vmem>> -> memref<1x100xi32, #tpu.memory_space<vmem>>
        %dma_start3A_101 = tpu.memref_squeeze %dma_start3A_100 : memref<1x100xi32, #tpu.memory_space<vmem>> -> memref<100xi32, #tpu.memory_space<vmem>>
        %dma_start3A_102 = arith.constant 0 : i32
        %dma_start3A_103 = arith.constant 0 : i32
        %dma_start3A_104 = tpu.memref_slice %arg12[%dma_start3A_102, %dma_start3A_103] : memref<10240x128xf32, #tpu.memory_space<vmem_shared>> -> memref<10240x128xf32, #tpu.memory_space<vmem_shared>>
        tpu.enqueue_indirect_dma source(%arg11 : memref<100x128xf32, #tpu.memory_space<vmem>>) target(%dma_start3A_104 : memref<10240x128xf32, #tpu.memory_space<vmem_shared>>) offsets(%dma_start3A_101 : memref<100xi32, #tpu.memory_space<vmem>>) semaphore(%run_scoped3A_98 : memref<!tpu.dma_semaphore, #tpu.memory_space<semaphore_mem>>) {add = true}
        %dma_wait3A_105 = arith.constant 0 : i32
        %dma_wait3A_106 = tpu.memref_slice %arg9[%run_scoped3A_96, %dma_wait3A_105] : memref<1x100xi32, #tpu.memory_space<vmem>> -> memref<1x100xi32, #tpu.memory_space<vmem>>
        %dma_wait3A_107 = tpu.memref_squeeze %dma_wait3A_106 : memref<1x100xi32, #tpu.memory_space<vmem>> -> memref<100xi32, #tpu.memory_space<vmem>>
        %dma_wait3A_108 = arith.constant 0 : i32
        %dma_wait3A_109 = arith.constant 0 : i32
        %dma_wait3A_110 = tpu.memref_slice %arg12[%dma_wait3A_108, %dma_wait3A_109] : memref<10240x128xf32, #tpu.memory_space<vmem_shared>> -> memref<10240x128xf32, #tpu.memory_space<vmem_shared>>
        tpu.wait_indirect_dma semaphore(%run_scoped3A_98 : memref<!tpu.dma_semaphore, #tpu.memory_space<semaphore_mem>>) src(%arg11 : memref<100x128xf32, #tpu.memory_space<vmem>>) dst(%dma_wait3A_110 : memref<10240x128xf32, #tpu.memory_space<vmem_shared>>)
        tpu.yield
      }) : () -> ()
      %scan3A_97 = arith.constant 0 : i32
      scf.yield %scan3A_97 : i32
    }
    %scan3A_8 = arith.constant 50 : i32
    %barrier3A_9 = arith.constant 0 : index
    tpu.barrier barrier_id(%barrier3A_9)
    %mul3A_10 = arith.constant 640 : i32
    %mul3A_11 = arith.muli %arg1, %mul3A_10 : i32
    %mul3A_12 = arith.constant 640 : i32
    %mul3A_13 = arith.muli %arg1, %mul3A_12 : i32
    "tpu.region"() ({
      %run_scoped3A = tpu.sem_alloc : memref<!tpu.dma_semaphore, #tpu.memory_space<semaphore_mem>>
      %dma_start3A = arith.constant 0 : i32
      %dma_start3A_14 = tpu.memref_slice %arg6[%arg0, %mul3A_13, %dma_start3A] : memref<2x10240x128xf32, #tpu.memory_space<hbm>> -> memref<1x640x128xf32, #tpu.memory_space<hbm>>
      %dma_start3A_15 = tpu.memref_squeeze %dma_start3A_14 : memref<1x640x128xf32, #tpu.memory_space<hbm>> -> memref<640x128xf32, #tpu.memory_space<hbm>>
      %dma_start3A_16 = arith.constant 0 : i32
      %dma_start3A_17 = tpu.memref_slice %arg12[%mul3A_11, %dma_start3A_16] : memref<10240x128xf32, #tpu.memory_space<vmem_shared>> -> memref<640x128xf32, #tpu.memory_space<vmem_shared>>
      tpu.enqueue_dma source(%dma_start3A_17 : memref<640x128xf32, #tpu.memory_space<vmem_shared>>) target(%dma_start3A_15 : memref<640x128xf32, #tpu.memory_space<hbm>>) target_semaphore(%run_scoped3A : memref<!tpu.dma_semaphore, #tpu.memory_space<semaphore_mem>>)
      %dma_wait3A = arith.constant 0 : i32
      %dma_wait3A_18 = tpu.memref_slice %arg6[%arg0, %mul3A_13, %dma_wait3A] : memref<2x10240x128xf32, #tpu.memory_space<hbm>> -> memref<1x640x128xf32, #tpu.memory_space<hbm>>
      %dma_wait3A_19 = tpu.memref_squeeze %dma_wait3A_18 : memref<1x640x128xf32, #tpu.memory_space<hbm>> -> memref<640x128xf32, #tpu.memory_space<hbm>>
      %dma_wait3A_20 = arith.constant 0 : i32
      %dma_wait3A_21 = tpu.memref_slice %arg12[%mul3A_11, %dma_wait3A_20] : memref<10240x128xf32, #tpu.memory_space<vmem_shared>> -> memref<640x128xf32, #tpu.memory_space<vmem_shared>>
      tpu.wait_dma2 semaphore(%run_scoped3A : memref<!tpu.dma_semaphore, #tpu.memory_space<semaphore_mem>>) src(%dma_wait3A_21 : memref<640x128xf32, #tpu.memory_space<vmem_shared>>) dst(%dma_wait3A_19 : memref<640x128xf32, #tpu.memory_space<hbm>>)
      tpu.yield
    }) : () -> ()
    return
  }
}

#map = affine_map<(d0, d1) -> (0, 0)>
#map1 = affine_map<(d0, d1) -> (0, 0, 0)>
module attributes {stable_mosaic.version = 14 : i64} {
  func.func @_sc_edge_body(%arg0: i32, %arg1: i32, %arg2: memref<10240x128xf32, #tpu.memory_space<hbm>>, %arg3: memref<32x100x100xi32, #tpu.memory_space<hbm>>, %arg4: memref<32x100x100xi32, #tpu.memory_space<hbm>>, %arg5: memref<640x128xf32, #tpu.memory_space<hbm>>, %arg6: memref<2x10240x128xf32, #tpu.memory_space<hbm>>, %arg7: memref<100x100xi32, #tpu.memory_space<vmem>>, %arg8: memref<1x100xi32, #tpu.memory_space<vmem>>, %arg9: memref<1x100xi32, #tpu.memory_space<vmem>>, %arg10: memref<100x128xf32, #tpu.memory_space<vmem>>, %arg11: memref<100x128xf32, #tpu.memory_space<vmem>>, %arg12: memref<10240x128xf32, #tpu.memory_space<vmem_shared>>, %arg13: memref<!tpu.dma_semaphore, #tpu.memory_space<semaphore_mem>>, %arg14: memref<!tpu.dma_semaphore, #tpu.memory_space<semaphore_mem>>, %arg15: memref<!tpu.dma_semaphore, #tpu.memory_space<semaphore_mem>>, %arg16: memref<!tpu.dma_semaphore, #tpu.memory_space<semaphore_mem>>) attributes {dimension_semantics = [#tpu.dimension_semantics<core_parallel>, #tpu.dimension_semantics<subcore_parallel>], iteration_bounds = array<i64: 2, 16>, scalar_prefetch = 0 : i64, scratch_operands = 10 : i64, tpu.core_type = #tpu.core_type<sc_vector_subcore>, window_params = [{transform_indices = #map}, {transform_indices = #map1}, {transform_indices = #map1}, {transform_indices = #map}, {transform_indices = #map1}]} {
    %mul3A = arith.constant 16 : i32
    %mul3A_0 = arith.muli %arg0, %mul3A : i32
    %add3A = arith.addi %mul3A_0, %arg1 : i32
    %mul3A_1 = arith.constant 640 : i32
    %mul3A_2 = arith.muli %arg1, %mul3A_1 : i32
    "tpu.region"() ({
      %run_scoped3A = tpu.sem_alloc : memref<!tpu.dma_semaphore, #tpu.memory_space<semaphore_mem>>
      %dma_start3A = arith.constant 0 : i32
      %dma_start3A_14 = tpu.memref_slice %arg12[%mul3A_2, %dma_start3A] : memref<10240x128xf32, #tpu.memory_space<vmem_shared>> -> memref<640x128xf32, #tpu.memory_space<vmem_shared>>
      tpu.enqueue_dma source(%arg5 : memref<640x128xf32, #tpu.memory_space<hbm>>) target(%dma_start3A_14 : memref<640x128xf32, #tpu.memory_space<vmem_shared>>) target_semaphore(%run_scoped3A : memref<!tpu.dma_semaphore, #tpu.memory_space<semaphore_mem>>)
      %dma_wait3A = arith.constant 0 : i32
      %dma_wait3A_15 = tpu.memref_slice %arg12[%mul3A_2, %dma_wait3A] : memref<10240x128xf32, #tpu.memory_space<vmem_shared>> -> memref<640x128xf32, #tpu.memory_space<vmem_shared>>
      tpu.wait_dma2 semaphore(%run_scoped3A : memref<!tpu.dma_semaphore, #tpu.memory_space<semaphore_mem>>) src(%arg5 : memref<640x128xf32, #tpu.memory_space<hbm>>) dst(%dma_wait3A_15 : memref<640x128xf32, #tpu.memory_space<vmem_shared>>)
      tpu.yield
    }) : () -> ()
    "tpu.region"() ({
      %run_scoped3A = tpu.sem_alloc : memref<!tpu.dma_semaphore, #tpu.memory_space<semaphore_mem>>
      %dma_start3A = arith.constant 0 : i32
      %dma_start3A_14 = arith.constant 0 : i32
      %dma_start3A_15 = tpu.memref_slice %arg3[%add3A, %dma_start3A, %dma_start3A_14] : memref<32x100x100xi32, #tpu.memory_space<hbm>> -> memref<1x100x100xi32, #tpu.memory_space<hbm>>
      %dma_start3A_16 = tpu.memref_squeeze %dma_start3A_15 : memref<1x100x100xi32, #tpu.memory_space<hbm>> -> memref<100x100xi32, #tpu.memory_space<hbm>>
      %dma_start3A_17 = arith.constant 0 : i32
      %dma_start3A_18 = arith.constant 0 : i32
      %dma_start3A_19 = tpu.memref_slice %arg3[%add3A, %dma_start3A_17, %dma_start3A_18] : memref<32x100x100xi32, #tpu.memory_space<hbm>> -> memref<1x100x100xi32, #tpu.memory_space<hbm>>
      %dma_start3A_20 = tpu.memref_squeeze %dma_start3A_19 : memref<1x100x100xi32, #tpu.memory_space<hbm>> -> memref<100x100xi32, #tpu.memory_space<hbm>>
      tpu.enqueue_dma source(%dma_start3A_20 : memref<100x100xi32, #tpu.memory_space<hbm>>) target(%arg7 : memref<100x100xi32, #tpu.memory_space<vmem>>) target_semaphore(%run_scoped3A : memref<!tpu.dma_semaphore, #tpu.memory_space<semaphore_mem>>)
      %dma_wait3A = arith.constant 0 : i32
      %dma_wait3A_21 = arith.constant 0 : i32
      %dma_wait3A_22 = tpu.memref_slice %arg3[%add3A, %dma_wait3A, %dma_wait3A_21] : memref<32x100x100xi32, #tpu.memory_space<hbm>> -> memref<1x100x100xi32, #tpu.memory_space<hbm>>
      %dma_wait3A_23 = tpu.memref_squeeze %dma_wait3A_22 : memref<1x100x100xi32, #tpu.memory_space<hbm>> -> memref<100x100xi32, #tpu.memory_space<hbm>>
      %dma_wait3A_24 = arith.constant 0 : i32
      %dma_wait3A_25 = arith.constant 0 : i32
      %dma_wait3A_26 = tpu.memref_slice %arg3[%add3A, %dma_wait3A_24, %dma_wait3A_25] : memref<32x100x100xi32, #tpu.memory_space<hbm>> -> memref<1x100x100xi32, #tpu.memory_space<hbm>>
      %dma_wait3A_27 = tpu.memref_squeeze %dma_wait3A_26 : memref<1x100x100xi32, #tpu.memory_space<hbm>> -> memref<100x100xi32, #tpu.memory_space<hbm>>
      tpu.wait_dma2 semaphore(%run_scoped3A : memref<!tpu.dma_semaphore, #tpu.memory_space<semaphore_mem>>) src(%dma_wait3A_27 : memref<100x100xi32, #tpu.memory_space<hbm>>) dst(%arg7 : memref<100x100xi32, #tpu.memory_space<vmem>>)
      tpu.yield
    }) : () -> ()
    %barrier3A = arith.constant 0 : index
    tpu.barrier barrier_id(%barrier3A)
    %scan3A = arith.constant 0 : i32
    %scan3A_3 = arith.constant 0 : i32
    %scan3A_4 = arith.constant 50 : i32
    %scan3A_5 = arith.addi %scan3A_3, %scan3A_4 : i32
    %scan3A_6 = arith.constant 1 : i32
    %scan3A_7 = scf.for %scan3A_14 = %scan3A_3 to %scan3A_5 step %scan3A_6 iter_args(%scan3A_15 = %scan3A) -> (i32)  : i32 {
      %mul3A_16 = arith.constant 2 : i32
      %mul3A_17 = arith.muli %mul3A_16, %scan3A_14 : i32
      %dma_start3A = arith.constant 0 : i32
      %dma_start3A_18 = arith.constant 0 : i32
      %dma_start3A_19 = tpu.memref_slice %arg8[%dma_start3A, %dma_start3A_18] : memref<1x100xi32, #tpu.memory_space<vmem>> -> memref<1x100xi32, #tpu.memory_space<vmem>>
      %dma_start3A_20 = tpu.memref_squeeze %dma_start3A_19 : memref<1x100xi32, #tpu.memory_space<vmem>> -> memref<100xi32, #tpu.memory_space<vmem>>
      %dma_start3A_21 = arith.constant 0 : i32
      %dma_start3A_22 = tpu.memref_slice %arg4[%add3A, %mul3A_17, %dma_start3A_21] : memref<32x100x100xi32, #tpu.memory_space<hbm>> -> memref<1x1x100xi32, #tpu.memory_space<hbm>>
      %dma_start3A_23 = tpu.memref_squeeze %dma_start3A_22 : memref<1x1x100xi32, #tpu.memory_space<hbm>> -> memref<100xi32, #tpu.memory_space<hbm>>
      %dma_start3A_24 = arith.constant 0 : i32
      %dma_start3A_25 = tpu.memref_slice %arg8[%dma_start3A, %dma_start3A_24] : memref<1x100xi32, #tpu.memory_space<vmem>> -> memref<1x100xi32, #tpu.memory_space<vmem>>
      %dma_start3A_26 = tpu.memref_squeeze %dma_start3A_25 : memref<1x100xi32, #tpu.memory_space<vmem>> -> memref<100xi32, #tpu.memory_space<vmem>>
      %dma_start3A_27 = arith.constant 0 : i32
      %dma_start3A_28 = tpu.memref_slice %arg4[%add3A, %mul3A_17, %dma_start3A_27] : memref<32x100x100xi32, #tpu.memory_space<hbm>> -> memref<1x1x100xi32, #tpu.memory_space<hbm>>
      %dma_start3A_29 = tpu.memref_squeeze %dma_start3A_28 : memref<1x1x100xi32, #tpu.memory_space<hbm>> -> memref<100xi32, #tpu.memory_space<hbm>>
      tpu.enqueue_dma source(%dma_start3A_29 : memref<100xi32, #tpu.memory_space<hbm>>) target(%dma_start3A_26 : memref<100xi32, #tpu.memory_space<vmem>>) target_semaphore(%arg13 : memref<!tpu.dma_semaphore, #tpu.memory_space<semaphore_mem>>)
      %add3A_30 = arith.constant 1 : i32
      %add3A_31 = arith.addi %mul3A_17, %add3A_30 : i32
      %dma_start3A_32 = arith.constant 0 : i32
      %dma_start3A_33 = arith.constant 0 : i32
      %dma_start3A_34 = tpu.memref_slice %arg9[%dma_start3A_32, %dma_start3A_33] : memref<1x100xi32, #tpu.memory_space<vmem>> -> memref<1x100xi32, #tpu.memory_space<vmem>>
      %dma_start3A_35 = tpu.memref_squeeze %dma_start3A_34 : memref<1x100xi32, #tpu.memory_space<vmem>> -> memref<100xi32, #tpu.memory_space<vmem>>
      %dma_start3A_36 = arith.constant 0 : i32
      %dma_start3A_37 = tpu.memref_slice %arg4[%add3A, %add3A_31, %dma_start3A_36] : memref<32x100x100xi32, #tpu.memory_space<hbm>> -> memref<1x1x100xi32, #tpu.memory_space<hbm>>
      %dma_start3A_38 = tpu.memref_squeeze %dma_start3A_37 : memref<1x1x100xi32, #tpu.memory_space<hbm>> -> memref<100xi32, #tpu.memory_space<hbm>>
      %dma_start3A_39 = arith.constant 0 : i32
      %dma_start3A_40 = tpu.memref_slice %arg9[%dma_start3A_32, %dma_start3A_39] : memref<1x100xi32, #tpu.memory_space<vmem>> -> memref<1x100xi32, #tpu.memory_space<vmem>>
      %dma_start3A_41 = tpu.memref_squeeze %dma_start3A_40 : memref<1x100xi32, #tpu.memory_space<vmem>> -> memref<100xi32, #tpu.memory_space<vmem>>
      %dma_start3A_42 = arith.constant 0 : i32
      %dma_start3A_43 = tpu.memref_slice %arg4[%add3A, %add3A_31, %dma_start3A_42] : memref<32x100x100xi32, #tpu.memory_space<hbm>> -> memref<1x1x100xi32, #tpu.memory_space<hbm>>
      %dma_start3A_44 = tpu.memref_squeeze %dma_start3A_43 : memref<1x1x100xi32, #tpu.memory_space<hbm>> -> memref<100xi32, #tpu.memory_space<hbm>>
      tpu.enqueue_dma source(%dma_start3A_44 : memref<100xi32, #tpu.memory_space<hbm>>) target(%dma_start3A_41 : memref<100xi32, #tpu.memory_space<vmem>>) target_semaphore(%arg14 : memref<!tpu.dma_semaphore, #tpu.memory_space<semaphore_mem>>)
      %dma_start3A_45 = arith.constant 0 : i32
      %dma_start3A_46 = tpu.memref_slice %arg7[%mul3A_17, %dma_start3A_45] : memref<100x100xi32, #tpu.memory_space<vmem>> -> memref<1x100xi32, #tpu.memory_space<vmem>>
      %dma_start3A_47 = tpu.memref_squeeze %dma_start3A_46 : memref<1x100xi32, #tpu.memory_space<vmem>> -> memref<100xi32, #tpu.memory_space<vmem>>
      %dma_start3A_48 = arith.constant 0 : i32
      %dma_start3A_49 = arith.constant 0 : i32
      %dma_start3A_50 = tpu.memref_slice %arg2[%dma_start3A_48, %dma_start3A_49] : memref<10240x128xf32, #tpu.memory_space<hbm>> -> memref<10240x128xf32, #tpu.memory_space<hbm>>
      tpu.enqueue_indirect_dma source(%dma_start3A_50 : memref<10240x128xf32, #tpu.memory_space<hbm>>) target(%arg10 : memref<100x128xf32, #tpu.memory_space<vmem>>) offsets(%dma_start3A_47 : memref<100xi32, #tpu.memory_space<vmem>>) semaphore(%arg15 : memref<!tpu.dma_semaphore, #tpu.memory_space<semaphore_mem>>)
      %add3A_51 = arith.constant 1 : i32
      %add3A_52 = arith.addi %mul3A_17, %add3A_51 : i32
      %dma_start3A_53 = arith.constant 0 : i32
      %dma_start3A_54 = tpu.memref_slice %arg7[%add3A_52, %dma_start3A_53] : memref<100x100xi32, #tpu.memory_space<vmem>> -> memref<1x100xi32, #tpu.memory_space<vmem>>
      %dma_start3A_55 = tpu.memref_squeeze %dma_start3A_54 : memref<1x100xi32, #tpu.memory_space<vmem>> -> memref<100xi32, #tpu.memory_space<vmem>>
      %dma_start3A_56 = arith.constant 0 : i32
      %dma_start3A_57 = arith.constant 0 : i32
      %dma_start3A_58 = tpu.memref_slice %arg2[%dma_start3A_56, %dma_start3A_57] : memref<10240x128xf32, #tpu.memory_space<hbm>> -> memref<10240x128xf32, #tpu.memory_space<hbm>>
      tpu.enqueue_indirect_dma source(%dma_start3A_58 : memref<10240x128xf32, #tpu.memory_space<hbm>>) target(%arg11 : memref<100x128xf32, #tpu.memory_space<vmem>>) offsets(%dma_start3A_55 : memref<100xi32, #tpu.memory_space<vmem>>) semaphore(%arg16 : memref<!tpu.dma_semaphore, #tpu.memory_space<semaphore_mem>>)
      %dma_wait3A = arith.constant 0 : i32
      %dma_wait3A_59 = tpu.memref_slice %arg7[%mul3A_17, %dma_wait3A] : memref<100x100xi32, #tpu.memory_space<vmem>> -> memref<1x100xi32, #tpu.memory_space<vmem>>
      %dma_wait3A_60 = tpu.memref_squeeze %dma_wait3A_59 : memref<1x100xi32, #tpu.memory_space<vmem>> -> memref<100xi32, #tpu.memory_space<vmem>>
      %dma_wait3A_61 = arith.constant 0 : i32
      %dma_wait3A_62 = arith.constant 0 : i32
      %dma_wait3A_63 = tpu.memref_slice %arg2[%dma_wait3A_61, %dma_wait3A_62] : memref<10240x128xf32, #tpu.memory_space<hbm>> -> memref<10240x128xf32, #tpu.memory_space<hbm>>
      tpu.wait_indirect_dma semaphore(%arg15 : memref<!tpu.dma_semaphore, #tpu.memory_space<semaphore_mem>>) src(%dma_wait3A_63 : memref<10240x128xf32, #tpu.memory_space<hbm>>) dst(%arg10 : memref<100x128xf32, #tpu.memory_space<vmem>>)
      %dma_wait3A_64 = arith.constant 0 : i32
      %dma_wait3A_65 = arith.constant 0 : i32
      %dma_wait3A_66 = tpu.memref_slice %arg8[%dma_wait3A_64, %dma_wait3A_65] : memref<1x100xi32, #tpu.memory_space<vmem>> -> memref<1x100xi32, #tpu.memory_space<vmem>>
      %dma_wait3A_67 = tpu.memref_squeeze %dma_wait3A_66 : memref<1x100xi32, #tpu.memory_space<vmem>> -> memref<100xi32, #tpu.memory_space<vmem>>
      %dma_wait3A_68 = arith.constant 0 : i32
      %dma_wait3A_69 = tpu.memref_slice %arg4[%add3A, %mul3A_17, %dma_wait3A_68] : memref<32x100x100xi32, #tpu.memory_space<hbm>> -> memref<1x1x100xi32, #tpu.memory_space<hbm>>
      %dma_wait3A_70 = tpu.memref_squeeze %dma_wait3A_69 : memref<1x1x100xi32, #tpu.memory_space<hbm>> -> memref<100xi32, #tpu.memory_space<hbm>>
      %dma_wait3A_71 = arith.constant 0 : i32
      %dma_wait3A_72 = tpu.memref_slice %arg8[%dma_wait3A_64, %dma_wait3A_71] : memref<1x100xi32, #tpu.memory_space<vmem>> -> memref<1x100xi32, #tpu.memory_space<vmem>>
      %dma_wait3A_73 = tpu.memref_squeeze %dma_wait3A_72 : memref<1x100xi32, #tpu.memory_space<vmem>> -> memref<100xi32, #tpu.memory_space<vmem>>
      %dma_wait3A_74 = arith.constant 0 : i32
      %dma_wait3A_75 = tpu.memref_slice %arg4[%add3A, %mul3A_17, %dma_wait3A_74] : memref<32x100x100xi32, #tpu.memory_space<hbm>> -> memref<1x1x100xi32, #tpu.memory_space<hbm>>
      %dma_wait3A_76 = tpu.memref_squeeze %dma_wait3A_75 : memref<1x1x100xi32, #tpu.memory_space<hbm>> -> memref<100xi32, #tpu.memory_space<hbm>>
      tpu.wait_dma2 semaphore(%arg13 : memref<!tpu.dma_semaphore, #tpu.memory_space<semaphore_mem>>) src(%dma_wait3A_76 : memref<100xi32, #tpu.memory_space<hbm>>) dst(%dma_wait3A_73 : memref<100xi32, #tpu.memory_space<vmem>>)
      %run_scoped3A = arith.constant 0 : i32
      "tpu.region"() ({
        %run_scoped3A_98 = tpu.sem_alloc : memref<!tpu.dma_semaphore, #tpu.memory_space<semaphore_mem>>
        %dma_start3A_99 = arith.constant 0 : i32
        %dma_start3A_100 = tpu.memref_slice %arg8[%run_scoped3A, %dma_start3A_99] : memref<1x100xi32, #tpu.memory_space<vmem>> -> memref<1x100xi32, #tpu.memory_space<vmem>>
        %dma_start3A_101 = tpu.memref_squeeze %dma_start3A_100 : memref<1x100xi32, #tpu.memory_space<vmem>> -> memref<100xi32, #tpu.memory_space<vmem>>
        %dma_start3A_102 = arith.constant 0 : i32
        %dma_start3A_103 = arith.constant 0 : i32
        %dma_start3A_104 = tpu.memref_slice %arg12[%dma_start3A_102, %dma_start3A_103] : memref<10240x128xf32, #tpu.memory_space<vmem_shared>> -> memref<10240x128xf32, #tpu.memory_space<vmem_shared>>
        tpu.enqueue_indirect_dma source(%arg10 : memref<100x128xf32, #tpu.memory_space<vmem>>) target(%dma_start3A_104 : memref<10240x128xf32, #tpu.memory_space<vmem_shared>>) offsets(%dma_start3A_101 : memref<100xi32, #tpu.memory_space<vmem>>) semaphore(%run_scoped3A_98 : memref<!tpu.dma_semaphore, #tpu.memory_space<semaphore_mem>>) {add = true}
        %dma_wait3A_105 = arith.constant 0 : i32
        %dma_wait3A_106 = tpu.memref_slice %arg8[%run_scoped3A, %dma_wait3A_105] : memref<1x100xi32, #tpu.memory_space<vmem>> -> memref<1x100xi32, #tpu.memory_space<vmem>>
        %dma_wait3A_107 = tpu.memref_squeeze %dma_wait3A_106 : memref<1x100xi32, #tpu.memory_space<vmem>> -> memref<100xi32, #tpu.memory_space<vmem>>
        %dma_wait3A_108 = arith.constant 0 : i32
        %dma_wait3A_109 = arith.constant 0 : i32
        %dma_wait3A_110 = tpu.memref_slice %arg12[%dma_wait3A_108, %dma_wait3A_109] : memref<10240x128xf32, #tpu.memory_space<vmem_shared>> -> memref<10240x128xf32, #tpu.memory_space<vmem_shared>>
        tpu.wait_indirect_dma semaphore(%run_scoped3A_98 : memref<!tpu.dma_semaphore, #tpu.memory_space<semaphore_mem>>) src(%arg10 : memref<100x128xf32, #tpu.memory_space<vmem>>) dst(%dma_wait3A_110 : memref<10240x128xf32, #tpu.memory_space<vmem_shared>>)
        tpu.yield
      }) : () -> ()
      %dma_wait3A_77 = arith.constant 0 : i32
      %dma_wait3A_78 = tpu.memref_slice %arg7[%add3A_52, %dma_wait3A_77] : memref<100x100xi32, #tpu.memory_space<vmem>> -> memref<1x100xi32, #tpu.memory_space<vmem>>
      %dma_wait3A_79 = tpu.memref_squeeze %dma_wait3A_78 : memref<1x100xi32, #tpu.memory_space<vmem>> -> memref<100xi32, #tpu.memory_space<vmem>>
      %dma_wait3A_80 = arith.constant 0 : i32
      %dma_wait3A_81 = arith.constant 0 : i32
      %dma_wait3A_82 = tpu.memref_slice %arg2[%dma_wait3A_80, %dma_wait3A_81] : memref<10240x128xf32, #tpu.memory_space<hbm>> -> memref<10240x128xf32, #tpu.memory_space<hbm>>
      tpu.wait_indirect_dma semaphore(%arg16 : memref<!tpu.dma_semaphore, #tpu.memory_space<semaphore_mem>>) src(%dma_wait3A_82 : memref<10240x128xf32, #tpu.memory_space<hbm>>) dst(%arg11 : memref<100x128xf32, #tpu.memory_space<vmem>>)
      %dma_wait3A_83 = arith.constant 0 : i32
      %dma_wait3A_84 = arith.constant 0 : i32
      %dma_wait3A_85 = tpu.memref_slice %arg9[%dma_wait3A_83, %dma_wait3A_84] : memref<1x100xi32, #tpu.memory_space<vmem>> -> memref<1x100xi32, #tpu.memory_space<vmem>>
      %dma_wait3A_86 = tpu.memref_squeeze %dma_wait3A_85 : memref<1x100xi32, #tpu.memory_space<vmem>> -> memref<100xi32, #tpu.memory_space<vmem>>
      %dma_wait3A_87 = arith.constant 0 : i32
      %dma_wait3A_88 = tpu.memref_slice %arg4[%add3A, %add3A_31, %dma_wait3A_87] : memref<32x100x100xi32, #tpu.memory_space<hbm>> -> memref<1x1x100xi32, #tpu.memory_space<hbm>>
      %dma_wait3A_89 = tpu.memref_squeeze %dma_wait3A_88 : memref<1x1x100xi32, #tpu.memory_space<hbm>> -> memref<100xi32, #tpu.memory_space<hbm>>
      %dma_wait3A_90 = arith.constant 0 : i32
      %dma_wait3A_91 = tpu.memref_slice %arg9[%dma_wait3A_83, %dma_wait3A_90] : memref<1x100xi32, #tpu.memory_space<vmem>> -> memref<1x100xi32, #tpu.memory_space<vmem>>
      %dma_wait3A_92 = tpu.memref_squeeze %dma_wait3A_91 : memref<1x100xi32, #tpu.memory_space<vmem>> -> memref<100xi32, #tpu.memory_space<vmem>>
      %dma_wait3A_93 = arith.constant 0 : i32
      %dma_wait3A_94 = tpu.memref_slice %arg4[%add3A, %add3A_31, %dma_wait3A_93] : memref<32x100x100xi32, #tpu.memory_space<hbm>> -> memref<1x1x100xi32, #tpu.memory_space<hbm>>
      %dma_wait3A_95 = tpu.memref_squeeze %dma_wait3A_94 : memref<1x1x100xi32, #tpu.memory_space<hbm>> -> memref<100xi32, #tpu.memory_space<hbm>>
      tpu.wait_dma2 semaphore(%arg14 : memref<!tpu.dma_semaphore, #tpu.memory_space<semaphore_mem>>) src(%dma_wait3A_95 : memref<100xi32, #tpu.memory_space<hbm>>) dst(%dma_wait3A_92 : memref<100xi32, #tpu.memory_space<vmem>>)
      %run_scoped3A_96 = arith.constant 0 : i32
      "tpu.region"() ({
        %run_scoped3A_98 = tpu.sem_alloc : memref<!tpu.dma_semaphore, #tpu.memory_space<semaphore_mem>>
        %dma_start3A_99 = arith.constant 0 : i32
        %dma_start3A_100 = tpu.memref_slice %arg9[%run_scoped3A_96, %dma_start3A_99] : memref<1x100xi32, #tpu.memory_space<vmem>> -> memref<1x100xi32, #tpu.memory_space<vmem>>
        %dma_start3A_101 = tpu.memref_squeeze %dma_start3A_100 : memref<1x100xi32, #tpu.memory_space<vmem>> -> memref<100xi32, #tpu.memory_space<vmem>>
        %dma_start3A_102 = arith.constant 0 : i32
        %dma_start3A_103 = arith.constant 0 : i32
        %dma_start3A_104 = tpu.memref_slice %arg12[%dma_start3A_102, %dma_start3A_103] : memref<10240x128xf32, #tpu.memory_space<vmem_shared>> -> memref<10240x128xf32, #tpu.memory_space<vmem_shared>>
        tpu.enqueue_indirect_dma source(%arg11 : memref<100x128xf32, #tpu.memory_space<vmem>>) target(%dma_start3A_104 : memref<10240x128xf32, #tpu.memory_space<vmem_shared>>) offsets(%dma_start3A_101 : memref<100xi32, #tpu.memory_space<vmem>>) semaphore(%run_scoped3A_98 : memref<!tpu.dma_semaphore, #tpu.memory_space<semaphore_mem>>) {add = true}
        %dma_wait3A_105 = arith.constant 0 : i32
        %dma_wait3A_106 = tpu.memref_slice %arg9[%run_scoped3A_96, %dma_wait3A_105] : memref<1x100xi32, #tpu.memory_space<vmem>> -> memref<1x100xi32, #tpu.memory_space<vmem>>
        %dma_wait3A_107 = tpu.memref_squeeze %dma_wait3A_106 : memref<1x100xi32, #tpu.memory_space<vmem>> -> memref<100xi32, #tpu.memory_space<vmem>>
        %dma_wait3A_108 = arith.constant 0 : i32
        %dma_wait3A_109 = arith.constant 0 : i32
        %dma_wait3A_110 = tpu.memref_slice %arg12[%dma_wait3A_108, %dma_wait3A_109] : memref<10240x128xf32, #tpu.memory_space<vmem_shared>> -> memref<10240x128xf32, #tpu.memory_space<vmem_shared>>
        tpu.wait_indirect_dma semaphore(%run_scoped3A_98 : memref<!tpu.dma_semaphore, #tpu.memory_space<semaphore_mem>>) src(%arg11 : memref<100x128xf32, #tpu.memory_space<vmem>>) dst(%dma_wait3A_110 : memref<10240x128xf32, #tpu.memory_space<vmem_shared>>)
        tpu.yield
      }) : () -> ()
      %scan3A_97 = arith.constant 0 : i32
      scf.yield %scan3A_97 : i32
    }
    %scan3A_8 = arith.constant 50 : i32
    %barrier3A_9 = arith.constant 0 : index
    tpu.barrier barrier_id(%barrier3A_9)
    %mul3A_10 = arith.constant 640 : i32
    %mul3A_11 = arith.muli %arg1, %mul3A_10 : i32
    %mul3A_12 = arith.constant 640 : i32
    %mul3A_13 = arith.muli %arg1, %mul3A_12 : i32
    "tpu.region"() ({
      %run_scoped3A = tpu.sem_alloc : memref<!tpu.dma_semaphore, #tpu.memory_space<semaphore_mem>>
      %dma_start3A = arith.constant 0 : i32
      %dma_start3A_14 = tpu.memref_slice %arg6[%arg0, %mul3A_13, %dma_start3A] : memref<2x10240x128xf32, #tpu.memory_space<hbm>> -> memref<1x640x128xf32, #tpu.memory_space<hbm>>
      %dma_start3A_15 = tpu.memref_squeeze %dma_start3A_14 : memref<1x640x128xf32, #tpu.memory_space<hbm>> -> memref<640x128xf32, #tpu.memory_space<hbm>>
      %dma_start3A_16 = arith.constant 0 : i32
      %dma_start3A_17 = tpu.memref_slice %arg12[%mul3A_11, %dma_start3A_16] : memref<10240x128xf32, #tpu.memory_space<vmem_shared>> -> memref<640x128xf32, #tpu.memory_space<vmem_shared>>
      tpu.enqueue_dma source(%dma_start3A_17 : memref<640x128xf32, #tpu.memory_space<vmem_shared>>) target(%dma_start3A_15 : memref<640x128xf32, #tpu.memory_space<hbm>>) target_semaphore(%run_scoped3A : memref<!tpu.dma_semaphore, #tpu.memory_space<semaphore_mem>>)
      %dma_wait3A = arith.constant 0 : i32
      %dma_wait3A_18 = tpu.memref_slice %arg6[%arg0, %mul3A_13, %dma_wait3A] : memref<2x10240x128xf32, #tpu.memory_space<hbm>> -> memref<1x640x128xf32, #tpu.memory_space<hbm>>
      %dma_wait3A_19 = tpu.memref_squeeze %dma_wait3A_18 : memref<1x640x128xf32, #tpu.memory_space<hbm>> -> memref<640x128xf32, #tpu.memory_space<hbm>>
      %dma_wait3A_20 = arith.constant 0 : i32
      %dma_wait3A_21 = tpu.memref_slice %arg12[%mul3A_11, %dma_wait3A_20] : memref<10240x128xf32, #tpu.memory_space<vmem_shared>> -> memref<640x128xf32, #tpu.memory_space<vmem_shared>>
      tpu.wait_dma2 semaphore(%run_scoped3A : memref<!tpu.dma_semaphore, #tpu.memory_space<semaphore_mem>>) src(%dma_wait3A_21 : memref<640x128xf32, #tpu.memory_space<vmem_shared>>) dst(%dma_wait3A_19 : memref<640x128xf32, #tpu.memory_space<hbm>>)
      tpu.yield
    }) : () -> ()
    return
  }
}

#map = affine_map<(d0, d1) -> (0, 0)>
#map1 = affine_map<(d0, d1) -> (0, 0, 0)>
module attributes {stable_mosaic.version = 14 : i64} {
  func.func @_sc_edge_body(%arg0: i32, %arg1: i32, %arg2: memref<10240x128xf32, #tpu.memory_space<hbm>>, %arg3: memref<32x100x100xi32, #tpu.memory_space<hbm>>, %arg4: memref<32x100x100xi32, #tpu.memory_space<hbm>>, %arg5: memref<640x128xf32, #tpu.memory_space<hbm>>, %arg6: memref<2x10240x128xf32, #tpu.memory_space<hbm>>, %arg7: memref<100x100xi32, #tpu.memory_space<vmem>>, %arg8: memref<1x100xi32, #tpu.memory_space<vmem>>, %arg9: memref<1x100xi32, #tpu.memory_space<vmem>>, %arg10: memref<100x128xf32, #tpu.memory_space<vmem>>, %arg11: memref<100x128xf32, #tpu.memory_space<vmem>>, %arg12: memref<10240x128xf32, #tpu.memory_space<vmem_shared>>, %arg13: memref<!tpu.dma_semaphore, #tpu.memory_space<semaphore_mem>>, %arg14: memref<!tpu.dma_semaphore, #tpu.memory_space<semaphore_mem>>, %arg15: memref<!tpu.dma_semaphore, #tpu.memory_space<semaphore_mem>>, %arg16: memref<!tpu.dma_semaphore, #tpu.memory_space<semaphore_mem>>) attributes {dimension_semantics = [#tpu.dimension_semantics<core_parallel>, #tpu.dimension_semantics<subcore_parallel>], iteration_bounds = array<i64: 2, 16>, scalar_prefetch = 0 : i64, scratch_operands = 10 : i64, tpu.core_type = #tpu.core_type<sc_vector_subcore>, window_params = [{transform_indices = #map}, {transform_indices = #map1}, {transform_indices = #map1}, {transform_indices = #map}, {transform_indices = #map1}]} {
    %mul3A = arith.constant 16 : i32
    %mul3A_0 = arith.muli %arg0, %mul3A : i32
    %add3A = arith.addi %mul3A_0, %arg1 : i32
    %mul3A_1 = arith.constant 640 : i32
    %mul3A_2 = arith.muli %arg1, %mul3A_1 : i32
    "tpu.region"() ({
      %run_scoped3A = tpu.sem_alloc : memref<!tpu.dma_semaphore, #tpu.memory_space<semaphore_mem>>
      %dma_start3A = arith.constant 0 : i32
      %dma_start3A_14 = tpu.memref_slice %arg12[%mul3A_2, %dma_start3A] : memref<10240x128xf32, #tpu.memory_space<vmem_shared>> -> memref<640x128xf32, #tpu.memory_space<vmem_shared>>
      tpu.enqueue_dma source(%arg5 : memref<640x128xf32, #tpu.memory_space<hbm>>) target(%dma_start3A_14 : memref<640x128xf32, #tpu.memory_space<vmem_shared>>) target_semaphore(%run_scoped3A : memref<!tpu.dma_semaphore, #tpu.memory_space<semaphore_mem>>)
      %dma_wait3A = arith.constant 0 : i32
      %dma_wait3A_15 = tpu.memref_slice %arg12[%mul3A_2, %dma_wait3A] : memref<10240x128xf32, #tpu.memory_space<vmem_shared>> -> memref<640x128xf32, #tpu.memory_space<vmem_shared>>
      tpu.wait_dma2 semaphore(%run_scoped3A : memref<!tpu.dma_semaphore, #tpu.memory_space<semaphore_mem>>) src(%arg5 : memref<640x128xf32, #tpu.memory_space<hbm>>) dst(%dma_wait3A_15 : memref<640x128xf32, #tpu.memory_space<vmem_shared>>)
      tpu.yield
    }) : () -> ()
    "tpu.region"() ({
      %run_scoped3A = tpu.sem_alloc : memref<!tpu.dma_semaphore, #tpu.memory_space<semaphore_mem>>
      %dma_start3A = arith.constant 0 : i32
      %dma_start3A_14 = arith.constant 0 : i32
      %dma_start3A_15 = tpu.memref_slice %arg3[%add3A, %dma_start3A, %dma_start3A_14] : memref<32x100x100xi32, #tpu.memory_space<hbm>> -> memref<1x100x100xi32, #tpu.memory_space<hbm>>
      %dma_start3A_16 = tpu.memref_squeeze %dma_start3A_15 : memref<1x100x100xi32, #tpu.memory_space<hbm>> -> memref<100x100xi32, #tpu.memory_space<hbm>>
      %dma_start3A_17 = arith.constant 0 : i32
      %dma_start3A_18 = arith.constant 0 : i32
      %dma_start3A_19 = tpu.memref_slice %arg3[%add3A, %dma_start3A_17, %dma_start3A_18] : memref<32x100x100xi32, #tpu.memory_space<hbm>> -> memref<1x100x100xi32, #tpu.memory_space<hbm>>
      %dma_start3A_20 = tpu.memref_squeeze %dma_start3A_19 : memref<1x100x100xi32, #tpu.memory_space<hbm>> -> memref<100x100xi32, #tpu.memory_space<hbm>>
      tpu.enqueue_dma source(%dma_start3A_20 : memref<100x100xi32, #tpu.memory_space<hbm>>) target(%arg7 : memref<100x100xi32, #tpu.memory_space<vmem>>) target_semaphore(%run_scoped3A : memref<!tpu.dma_semaphore, #tpu.memory_space<semaphore_mem>>)
      %dma_wait3A = arith.constant 0 : i32
      %dma_wait3A_21 = arith.constant 0 : i32
      %dma_wait3A_22 = tpu.memref_slice %arg3[%add3A, %dma_wait3A, %dma_wait3A_21] : memref<32x100x100xi32, #tpu.memory_space<hbm>> -> memref<1x100x100xi32, #tpu.memory_space<hbm>>
      %dma_wait3A_23 = tpu.memref_squeeze %dma_wait3A_22 : memref<1x100x100xi32, #tpu.memory_space<hbm>> -> memref<100x100xi32, #tpu.memory_space<hbm>>
      %dma_wait3A_24 = arith.constant 0 : i32
      %dma_wait3A_25 = arith.constant 0 : i32
      %dma_wait3A_26 = tpu.memref_slice %arg3[%add3A, %dma_wait3A_24, %dma_wait3A_25] : memref<32x100x100xi32, #tpu.memory_space<hbm>> -> memref<1x100x100xi32, #tpu.memory_space<hbm>>
      %dma_wait3A_27 = tpu.memref_squeeze %dma_wait3A_26 : memref<1x100x100xi32, #tpu.memory_space<hbm>> -> memref<100x100xi32, #tpu.memory_space<hbm>>
      tpu.wait_dma2 semaphore(%run_scoped3A : memref<!tpu.dma_semaphore, #tpu.memory_space<semaphore_mem>>) src(%dma_wait3A_27 : memref<100x100xi32, #tpu.memory_space<hbm>>) dst(%arg7 : memref<100x100xi32, #tpu.memory_space<vmem>>)
      tpu.yield
    }) : () -> ()
    %barrier3A = arith.constant 0 : index
    tpu.barrier barrier_id(%barrier3A)
    %scan3A = arith.constant 0 : i32
    %scan3A_3 = arith.constant 0 : i32
    %scan3A_4 = arith.constant 50 : i32
    %scan3A_5 = arith.addi %scan3A_3, %scan3A_4 : i32
    %scan3A_6 = arith.constant 1 : i32
    %scan3A_7 = scf.for %scan3A_14 = %scan3A_3 to %scan3A_5 step %scan3A_6 iter_args(%scan3A_15 = %scan3A) -> (i32)  : i32 {
      %mul3A_16 = arith.constant 2 : i32
      %mul3A_17 = arith.muli %mul3A_16, %scan3A_14 : i32
      %dma_start3A = arith.constant 0 : i32
      %dma_start3A_18 = arith.constant 0 : i32
      %dma_start3A_19 = tpu.memref_slice %arg8[%dma_start3A, %dma_start3A_18] : memref<1x100xi32, #tpu.memory_space<vmem>> -> memref<1x100xi32, #tpu.memory_space<vmem>>
      %dma_start3A_20 = tpu.memref_squeeze %dma_start3A_19 : memref<1x100xi32, #tpu.memory_space<vmem>> -> memref<100xi32, #tpu.memory_space<vmem>>
      %dma_start3A_21 = arith.constant 0 : i32
      %dma_start3A_22 = tpu.memref_slice %arg4[%add3A, %mul3A_17, %dma_start3A_21] : memref<32x100x100xi32, #tpu.memory_space<hbm>> -> memref<1x1x100xi32, #tpu.memory_space<hbm>>
      %dma_start3A_23 = tpu.memref_squeeze %dma_start3A_22 : memref<1x1x100xi32, #tpu.memory_space<hbm>> -> memref<100xi32, #tpu.memory_space<hbm>>
      %dma_start3A_24 = arith.constant 0 : i32
      %dma_start3A_25 = tpu.memref_slice %arg8[%dma_start3A, %dma_start3A_24] : memref<1x100xi32, #tpu.memory_space<vmem>> -> memref<1x100xi32, #tpu.memory_space<vmem>>
      %dma_start3A_26 = tpu.memref_squeeze %dma_start3A_25 : memref<1x100xi32, #tpu.memory_space<vmem>> -> memref<100xi32, #tpu.memory_space<vmem>>
      %dma_start3A_27 = arith.constant 0 : i32
      %dma_start3A_28 = tpu.memref_slice %arg4[%add3A, %mul3A_17, %dma_start3A_27] : memref<32x100x100xi32, #tpu.memory_space<hbm>> -> memref<1x1x100xi32, #tpu.memory_space<hbm>>
      %dma_start3A_29 = tpu.memref_squeeze %dma_start3A_28 : memref<1x1x100xi32, #tpu.memory_space<hbm>> -> memref<100xi32, #tpu.memory_space<hbm>>
      tpu.enqueue_dma source(%dma_start3A_29 : memref<100xi32, #tpu.memory_space<hbm>>) target(%dma_start3A_26 : memref<100xi32, #tpu.memory_space<vmem>>) target_semaphore(%arg13 : memref<!tpu.dma_semaphore, #tpu.memory_space<semaphore_mem>>)
      %add3A_30 = arith.constant 1 : i32
      %add3A_31 = arith.addi %mul3A_17, %add3A_30 : i32
      %dma_start3A_32 = arith.constant 0 : i32
      %dma_start3A_33 = arith.constant 0 : i32
      %dma_start3A_34 = tpu.memref_slice %arg9[%dma_start3A_32, %dma_start3A_33] : memref<1x100xi32, #tpu.memory_space<vmem>> -> memref<1x100xi32, #tpu.memory_space<vmem>>
      %dma_start3A_35 = tpu.memref_squeeze %dma_start3A_34 : memref<1x100xi32, #tpu.memory_space<vmem>> -> memref<100xi32, #tpu.memory_space<vmem>>
      %dma_start3A_36 = arith.constant 0 : i32
      %dma_start3A_37 = tpu.memref_slice %arg4[%add3A, %add3A_31, %dma_start3A_36] : memref<32x100x100xi32, #tpu.memory_space<hbm>> -> memref<1x1x100xi32, #tpu.memory_space<hbm>>
      %dma_start3A_38 = tpu.memref_squeeze %dma_start3A_37 : memref<1x1x100xi32, #tpu.memory_space<hbm>> -> memref<100xi32, #tpu.memory_space<hbm>>
      %dma_start3A_39 = arith.constant 0 : i32
      %dma_start3A_40 = tpu.memref_slice %arg9[%dma_start3A_32, %dma_start3A_39] : memref<1x100xi32, #tpu.memory_space<vmem>> -> memref<1x100xi32, #tpu.memory_space<vmem>>
      %dma_start3A_41 = tpu.memref_squeeze %dma_start3A_40 : memref<1x100xi32, #tpu.memory_space<vmem>> -> memref<100xi32, #tpu.memory_space<vmem>>
      %dma_start3A_42 = arith.constant 0 : i32
      %dma_start3A_43 = tpu.memref_slice %arg4[%add3A, %add3A_31, %dma_start3A_42] : memref<32x100x100xi32, #tpu.memory_space<hbm>> -> memref<1x1x100xi32, #tpu.memory_space<hbm>>
      %dma_start3A_44 = tpu.memref_squeeze %dma_start3A_43 : memref<1x1x100xi32, #tpu.memory_space<hbm>> -> memref<100xi32, #tpu.memory_space<hbm>>
      tpu.enqueue_dma source(%dma_start3A_44 : memref<100xi32, #tpu.memory_space<hbm>>) target(%dma_start3A_41 : memref<100xi32, #tpu.memory_space<vmem>>) target_semaphore(%arg14 : memref<!tpu.dma_semaphore, #tpu.memory_space<semaphore_mem>>)
      %dma_start3A_45 = arith.constant 0 : i32
      %dma_start3A_46 = tpu.memref_slice %arg7[%mul3A_17, %dma_start3A_45] : memref<100x100xi32, #tpu.memory_space<vmem>> -> memref<1x100xi32, #tpu.memory_space<vmem>>
      %dma_start3A_47 = tpu.memref_squeeze %dma_start3A_46 : memref<1x100xi32, #tpu.memory_space<vmem>> -> memref<100xi32, #tpu.memory_space<vmem>>
      %dma_start3A_48 = arith.constant 0 : i32
      %dma_start3A_49 = arith.constant 0 : i32
      %dma_start3A_50 = tpu.memref_slice %arg2[%dma_start3A_48, %dma_start3A_49] : memref<10240x128xf32, #tpu.memory_space<hbm>> -> memref<10240x128xf32, #tpu.memory_space<hbm>>
      tpu.enqueue_indirect_dma source(%dma_start3A_50 : memref<10240x128xf32, #tpu.memory_space<hbm>>) target(%arg10 : memref<100x128xf32, #tpu.memory_space<vmem>>) offsets(%dma_start3A_47 : memref<100xi32, #tpu.memory_space<vmem>>) semaphore(%arg15 : memref<!tpu.dma_semaphore, #tpu.memory_space<semaphore_mem>>)
      %add3A_51 = arith.constant 1 : i32
      %add3A_52 = arith.addi %mul3A_17, %add3A_51 : i32
      %dma_start3A_53 = arith.constant 0 : i32
      %dma_start3A_54 = tpu.memref_slice %arg7[%add3A_52, %dma_start3A_53] : memref<100x100xi32, #tpu.memory_space<vmem>> -> memref<1x100xi32, #tpu.memory_space<vmem>>
      %dma_start3A_55 = tpu.memref_squeeze %dma_start3A_54 : memref<1x100xi32, #tpu.memory_space<vmem>> -> memref<100xi32, #tpu.memory_space<vmem>>
      %dma_start3A_56 = arith.constant 0 : i32
      %dma_start3A_57 = arith.constant 0 : i32
      %dma_start3A_58 = tpu.memref_slice %arg2[%dma_start3A_56, %dma_start3A_57] : memref<10240x128xf32, #tpu.memory_space<hbm>> -> memref<10240x128xf32, #tpu.memory_space<hbm>>
      tpu.enqueue_indirect_dma source(%dma_start3A_58 : memref<10240x128xf32, #tpu.memory_space<hbm>>) target(%arg11 : memref<100x128xf32, #tpu.memory_space<vmem>>) offsets(%dma_start3A_55 : memref<100xi32, #tpu.memory_space<vmem>>) semaphore(%arg16 : memref<!tpu.dma_semaphore, #tpu.memory_space<semaphore_mem>>)
      %dma_wait3A = arith.constant 0 : i32
      %dma_wait3A_59 = tpu.memref_slice %arg7[%mul3A_17, %dma_wait3A] : memref<100x100xi32, #tpu.memory_space<vmem>> -> memref<1x100xi32, #tpu.memory_space<vmem>>
      %dma_wait3A_60 = tpu.memref_squeeze %dma_wait3A_59 : memref<1x100xi32, #tpu.memory_space<vmem>> -> memref<100xi32, #tpu.memory_space<vmem>>
      %dma_wait3A_61 = arith.constant 0 : i32
      %dma_wait3A_62 = arith.constant 0 : i32
      %dma_wait3A_63 = tpu.memref_slice %arg2[%dma_wait3A_61, %dma_wait3A_62] : memref<10240x128xf32, #tpu.memory_space<hbm>> -> memref<10240x128xf32, #tpu.memory_space<hbm>>
      tpu.wait_indirect_dma semaphore(%arg15 : memref<!tpu.dma_semaphore, #tpu.memory_space<semaphore_mem>>) src(%dma_wait3A_63 : memref<10240x128xf32, #tpu.memory_space<hbm>>) dst(%arg10 : memref<100x128xf32, #tpu.memory_space<vmem>>)
      %dma_wait3A_64 = arith.constant 0 : i32
      %dma_wait3A_65 = arith.constant 0 : i32
      %dma_wait3A_66 = tpu.memref_slice %arg8[%dma_wait3A_64, %dma_wait3A_65] : memref<1x100xi32, #tpu.memory_space<vmem>> -> memref<1x100xi32, #tpu.memory_space<vmem>>
      %dma_wait3A_67 = tpu.memref_squeeze %dma_wait3A_66 : memref<1x100xi32, #tpu.memory_space<vmem>> -> memref<100xi32, #tpu.memory_space<vmem>>
      %dma_wait3A_68 = arith.constant 0 : i32
      %dma_wait3A_69 = tpu.memref_slice %arg4[%add3A, %mul3A_17, %dma_wait3A_68] : memref<32x100x100xi32, #tpu.memory_space<hbm>> -> memref<1x1x100xi32, #tpu.memory_space<hbm>>
      %dma_wait3A_70 = tpu.memref_squeeze %dma_wait3A_69 : memref<1x1x100xi32, #tpu.memory_space<hbm>> -> memref<100xi32, #tpu.memory_space<hbm>>
      %dma_wait3A_71 = arith.constant 0 : i32
      %dma_wait3A_72 = tpu.memref_slice %arg8[%dma_wait3A_64, %dma_wait3A_71] : memref<1x100xi32, #tpu.memory_space<vmem>> -> memref<1x100xi32, #tpu.memory_space<vmem>>
      %dma_wait3A_73 = tpu.memref_squeeze %dma_wait3A_72 : memref<1x100xi32, #tpu.memory_space<vmem>> -> memref<100xi32, #tpu.memory_space<vmem>>
      %dma_wait3A_74 = arith.constant 0 : i32
      %dma_wait3A_75 = tpu.memref_slice %arg4[%add3A, %mul3A_17, %dma_wait3A_74] : memref<32x100x100xi32, #tpu.memory_space<hbm>> -> memref<1x1x100xi32, #tpu.memory_space<hbm>>
      %dma_wait3A_76 = tpu.memref_squeeze %dma_wait3A_75 : memref<1x1x100xi32, #tpu.memory_space<hbm>> -> memref<100xi32, #tpu.memory_space<hbm>>
      tpu.wait_dma2 semaphore(%arg13 : memref<!tpu.dma_semaphore, #tpu.memory_space<semaphore_mem>>) src(%dma_wait3A_76 : memref<100xi32, #tpu.memory_space<hbm>>) dst(%dma_wait3A_73 : memref<100xi32, #tpu.memory_space<vmem>>)
      %run_scoped3A = arith.constant 0 : i32
      "tpu.region"() ({
        %run_scoped3A_98 = tpu.sem_alloc : memref<!tpu.dma_semaphore, #tpu.memory_space<semaphore_mem>>
        %dma_start3A_99 = arith.constant 0 : i32
        %dma_start3A_100 = tpu.memref_slice %arg8[%run_scoped3A, %dma_start3A_99] : memref<1x100xi32, #tpu.memory_space<vmem>> -> memref<1x100xi32, #tpu.memory_space<vmem>>
        %dma_start3A_101 = tpu.memref_squeeze %dma_start3A_100 : memref<1x100xi32, #tpu.memory_space<vmem>> -> memref<100xi32, #tpu.memory_space<vmem>>
        %dma_start3A_102 = arith.constant 0 : i32
        %dma_start3A_103 = arith.constant 0 : i32
        %dma_start3A_104 = tpu.memref_slice %arg12[%dma_start3A_102, %dma_start3A_103] : memref<10240x128xf32, #tpu.memory_space<vmem_shared>> -> memref<10240x128xf32, #tpu.memory_space<vmem_shared>>
        tpu.enqueue_indirect_dma source(%arg10 : memref<100x128xf32, #tpu.memory_space<vmem>>) target(%dma_start3A_104 : memref<10240x128xf32, #tpu.memory_space<vmem_shared>>) offsets(%dma_start3A_101 : memref<100xi32, #tpu.memory_space<vmem>>) semaphore(%run_scoped3A_98 : memref<!tpu.dma_semaphore, #tpu.memory_space<semaphore_mem>>) {add = true}
        %dma_wait3A_105 = arith.constant 0 : i32
        %dma_wait3A_106 = tpu.memref_slice %arg8[%run_scoped3A, %dma_wait3A_105] : memref<1x100xi32, #tpu.memory_space<vmem>> -> memref<1x100xi32, #tpu.memory_space<vmem>>
        %dma_wait3A_107 = tpu.memref_squeeze %dma_wait3A_106 : memref<1x100xi32, #tpu.memory_space<vmem>> -> memref<100xi32, #tpu.memory_space<vmem>>
        %dma_wait3A_108 = arith.constant 0 : i32
        %dma_wait3A_109 = arith.constant 0 : i32
        %dma_wait3A_110 = tpu.memref_slice %arg12[%dma_wait3A_108, %dma_wait3A_109] : memref<10240x128xf32, #tpu.memory_space<vmem_shared>> -> memref<10240x128xf32, #tpu.memory_space<vmem_shared>>
        tpu.wait_indirect_dma semaphore(%run_scoped3A_98 : memref<!tpu.dma_semaphore, #tpu.memory_space<semaphore_mem>>) src(%arg10 : memref<100x128xf32, #tpu.memory_space<vmem>>) dst(%dma_wait3A_110 : memref<10240x128xf32, #tpu.memory_space<vmem_shared>>)
        tpu.yield
      }) : () -> ()
      %dma_wait3A_77 = arith.constant 0 : i32
      %dma_wait3A_78 = tpu.memref_slice %arg7[%add3A_52, %dma_wait3A_77] : memref<100x100xi32, #tpu.memory_space<vmem>> -> memref<1x100xi32, #tpu.memory_space<vmem>>
      %dma_wait3A_79 = tpu.memref_squeeze %dma_wait3A_78 : memref<1x100xi32, #tpu.memory_space<vmem>> -> memref<100xi32, #tpu.memory_space<vmem>>
      %dma_wait3A_80 = arith.constant 0 : i32
      %dma_wait3A_81 = arith.constant 0 : i32
      %dma_wait3A_82 = tpu.memref_slice %arg2[%dma_wait3A_80, %dma_wait3A_81] : memref<10240x128xf32, #tpu.memory_space<hbm>> -> memref<10240x128xf32, #tpu.memory_space<hbm>>
      tpu.wait_indirect_dma semaphore(%arg16 : memref<!tpu.dma_semaphore, #tpu.memory_space<semaphore_mem>>) src(%dma_wait3A_82 : memref<10240x128xf32, #tpu.memory_space<hbm>>) dst(%arg11 : memref<100x128xf32, #tpu.memory_space<vmem>>)
      %dma_wait3A_83 = arith.constant 0 : i32
      %dma_wait3A_84 = arith.constant 0 : i32
      %dma_wait3A_85 = tpu.memref_slice %arg9[%dma_wait3A_83, %dma_wait3A_84] : memref<1x100xi32, #tpu.memory_space<vmem>> -> memref<1x100xi32, #tpu.memory_space<vmem>>
      %dma_wait3A_86 = tpu.memref_squeeze %dma_wait3A_85 : memref<1x100xi32, #tpu.memory_space<vmem>> -> memref<100xi32, #tpu.memory_space<vmem>>
      %dma_wait3A_87 = arith.constant 0 : i32
      %dma_wait3A_88 = tpu.memref_slice %arg4[%add3A, %add3A_31, %dma_wait3A_87] : memref<32x100x100xi32, #tpu.memory_space<hbm>> -> memref<1x1x100xi32, #tpu.memory_space<hbm>>
      %dma_wait3A_89 = tpu.memref_squeeze %dma_wait3A_88 : memref<1x1x100xi32, #tpu.memory_space<hbm>> -> memref<100xi32, #tpu.memory_space<hbm>>
      %dma_wait3A_90 = arith.constant 0 : i32
      %dma_wait3A_91 = tpu.memref_slice %arg9[%dma_wait3A_83, %dma_wait3A_90] : memref<1x100xi32, #tpu.memory_space<vmem>> -> memref<1x100xi32, #tpu.memory_space<vmem>>
      %dma_wait3A_92 = tpu.memref_squeeze %dma_wait3A_91 : memref<1x100xi32, #tpu.memory_space<vmem>> -> memref<100xi32, #tpu.memory_space<vmem>>
      %dma_wait3A_93 = arith.constant 0 : i32
      %dma_wait3A_94 = tpu.memref_slice %arg4[%add3A, %add3A_31, %dma_wait3A_93] : memref<32x100x100xi32, #tpu.memory_space<hbm>> -> memref<1x1x100xi32, #tpu.memory_space<hbm>>
      %dma_wait3A_95 = tpu.memref_squeeze %dma_wait3A_94 : memref<1x1x100xi32, #tpu.memory_space<hbm>> -> memref<100xi32, #tpu.memory_space<hbm>>
      tpu.wait_dma2 semaphore(%arg14 : memref<!tpu.dma_semaphore, #tpu.memory_space<semaphore_mem>>) src(%dma_wait3A_95 : memref<100xi32, #tpu.memory_space<hbm>>) dst(%dma_wait3A_92 : memref<100xi32, #tpu.memory_space<vmem>>)
      %run_scoped3A_96 = arith.constant 0 : i32
      "tpu.region"() ({
        %run_scoped3A_98 = tpu.sem_alloc : memref<!tpu.dma_semaphore, #tpu.memory_space<semaphore_mem>>
        %dma_start3A_99 = arith.constant 0 : i32
        %dma_start3A_100 = tpu.memref_slice %arg9[%run_scoped3A_96, %dma_start3A_99] : memref<1x100xi32, #tpu.memory_space<vmem>> -> memref<1x100xi32, #tpu.memory_space<vmem>>
        %dma_start3A_101 = tpu.memref_squeeze %dma_start3A_100 : memref<1x100xi32, #tpu.memory_space<vmem>> -> memref<100xi32, #tpu.memory_space<vmem>>
        %dma_start3A_102 = arith.constant 0 : i32
        %dma_start3A_103 = arith.constant 0 : i32
        %dma_start3A_104 = tpu.memref_slice %arg12[%dma_start3A_102, %dma_start3A_103] : memref<10240x128xf32, #tpu.memory_space<vmem_shared>> -> memref<10240x128xf32, #tpu.memory_space<vmem_shared>>
        tpu.enqueue_indirect_dma source(%arg11 : memref<100x128xf32, #tpu.memory_space<vmem>>) target(%dma_start3A_104 : memref<10240x128xf32, #tpu.memory_space<vmem_shared>>) offsets(%dma_start3A_101 : memref<100xi32, #tpu.memory_space<vmem>>) semaphore(%run_scoped3A_98 : memref<!tpu.dma_semaphore, #tpu.memory_space<semaphore_mem>>) {add = true}
        %dma_wait3A_105 = arith.constant 0 : i32
        %dma_wait3A_106 = tpu.memref_slice %arg9[%run_scoped3A_96, %dma_wait3A_105] : memref<1x100xi32, #tpu.memory_space<vmem>> -> memref<1x100xi32, #tpu.memory_space<vmem>>
        %dma_wait3A_107 = tpu.memref_squeeze %dma_wait3A_106 : memref<1x100xi32, #tpu.memory_space<vmem>> -> memref<100xi32, #tpu.memory_space<vmem>>
        %dma_wait3A_108 = arith.constant 0 : i32
        %dma_wait3A_109 = arith.constant 0 : i32
        %dma_wait3A_110 = tpu.memref_slice %arg12[%dma_wait3A_108, %dma_wait3A_109] : memref<10240x128xf32, #tpu.memory_space<vmem_shared>> -> memref<10240x128xf32, #tpu.memory_space<vmem_shared>>
        tpu.wait_indirect_dma semaphore(%run_scoped3A_98 : memref<!tpu.dma_semaphore, #tpu.memory_space<semaphore_mem>>) src(%arg11 : memref<100x128xf32, #tpu.memory_space<vmem>>) dst(%dma_wait3A_110 : memref<10240x128xf32, #tpu.memory_space<vmem_shared>>)
        tpu.yield
      }) : () -> ()
      %scan3A_97 = arith.constant 0 : i32
      scf.yield %scan3A_97 : i32
    }
    %scan3A_8 = arith.constant 50 : i32
    %barrier3A_9 = arith.constant 0 : index
    tpu.barrier barrier_id(%barrier3A_9)
    %mul3A_10 = arith.constant 640 : i32
    %mul3A_11 = arith.muli %arg1, %mul3A_10 : i32
    %mul3A_12 = arith.constant 640 : i32
    %mul3A_13 = arith.muli %arg1, %mul3A_12 : i32
    "tpu.region"() ({
      %run_scoped3A = tpu.sem_alloc : memref<!tpu.dma_semaphore, #tpu.memory_space<semaphore_mem>>
      %dma_start3A = arith.constant 0 : i32
      %dma_start3A_14 = tpu.memref_slice %arg6[%arg0, %mul3A_13, %dma_start3A] : memref<2x10240x128xf32, #tpu.memory_space<hbm>> -> memref<1x640x128xf32, #tpu.memory_space<hbm>>
      %dma_start3A_15 = tpu.memref_squeeze %dma_start3A_14 : memref<1x640x128xf32, #tpu.memory_space<hbm>> -> memref<640x128xf32, #tpu.memory_space<hbm>>
      %dma_start3A_16 = arith.constant 0 : i32
      %dma_start3A_17 = tpu.memref_slice %arg12[%mul3A_11, %dma_start3A_16] : memref<10240x128xf32, #tpu.memory_space<vmem_shared>> -> memref<640x128xf32, #tpu.memory_space<vmem_shared>>
      tpu.enqueue_dma source(%dma_start3A_17 : memref<640x128xf32, #tpu.memory_space<vmem_shared>>) target(%dma_start3A_15 : memref<640x128xf32, #tpu.memory_space<hbm>>) target_semaphore(%run_scoped3A : memref<!tpu.dma_semaphore, #tpu.memory_space<semaphore_mem>>)
      %dma_wait3A = arith.constant 0 : i32
      %dma_wait3A_18 = tpu.memref_slice %arg6[%arg0, %mul3A_13, %dma_wait3A] : memref<2x10240x128xf32, #tpu.memory_space<hbm>> -> memref<1x640x128xf32, #tpu.memory_space<hbm>>
      %dma_wait3A_19 = tpu.memref_squeeze %dma_wait3A_18 : memref<1x640x128xf32, #tpu.memory_space<hbm>> -> memref<640x128xf32, #tpu.memory_space<hbm>>
      %dma_wait3A_20 = arith.constant 0 : i32
      %dma_wait3A_21 = tpu.memref_slice %arg12[%mul3A_11, %dma_wait3A_20] : memref<10240x128xf32, #tpu.memory_space<vmem_shared>> -> memref<640x128xf32, #tpu.memory_space<vmem_shared>>
      tpu.wait_dma2 semaphore(%run_scoped3A : memref<!tpu.dma_semaphore, #tpu.memory_space<semaphore_mem>>) src(%dma_wait3A_21 : memref<640x128xf32, #tpu.memory_space<vmem_shared>>) dst(%dma_wait3A_19 : memref<640x128xf32, #tpu.memory_space<hbm>>)
      tpu.yield
    }) : () -> ()
    return
  }
}

#map = affine_map<(d0, d1) -> (0, 0)>
#map1 = affine_map<(d0, d1) -> (0, 0, 0)>
module attributes {stable_mosaic.version = 14 : i64} {
  func.func @_sc_edge_body(%arg0: i32, %arg1: i32, %arg2: memref<10240x128xf32, #tpu.memory_space<hbm>>, %arg3: memref<32x100x100xi32, #tpu.memory_space<hbm>>, %arg4: memref<32x100x100xi32, #tpu.memory_space<hbm>>, %arg5: memref<640x128xf32, #tpu.memory_space<hbm>>, %arg6: memref<2x10240x128xf32, #tpu.memory_space<hbm>>, %arg7: memref<100x100xi32, #tpu.memory_space<vmem>>, %arg8: memref<1x100xi32, #tpu.memory_space<vmem>>, %arg9: memref<1x100xi32, #tpu.memory_space<vmem>>, %arg10: memref<100x128xf32, #tpu.memory_space<vmem>>, %arg11: memref<100x128xf32, #tpu.memory_space<vmem>>, %arg12: memref<10240x128xf32, #tpu.memory_space<vmem_shared>>, %arg13: memref<!tpu.dma_semaphore, #tpu.memory_space<semaphore_mem>>, %arg14: memref<!tpu.dma_semaphore, #tpu.memory_space<semaphore_mem>>, %arg15: memref<!tpu.dma_semaphore, #tpu.memory_space<semaphore_mem>>, %arg16: memref<!tpu.dma_semaphore, #tpu.memory_space<semaphore_mem>>) attributes {dimension_semantics = [#tpu.dimension_semantics<core_parallel>, #tpu.dimension_semantics<subcore_parallel>], iteration_bounds = array<i64: 2, 16>, scalar_prefetch = 0 : i64, scratch_operands = 10 : i64, tpu.core_type = #tpu.core_type<sc_vector_subcore>, window_params = [{transform_indices = #map}, {transform_indices = #map1}, {transform_indices = #map1}, {transform_indices = #map}, {transform_indices = #map1}]} {
    %mul3A = arith.constant 16 : i32
    %mul3A_0 = arith.muli %arg0, %mul3A : i32
    %add3A = arith.addi %mul3A_0, %arg1 : i32
    %mul3A_1 = arith.constant 640 : i32
    %mul3A_2 = arith.muli %arg1, %mul3A_1 : i32
    "tpu.region"() ({
      %run_scoped3A = tpu.sem_alloc : memref<!tpu.dma_semaphore, #tpu.memory_space<semaphore_mem>>
      %dma_start3A = arith.constant 0 : i32
      %dma_start3A_14 = tpu.memref_slice %arg12[%mul3A_2, %dma_start3A] : memref<10240x128xf32, #tpu.memory_space<vmem_shared>> -> memref<640x128xf32, #tpu.memory_space<vmem_shared>>
      tpu.enqueue_dma source(%arg5 : memref<640x128xf32, #tpu.memory_space<hbm>>) target(%dma_start3A_14 : memref<640x128xf32, #tpu.memory_space<vmem_shared>>) target_semaphore(%run_scoped3A : memref<!tpu.dma_semaphore, #tpu.memory_space<semaphore_mem>>)
      %dma_wait3A = arith.constant 0 : i32
      %dma_wait3A_15 = tpu.memref_slice %arg12[%mul3A_2, %dma_wait3A] : memref<10240x128xf32, #tpu.memory_space<vmem_shared>> -> memref<640x128xf32, #tpu.memory_space<vmem_shared>>
      tpu.wait_dma2 semaphore(%run_scoped3A : memref<!tpu.dma_semaphore, #tpu.memory_space<semaphore_mem>>) src(%arg5 : memref<640x128xf32, #tpu.memory_space<hbm>>) dst(%dma_wait3A_15 : memref<640x128xf32, #tpu.memory_space<vmem_shared>>)
      tpu.yield
    }) : () -> ()
    "tpu.region"() ({
      %run_scoped3A = tpu.sem_alloc : memref<!tpu.dma_semaphore, #tpu.memory_space<semaphore_mem>>
      %dma_start3A = arith.constant 0 : i32
      %dma_start3A_14 = arith.constant 0 : i32
      %dma_start3A_15 = tpu.memref_slice %arg3[%add3A, %dma_start3A, %dma_start3A_14] : memref<32x100x100xi32, #tpu.memory_space<hbm>> -> memref<1x100x100xi32, #tpu.memory_space<hbm>>
      %dma_start3A_16 = tpu.memref_squeeze %dma_start3A_15 : memref<1x100x100xi32, #tpu.memory_space<hbm>> -> memref<100x100xi32, #tpu.memory_space<hbm>>
      %dma_start3A_17 = arith.constant 0 : i32
      %dma_start3A_18 = arith.constant 0 : i32
      %dma_start3A_19 = tpu.memref_slice %arg3[%add3A, %dma_start3A_17, %dma_start3A_18] : memref<32x100x100xi32, #tpu.memory_space<hbm>> -> memref<1x100x100xi32, #tpu.memory_space<hbm>>
      %dma_start3A_20 = tpu.memref_squeeze %dma_start3A_19 : memref<1x100x100xi32, #tpu.memory_space<hbm>> -> memref<100x100xi32, #tpu.memory_space<hbm>>
      tpu.enqueue_dma source(%dma_start3A_20 : memref<100x100xi32, #tpu.memory_space<hbm>>) target(%arg7 : memref<100x100xi32, #tpu.memory_space<vmem>>) target_semaphore(%run_scoped3A : memref<!tpu.dma_semaphore, #tpu.memory_space<semaphore_mem>>)
      %dma_wait3A = arith.constant 0 : i32
      %dma_wait3A_21 = arith.constant 0 : i32
      %dma_wait3A_22 = tpu.memref_slice %arg3[%add3A, %dma_wait3A, %dma_wait3A_21] : memref<32x100x100xi32, #tpu.memory_space<hbm>> -> memref<1x100x100xi32, #tpu.memory_space<hbm>>
      %dma_wait3A_23 = tpu.memref_squeeze %dma_wait3A_22 : memref<1x100x100xi32, #tpu.memory_space<hbm>> -> memref<100x100xi32, #tpu.memory_space<hbm>>
      %dma_wait3A_24 = arith.constant 0 : i32
      %dma_wait3A_25 = arith.constant 0 : i32
      %dma_wait3A_26 = tpu.memref_slice %arg3[%add3A, %dma_wait3A_24, %dma_wait3A_25] : memref<32x100x100xi32, #tpu.memory_space<hbm>> -> memref<1x100x100xi32, #tpu.memory_space<hbm>>
      %dma_wait3A_27 = tpu.memref_squeeze %dma_wait3A_26 : memref<1x100x100xi32, #tpu.memory_space<hbm>> -> memref<100x100xi32, #tpu.memory_space<hbm>>
      tpu.wait_dma2 semaphore(%run_scoped3A : memref<!tpu.dma_semaphore, #tpu.memory_space<semaphore_mem>>) src(%dma_wait3A_27 : memref<100x100xi32, #tpu.memory_space<hbm>>) dst(%arg7 : memref<100x100xi32, #tpu.memory_space<vmem>>)
      tpu.yield
    }) : () -> ()
    %barrier3A = arith.constant 0 : index
    tpu.barrier barrier_id(%barrier3A)
    %scan3A = arith.constant 0 : i32
    %scan3A_3 = arith.constant 0 : i32
    %scan3A_4 = arith.constant 50 : i32
    %scan3A_5 = arith.addi %scan3A_3, %scan3A_4 : i32
    %scan3A_6 = arith.constant 1 : i32
    %scan3A_7 = scf.for %scan3A_14 = %scan3A_3 to %scan3A_5 step %scan3A_6 iter_args(%scan3A_15 = %scan3A) -> (i32)  : i32 {
      %mul3A_16 = arith.constant 2 : i32
      %mul3A_17 = arith.muli %mul3A_16, %scan3A_14 : i32
      %dma_start3A = arith.constant 0 : i32
      %dma_start3A_18 = arith.constant 0 : i32
      %dma_start3A_19 = tpu.memref_slice %arg8[%dma_start3A, %dma_start3A_18] : memref<1x100xi32, #tpu.memory_space<vmem>> -> memref<1x100xi32, #tpu.memory_space<vmem>>
      %dma_start3A_20 = tpu.memref_squeeze %dma_start3A_19 : memref<1x100xi32, #tpu.memory_space<vmem>> -> memref<100xi32, #tpu.memory_space<vmem>>
      %dma_start3A_21 = arith.constant 0 : i32
      %dma_start3A_22 = tpu.memref_slice %arg4[%add3A, %mul3A_17, %dma_start3A_21] : memref<32x100x100xi32, #tpu.memory_space<hbm>> -> memref<1x1x100xi32, #tpu.memory_space<hbm>>
      %dma_start3A_23 = tpu.memref_squeeze %dma_start3A_22 : memref<1x1x100xi32, #tpu.memory_space<hbm>> -> memref<100xi32, #tpu.memory_space<hbm>>
      %dma_start3A_24 = arith.constant 0 : i32
      %dma_start3A_25 = tpu.memref_slice %arg8[%dma_start3A, %dma_start3A_24] : memref<1x100xi32, #tpu.memory_space<vmem>> -> memref<1x100xi32, #tpu.memory_space<vmem>>
      %dma_start3A_26 = tpu.memref_squeeze %dma_start3A_25 : memref<1x100xi32, #tpu.memory_space<vmem>> -> memref<100xi32, #tpu.memory_space<vmem>>
      %dma_start3A_27 = arith.constant 0 : i32
      %dma_start3A_28 = tpu.memref_slice %arg4[%add3A, %mul3A_17, %dma_start3A_27] : memref<32x100x100xi32, #tpu.memory_space<hbm>> -> memref<1x1x100xi32, #tpu.memory_space<hbm>>
      %dma_start3A_29 = tpu.memref_squeeze %dma_start3A_28 : memref<1x1x100xi32, #tpu.memory_space<hbm>> -> memref<100xi32, #tpu.memory_space<hbm>>
      tpu.enqueue_dma source(%dma_start3A_29 : memref<100xi32, #tpu.memory_space<hbm>>) target(%dma_start3A_26 : memref<100xi32, #tpu.memory_space<vmem>>) target_semaphore(%arg13 : memref<!tpu.dma_semaphore, #tpu.memory_space<semaphore_mem>>)
      %add3A_30 = arith.constant 1 : i32
      %add3A_31 = arith.addi %mul3A_17, %add3A_30 : i32
      %dma_start3A_32 = arith.constant 0 : i32
      %dma_start3A_33 = arith.constant 0 : i32
      %dma_start3A_34 = tpu.memref_slice %arg9[%dma_start3A_32, %dma_start3A_33] : memref<1x100xi32, #tpu.memory_space<vmem>> -> memref<1x100xi32, #tpu.memory_space<vmem>>
      %dma_start3A_35 = tpu.memref_squeeze %dma_start3A_34 : memref<1x100xi32, #tpu.memory_space<vmem>> -> memref<100xi32, #tpu.memory_space<vmem>>
      %dma_start3A_36 = arith.constant 0 : i32
      %dma_start3A_37 = tpu.memref_slice %arg4[%add3A, %add3A_31, %dma_start3A_36] : memref<32x100x100xi32, #tpu.memory_space<hbm>> -> memref<1x1x100xi32, #tpu.memory_space<hbm>>
      %dma_start3A_38 = tpu.memref_squeeze %dma_start3A_37 : memref<1x1x100xi32, #tpu.memory_space<hbm>> -> memref<100xi32, #tpu.memory_space<hbm>>
      %dma_start3A_39 = arith.constant 0 : i32
      %dma_start3A_40 = tpu.memref_slice %arg9[%dma_start3A_32, %dma_start3A_39] : memref<1x100xi32, #tpu.memory_space<vmem>> -> memref<1x100xi32, #tpu.memory_space<vmem>>
      %dma_start3A_41 = tpu.memref_squeeze %dma_start3A_40 : memref<1x100xi32, #tpu.memory_space<vmem>> -> memref<100xi32, #tpu.memory_space<vmem>>
      %dma_start3A_42 = arith.constant 0 : i32
      %dma_start3A_43 = tpu.memref_slice %arg4[%add3A, %add3A_31, %dma_start3A_42] : memref<32x100x100xi32, #tpu.memory_space<hbm>> -> memref<1x1x100xi32, #tpu.memory_space<hbm>>
      %dma_start3A_44 = tpu.memref_squeeze %dma_start3A_43 : memref<1x1x100xi32, #tpu.memory_space<hbm>> -> memref<100xi32, #tpu.memory_space<hbm>>
      tpu.enqueue_dma source(%dma_start3A_44 : memref<100xi32, #tpu.memory_space<hbm>>) target(%dma_start3A_41 : memref<100xi32, #tpu.memory_space<vmem>>) target_semaphore(%arg14 : memref<!tpu.dma_semaphore, #tpu.memory_space<semaphore_mem>>)
      %dma_start3A_45 = arith.constant 0 : i32
      %dma_start3A_46 = tpu.memref_slice %arg7[%mul3A_17, %dma_start3A_45] : memref<100x100xi32, #tpu.memory_space<vmem>> -> memref<1x100xi32, #tpu.memory_space<vmem>>
      %dma_start3A_47 = tpu.memref_squeeze %dma_start3A_46 : memref<1x100xi32, #tpu.memory_space<vmem>> -> memref<100xi32, #tpu.memory_space<vmem>>
      %dma_start3A_48 = arith.constant 0 : i32
      %dma_start3A_49 = arith.constant 0 : i32
      %dma_start3A_50 = tpu.memref_slice %arg2[%dma_start3A_48, %dma_start3A_49] : memref<10240x128xf32, #tpu.memory_space<hbm>> -> memref<10240x128xf32, #tpu.memory_space<hbm>>
      tpu.enqueue_indirect_dma source(%dma_start3A_50 : memref<10240x128xf32, #tpu.memory_space<hbm>>) target(%arg10 : memref<100x128xf32, #tpu.memory_space<vmem>>) offsets(%dma_start3A_47 : memref<100xi32, #tpu.memory_space<vmem>>) semaphore(%arg15 : memref<!tpu.dma_semaphore, #tpu.memory_space<semaphore_mem>>)
      %add3A_51 = arith.constant 1 : i32
      %add3A_52 = arith.addi %mul3A_17, %add3A_51 : i32
      %dma_start3A_53 = arith.constant 0 : i32
      %dma_start3A_54 = tpu.memref_slice %arg7[%add3A_52, %dma_start3A_53] : memref<100x100xi32, #tpu.memory_space<vmem>> -> memref<1x100xi32, #tpu.memory_space<vmem>>
      %dma_start3A_55 = tpu.memref_squeeze %dma_start3A_54 : memref<1x100xi32, #tpu.memory_space<vmem>> -> memref<100xi32, #tpu.memory_space<vmem>>
      %dma_start3A_56 = arith.constant 0 : i32
      %dma_start3A_57 = arith.constant 0 : i32
      %dma_start3A_58 = tpu.memref_slice %arg2[%dma_start3A_56, %dma_start3A_57] : memref<10240x128xf32, #tpu.memory_space<hbm>> -> memref<10240x128xf32, #tpu.memory_space<hbm>>
      tpu.enqueue_indirect_dma source(%dma_start3A_58 : memref<10240x128xf32, #tpu.memory_space<hbm>>) target(%arg11 : memref<100x128xf32, #tpu.memory_space<vmem>>) offsets(%dma_start3A_55 : memref<100xi32, #tpu.memory_space<vmem>>) semaphore(%arg16 : memref<!tpu.dma_semaphore, #tpu.memory_space<semaphore_mem>>)
      %dma_wait3A = arith.constant 0 : i32
      %dma_wait3A_59 = tpu.memref_slice %arg7[%mul3A_17, %dma_wait3A] : memref<100x100xi32, #tpu.memory_space<vmem>> -> memref<1x100xi32, #tpu.memory_space<vmem>>
      %dma_wait3A_60 = tpu.memref_squeeze %dma_wait3A_59 : memref<1x100xi32, #tpu.memory_space<vmem>> -> memref<100xi32, #tpu.memory_space<vmem>>
      %dma_wait3A_61 = arith.constant 0 : i32
      %dma_wait3A_62 = arith.constant 0 : i32
      %dma_wait3A_63 = tpu.memref_slice %arg2[%dma_wait3A_61, %dma_wait3A_62] : memref<10240x128xf32, #tpu.memory_space<hbm>> -> memref<10240x128xf32, #tpu.memory_space<hbm>>
      tpu.wait_indirect_dma semaphore(%arg15 : memref<!tpu.dma_semaphore, #tpu.memory_space<semaphore_mem>>) src(%dma_wait3A_63 : memref<10240x128xf32, #tpu.memory_space<hbm>>) dst(%arg10 : memref<100x128xf32, #tpu.memory_space<vmem>>)
      %dma_wait3A_64 = arith.constant 0 : i32
      %dma_wait3A_65 = arith.constant 0 : i32
      %dma_wait3A_66 = tpu.memref_slice %arg8[%dma_wait3A_64, %dma_wait3A_65] : memref<1x100xi32, #tpu.memory_space<vmem>> -> memref<1x100xi32, #tpu.memory_space<vmem>>
      %dma_wait3A_67 = tpu.memref_squeeze %dma_wait3A_66 : memref<1x100xi32, #tpu.memory_space<vmem>> -> memref<100xi32, #tpu.memory_space<vmem>>
      %dma_wait3A_68 = arith.constant 0 : i32
      %dma_wait3A_69 = tpu.memref_slice %arg4[%add3A, %mul3A_17, %dma_wait3A_68] : memref<32x100x100xi32, #tpu.memory_space<hbm>> -> memref<1x1x100xi32, #tpu.memory_space<hbm>>
      %dma_wait3A_70 = tpu.memref_squeeze %dma_wait3A_69 : memref<1x1x100xi32, #tpu.memory_space<hbm>> -> memref<100xi32, #tpu.memory_space<hbm>>
      %dma_wait3A_71 = arith.constant 0 : i32
      %dma_wait3A_72 = tpu.memref_slice %arg8[%dma_wait3A_64, %dma_wait3A_71] : memref<1x100xi32, #tpu.memory_space<vmem>> -> memref<1x100xi32, #tpu.memory_space<vmem>>
      %dma_wait3A_73 = tpu.memref_squeeze %dma_wait3A_72 : memref<1x100xi32, #tpu.memory_space<vmem>> -> memref<100xi32, #tpu.memory_space<vmem>>
      %dma_wait3A_74 = arith.constant 0 : i32
      %dma_wait3A_75 = tpu.memref_slice %arg4[%add3A, %mul3A_17, %dma_wait3A_74] : memref<32x100x100xi32, #tpu.memory_space<hbm>> -> memref<1x1x100xi32, #tpu.memory_space<hbm>>
      %dma_wait3A_76 = tpu.memref_squeeze %dma_wait3A_75 : memref<1x1x100xi32, #tpu.memory_space<hbm>> -> memref<100xi32, #tpu.memory_space<hbm>>
      tpu.wait_dma2 semaphore(%arg13 : memref<!tpu.dma_semaphore, #tpu.memory_space<semaphore_mem>>) src(%dma_wait3A_76 : memref<100xi32, #tpu.memory_space<hbm>>) dst(%dma_wait3A_73 : memref<100xi32, #tpu.memory_space<vmem>>)
      %run_scoped3A = arith.constant 0 : i32
      "tpu.region"() ({
        %run_scoped3A_98 = tpu.sem_alloc : memref<!tpu.dma_semaphore, #tpu.memory_space<semaphore_mem>>
        %dma_start3A_99 = arith.constant 0 : i32
        %dma_start3A_100 = tpu.memref_slice %arg8[%run_scoped3A, %dma_start3A_99] : memref<1x100xi32, #tpu.memory_space<vmem>> -> memref<1x100xi32, #tpu.memory_space<vmem>>
        %dma_start3A_101 = tpu.memref_squeeze %dma_start3A_100 : memref<1x100xi32, #tpu.memory_space<vmem>> -> memref<100xi32, #tpu.memory_space<vmem>>
        %dma_start3A_102 = arith.constant 0 : i32
        %dma_start3A_103 = arith.constant 0 : i32
        %dma_start3A_104 = tpu.memref_slice %arg12[%dma_start3A_102, %dma_start3A_103] : memref<10240x128xf32, #tpu.memory_space<vmem_shared>> -> memref<10240x128xf32, #tpu.memory_space<vmem_shared>>
        tpu.enqueue_indirect_dma source(%arg10 : memref<100x128xf32, #tpu.memory_space<vmem>>) target(%dma_start3A_104 : memref<10240x128xf32, #tpu.memory_space<vmem_shared>>) offsets(%dma_start3A_101 : memref<100xi32, #tpu.memory_space<vmem>>) semaphore(%run_scoped3A_98 : memref<!tpu.dma_semaphore, #tpu.memory_space<semaphore_mem>>) {add = true}
        %dma_wait3A_105 = arith.constant 0 : i32
        %dma_wait3A_106 = tpu.memref_slice %arg8[%run_scoped3A, %dma_wait3A_105] : memref<1x100xi32, #tpu.memory_space<vmem>> -> memref<1x100xi32, #tpu.memory_space<vmem>>
        %dma_wait3A_107 = tpu.memref_squeeze %dma_wait3A_106 : memref<1x100xi32, #tpu.memory_space<vmem>> -> memref<100xi32, #tpu.memory_space<vmem>>
        %dma_wait3A_108 = arith.constant 0 : i32
        %dma_wait3A_109 = arith.constant 0 : i32
        %dma_wait3A_110 = tpu.memref_slice %arg12[%dma_wait3A_108, %dma_wait3A_109] : memref<10240x128xf32, #tpu.memory_space<vmem_shared>> -> memref<10240x128xf32, #tpu.memory_space<vmem_shared>>
        tpu.wait_indirect_dma semaphore(%run_scoped3A_98 : memref<!tpu.dma_semaphore, #tpu.memory_space<semaphore_mem>>) src(%arg10 : memref<100x128xf32, #tpu.memory_space<vmem>>) dst(%dma_wait3A_110 : memref<10240x128xf32, #tpu.memory_space<vmem_shared>>)
        tpu.yield
      }) : () -> ()
      %dma_wait3A_77 = arith.constant 0 : i32
      %dma_wait3A_78 = tpu.memref_slice %arg7[%add3A_52, %dma_wait3A_77] : memref<100x100xi32, #tpu.memory_space<vmem>> -> memref<1x100xi32, #tpu.memory_space<vmem>>
      %dma_wait3A_79 = tpu.memref_squeeze %dma_wait3A_78 : memref<1x100xi32, #tpu.memory_space<vmem>> -> memref<100xi32, #tpu.memory_space<vmem>>
      %dma_wait3A_80 = arith.constant 0 : i32
      %dma_wait3A_81 = arith.constant 0 : i32
      %dma_wait3A_82 = tpu.memref_slice %arg2[%dma_wait3A_80, %dma_wait3A_81] : memref<10240x128xf32, #tpu.memory_space<hbm>> -> memref<10240x128xf32, #tpu.memory_space<hbm>>
      tpu.wait_indirect_dma semaphore(%arg16 : memref<!tpu.dma_semaphore, #tpu.memory_space<semaphore_mem>>) src(%dma_wait3A_82 : memref<10240x128xf32, #tpu.memory_space<hbm>>) dst(%arg11 : memref<100x128xf32, #tpu.memory_space<vmem>>)
      %dma_wait3A_83 = arith.constant 0 : i32
      %dma_wait3A_84 = arith.constant 0 : i32
      %dma_wait3A_85 = tpu.memref_slice %arg9[%dma_wait3A_83, %dma_wait3A_84] : memref<1x100xi32, #tpu.memory_space<vmem>> -> memref<1x100xi32, #tpu.memory_space<vmem>>
      %dma_wait3A_86 = tpu.memref_squeeze %dma_wait3A_85 : memref<1x100xi32, #tpu.memory_space<vmem>> -> memref<100xi32, #tpu.memory_space<vmem>>
      %dma_wait3A_87 = arith.constant 0 : i32
      %dma_wait3A_88 = tpu.memref_slice %arg4[%add3A, %add3A_31, %dma_wait3A_87] : memref<32x100x100xi32, #tpu.memory_space<hbm>> -> memref<1x1x100xi32, #tpu.memory_space<hbm>>
      %dma_wait3A_89 = tpu.memref_squeeze %dma_wait3A_88 : memref<1x1x100xi32, #tpu.memory_space<hbm>> -> memref<100xi32, #tpu.memory_space<hbm>>
      %dma_wait3A_90 = arith.constant 0 : i32
      %dma_wait3A_91 = tpu.memref_slice %arg9[%dma_wait3A_83, %dma_wait3A_90] : memref<1x100xi32, #tpu.memory_space<vmem>> -> memref<1x100xi32, #tpu.memory_space<vmem>>
      %dma_wait3A_92 = tpu.memref_squeeze %dma_wait3A_91 : memref<1x100xi32, #tpu.memory_space<vmem>> -> memref<100xi32, #tpu.memory_space<vmem>>
      %dma_wait3A_93 = arith.constant 0 : i32
      %dma_wait3A_94 = tpu.memref_slice %arg4[%add3A, %add3A_31, %dma_wait3A_93] : memref<32x100x100xi32, #tpu.memory_space<hbm>> -> memref<1x1x100xi32, #tpu.memory_space<hbm>>
      %dma_wait3A_95 = tpu.memref_squeeze %dma_wait3A_94 : memref<1x1x100xi32, #tpu.memory_space<hbm>> -> memref<100xi32, #tpu.memory_space<hbm>>
      tpu.wait_dma2 semaphore(%arg14 : memref<!tpu.dma_semaphore, #tpu.memory_space<semaphore_mem>>) src(%dma_wait3A_95 : memref<100xi32, #tpu.memory_space<hbm>>) dst(%dma_wait3A_92 : memref<100xi32, #tpu.memory_space<vmem>>)
      %run_scoped3A_96 = arith.constant 0 : i32
      "tpu.region"() ({
        %run_scoped3A_98 = tpu.sem_alloc : memref<!tpu.dma_semaphore, #tpu.memory_space<semaphore_mem>>
        %dma_start3A_99 = arith.constant 0 : i32
        %dma_start3A_100 = tpu.memref_slice %arg9[%run_scoped3A_96, %dma_start3A_99] : memref<1x100xi32, #tpu.memory_space<vmem>> -> memref<1x100xi32, #tpu.memory_space<vmem>>
        %dma_start3A_101 = tpu.memref_squeeze %dma_start3A_100 : memref<1x100xi32, #tpu.memory_space<vmem>> -> memref<100xi32, #tpu.memory_space<vmem>>
        %dma_start3A_102 = arith.constant 0 : i32
        %dma_start3A_103 = arith.constant 0 : i32
        %dma_start3A_104 = tpu.memref_slice %arg12[%dma_start3A_102, %dma_start3A_103] : memref<10240x128xf32, #tpu.memory_space<vmem_shared>> -> memref<10240x128xf32, #tpu.memory_space<vmem_shared>>
        tpu.enqueue_indirect_dma source(%arg11 : memref<100x128xf32, #tpu.memory_space<vmem>>) target(%dma_start3A_104 : memref<10240x128xf32, #tpu.memory_space<vmem_shared>>) offsets(%dma_start3A_101 : memref<100xi32, #tpu.memory_space<vmem>>) semaphore(%run_scoped3A_98 : memref<!tpu.dma_semaphore, #tpu.memory_space<semaphore_mem>>) {add = true}
        %dma_wait3A_105 = arith.constant 0 : i32
        %dma_wait3A_106 = tpu.memref_slice %arg9[%run_scoped3A_96, %dma_wait3A_105] : memref<1x100xi32, #tpu.memory_space<vmem>> -> memref<1x100xi32, #tpu.memory_space<vmem>>
        %dma_wait3A_107 = tpu.memref_squeeze %dma_wait3A_106 : memref<1x100xi32, #tpu.memory_space<vmem>> -> memref<100xi32, #tpu.memory_space<vmem>>
        %dma_wait3A_108 = arith.constant 0 : i32
        %dma_wait3A_109 = arith.constant 0 : i32
        %dma_wait3A_110 = tpu.memref_slice %arg12[%dma_wait3A_108, %dma_wait3A_109] : memref<10240x128xf32, #tpu.memory_space<vmem_shared>> -> memref<10240x128xf32, #tpu.memory_space<vmem_shared>>
        tpu.wait_indirect_dma semaphore(%run_scoped3A_98 : memref<!tpu.dma_semaphore, #tpu.memory_space<semaphore_mem>>) src(%arg11 : memref<100x128xf32, #tpu.memory_space<vmem>>) dst(%dma_wait3A_110 : memref<10240x128xf32, #tpu.memory_space<vmem_shared>>)
        tpu.yield
      }) : () -> ()
      %scan3A_97 = arith.constant 0 : i32
      scf.yield %scan3A_97 : i32
    }
    %scan3A_8 = arith.constant 50 : i32
    %barrier3A_9 = arith.constant 0 : index
    tpu.barrier barrier_id(%barrier3A_9)
    %mul3A_10 = arith.constant 640 : i32
    %mul3A_11 = arith.muli %arg1, %mul3A_10 : i32
    %mul3A_12 = arith.constant 640 : i32
    %mul3A_13 = arith.muli %arg1, %mul3A_12 : i32
    "tpu.region"() ({
      %run_scoped3A = tpu.sem_alloc : memref<!tpu.dma_semaphore, #tpu.memory_space<semaphore_mem>>
      %dma_start3A = arith.constant 0 : i32
      %dma_start3A_14 = tpu.memref_slice %arg6[%arg0, %mul3A_13, %dma_start3A] : memref<2x10240x128xf32, #tpu.memory_space<hbm>> -> memref<1x640x128xf32, #tpu.memory_space<hbm>>
      %dma_start3A_15 = tpu.memref_squeeze %dma_start3A_14 : memref<1x640x128xf32, #tpu.memory_space<hbm>> -> memref<640x128xf32, #tpu.memory_space<hbm>>
      %dma_start3A_16 = arith.constant 0 : i32
      %dma_start3A_17 = tpu.memref_slice %arg12[%mul3A_11, %dma_start3A_16] : memref<10240x128xf32, #tpu.memory_space<vmem_shared>> -> memref<640x128xf32, #tpu.memory_space<vmem_shared>>
      tpu.enqueue_dma source(%dma_start3A_17 : memref<640x128xf32, #tpu.memory_space<vmem_shared>>) target(%dma_start3A_15 : memref<640x128xf32, #tpu.memory_space<hbm>>) target_semaphore(%run_scoped3A : memref<!tpu.dma_semaphore, #tpu.memory_space<semaphore_mem>>)
      %dma_wait3A = arith.constant 0 : i32
      %dma_wait3A_18 = tpu.memref_slice %arg6[%arg0, %mul3A_13, %dma_wait3A] : memref<2x10240x128xf32, #tpu.memory_space<hbm>> -> memref<1x640x128xf32, #tpu.memory_space<hbm>>
      %dma_wait3A_19 = tpu.memref_squeeze %dma_wait3A_18 : memref<1x640x128xf32, #tpu.memory_space<hbm>> -> memref<640x128xf32, #tpu.memory_space<hbm>>
      %dma_wait3A_20 = arith.constant 0 : i32
      %dma_wait3A_21 = tpu.memref_slice %arg12[%mul3A_11, %dma_wait3A_20] : memref<10240x128xf32, #tpu.memory_space<vmem_shared>> -> memref<640x128xf32, #tpu.memory_space<vmem_shared>>
      tpu.wait_dma2 semaphore(%run_scoped3A : memref<!tpu.dma_semaphore, #tpu.memory_space<semaphore_mem>>) src(%dma_wait3A_21 : memref<640x128xf32, #tpu.memory_space<vmem_shared>>) dst(%dma_wait3A_19 : memref<640x128xf32, #tpu.memory_space<hbm>>)
      tpu.yield
    }) : () -> ()
    return
  }
}

#map = affine_map<(d0, d1) -> (0, 0)>
#map1 = affine_map<(d0, d1) -> (0, 0, 0)>
module attributes {stable_mosaic.version = 14 : i64} {
  func.func @_sc_edge_body(%arg0: i32, %arg1: i32, %arg2: memref<10240x128xf32, #tpu.memory_space<hbm>>, %arg3: memref<32x100x100xi32, #tpu.memory_space<hbm>>, %arg4: memref<32x100x100xi32, #tpu.memory_space<hbm>>, %arg5: memref<640x128xf32, #tpu.memory_space<hbm>>, %arg6: memref<2x10240x128xf32, #tpu.memory_space<hbm>>, %arg7: memref<100x100xi32, #tpu.memory_space<vmem>>, %arg8: memref<1x100xi32, #tpu.memory_space<vmem>>, %arg9: memref<1x100xi32, #tpu.memory_space<vmem>>, %arg10: memref<100x128xf32, #tpu.memory_space<vmem>>, %arg11: memref<100x128xf32, #tpu.memory_space<vmem>>, %arg12: memref<10240x128xf32, #tpu.memory_space<vmem_shared>>, %arg13: memref<!tpu.dma_semaphore, #tpu.memory_space<semaphore_mem>>, %arg14: memref<!tpu.dma_semaphore, #tpu.memory_space<semaphore_mem>>, %arg15: memref<!tpu.dma_semaphore, #tpu.memory_space<semaphore_mem>>, %arg16: memref<!tpu.dma_semaphore, #tpu.memory_space<semaphore_mem>>) attributes {dimension_semantics = [#tpu.dimension_semantics<core_parallel>, #tpu.dimension_semantics<subcore_parallel>], iteration_bounds = array<i64: 2, 16>, scalar_prefetch = 0 : i64, scratch_operands = 10 : i64, tpu.core_type = #tpu.core_type<sc_vector_subcore>, window_params = [{transform_indices = #map}, {transform_indices = #map1}, {transform_indices = #map1}, {transform_indices = #map}, {transform_indices = #map1}]} {
    %mul3A = arith.constant 16 : i32
    %mul3A_0 = arith.muli %arg0, %mul3A : i32
    %add3A = arith.addi %mul3A_0, %arg1 : i32
    %mul3A_1 = arith.constant 640 : i32
    %mul3A_2 = arith.muli %arg1, %mul3A_1 : i32
    "tpu.region"() ({
      %run_scoped3A = tpu.sem_alloc : memref<!tpu.dma_semaphore, #tpu.memory_space<semaphore_mem>>
      %dma_start3A = arith.constant 0 : i32
      %dma_start3A_14 = tpu.memref_slice %arg12[%mul3A_2, %dma_start3A] : memref<10240x128xf32, #tpu.memory_space<vmem_shared>> -> memref<640x128xf32, #tpu.memory_space<vmem_shared>>
      tpu.enqueue_dma source(%arg5 : memref<640x128xf32, #tpu.memory_space<hbm>>) target(%dma_start3A_14 : memref<640x128xf32, #tpu.memory_space<vmem_shared>>) target_semaphore(%run_scoped3A : memref<!tpu.dma_semaphore, #tpu.memory_space<semaphore_mem>>)
      %dma_wait3A = arith.constant 0 : i32
      %dma_wait3A_15 = tpu.memref_slice %arg12[%mul3A_2, %dma_wait3A] : memref<10240x128xf32, #tpu.memory_space<vmem_shared>> -> memref<640x128xf32, #tpu.memory_space<vmem_shared>>
      tpu.wait_dma2 semaphore(%run_scoped3A : memref<!tpu.dma_semaphore, #tpu.memory_space<semaphore_mem>>) src(%arg5 : memref<640x128xf32, #tpu.memory_space<hbm>>) dst(%dma_wait3A_15 : memref<640x128xf32, #tpu.memory_space<vmem_shared>>)
      tpu.yield
    }) : () -> ()
    "tpu.region"() ({
      %run_scoped3A = tpu.sem_alloc : memref<!tpu.dma_semaphore, #tpu.memory_space<semaphore_mem>>
      %dma_start3A = arith.constant 0 : i32
      %dma_start3A_14 = arith.constant 0 : i32
      %dma_start3A_15 = tpu.memref_slice %arg3[%add3A, %dma_start3A, %dma_start3A_14] : memref<32x100x100xi32, #tpu.memory_space<hbm>> -> memref<1x100x100xi32, #tpu.memory_space<hbm>>
      %dma_start3A_16 = tpu.memref_squeeze %dma_start3A_15 : memref<1x100x100xi32, #tpu.memory_space<hbm>> -> memref<100x100xi32, #tpu.memory_space<hbm>>
      %dma_start3A_17 = arith.constant 0 : i32
      %dma_start3A_18 = arith.constant 0 : i32
      %dma_start3A_19 = tpu.memref_slice %arg3[%add3A, %dma_start3A_17, %dma_start3A_18] : memref<32x100x100xi32, #tpu.memory_space<hbm>> -> memref<1x100x100xi32, #tpu.memory_space<hbm>>
      %dma_start3A_20 = tpu.memref_squeeze %dma_start3A_19 : memref<1x100x100xi32, #tpu.memory_space<hbm>> -> memref<100x100xi32, #tpu.memory_space<hbm>>
      tpu.enqueue_dma source(%dma_start3A_20 : memref<100x100xi32, #tpu.memory_space<hbm>>) target(%arg7 : memref<100x100xi32, #tpu.memory_space<vmem>>) target_semaphore(%run_scoped3A : memref<!tpu.dma_semaphore, #tpu.memory_space<semaphore_mem>>)
      %dma_wait3A = arith.constant 0 : i32
      %dma_wait3A_21 = arith.constant 0 : i32
      %dma_wait3A_22 = tpu.memref_slice %arg3[%add3A, %dma_wait3A, %dma_wait3A_21] : memref<32x100x100xi32, #tpu.memory_space<hbm>> -> memref<1x100x100xi32, #tpu.memory_space<hbm>>
      %dma_wait3A_23 = tpu.memref_squeeze %dma_wait3A_22 : memref<1x100x100xi32, #tpu.memory_space<hbm>> -> memref<100x100xi32, #tpu.memory_space<hbm>>
      %dma_wait3A_24 = arith.constant 0 : i32
      %dma_wait3A_25 = arith.constant 0 : i32
      %dma_wait3A_26 = tpu.memref_slice %arg3[%add3A, %dma_wait3A_24, %dma_wait3A_25] : memref<32x100x100xi32, #tpu.memory_space<hbm>> -> memref<1x100x100xi32, #tpu.memory_space<hbm>>
      %dma_wait3A_27 = tpu.memref_squeeze %dma_wait3A_26 : memref<1x100x100xi32, #tpu.memory_space<hbm>> -> memref<100x100xi32, #tpu.memory_space<hbm>>
      tpu.wait_dma2 semaphore(%run_scoped3A : memref<!tpu.dma_semaphore, #tpu.memory_space<semaphore_mem>>) src(%dma_wait3A_27 : memref<100x100xi32, #tpu.memory_space<hbm>>) dst(%arg7 : memref<100x100xi32, #tpu.memory_space<vmem>>)
      tpu.yield
    }) : () -> ()
    %barrier3A = arith.constant 0 : index
    tpu.barrier barrier_id(%barrier3A)
    %scan3A = arith.constant 0 : i32
    %scan3A_3 = arith.constant 0 : i32
    %scan3A_4 = arith.constant 50 : i32
    %scan3A_5 = arith.addi %scan3A_3, %scan3A_4 : i32
    %scan3A_6 = arith.constant 1 : i32
    %scan3A_7 = scf.for %scan3A_14 = %scan3A_3 to %scan3A_5 step %scan3A_6 iter_args(%scan3A_15 = %scan3A) -> (i32)  : i32 {
      %mul3A_16 = arith.constant 2 : i32
      %mul3A_17 = arith.muli %mul3A_16, %scan3A_14 : i32
      %dma_start3A = arith.constant 0 : i32
      %dma_start3A_18 = arith.constant 0 : i32
      %dma_start3A_19 = tpu.memref_slice %arg8[%dma_start3A, %dma_start3A_18] : memref<1x100xi32, #tpu.memory_space<vmem>> -> memref<1x100xi32, #tpu.memory_space<vmem>>
      %dma_start3A_20 = tpu.memref_squeeze %dma_start3A_19 : memref<1x100xi32, #tpu.memory_space<vmem>> -> memref<100xi32, #tpu.memory_space<vmem>>
      %dma_start3A_21 = arith.constant 0 : i32
      %dma_start3A_22 = tpu.memref_slice %arg4[%add3A, %mul3A_17, %dma_start3A_21] : memref<32x100x100xi32, #tpu.memory_space<hbm>> -> memref<1x1x100xi32, #tpu.memory_space<hbm>>
      %dma_start3A_23 = tpu.memref_squeeze %dma_start3A_22 : memref<1x1x100xi32, #tpu.memory_space<hbm>> -> memref<100xi32, #tpu.memory_space<hbm>>
      %dma_start3A_24 = arith.constant 0 : i32
      %dma_start3A_25 = tpu.memref_slice %arg8[%dma_start3A, %dma_start3A_24] : memref<1x100xi32, #tpu.memory_space<vmem>> -> memref<1x100xi32, #tpu.memory_space<vmem>>
      %dma_start3A_26 = tpu.memref_squeeze %dma_start3A_25 : memref<1x100xi32, #tpu.memory_space<vmem>> -> memref<100xi32, #tpu.memory_space<vmem>>
      %dma_start3A_27 = arith.constant 0 : i32
      %dma_start3A_28 = tpu.memref_slice %arg4[%add3A, %mul3A_17, %dma_start3A_27] : memref<32x100x100xi32, #tpu.memory_space<hbm>> -> memref<1x1x100xi32, #tpu.memory_space<hbm>>
      %dma_start3A_29 = tpu.memref_squeeze %dma_start3A_28 : memref<1x1x100xi32, #tpu.memory_space<hbm>> -> memref<100xi32, #tpu.memory_space<hbm>>
      tpu.enqueue_dma source(%dma_start3A_29 : memref<100xi32, #tpu.memory_space<hbm>>) target(%dma_start3A_26 : memref<100xi32, #tpu.memory_space<vmem>>) target_semaphore(%arg13 : memref<!tpu.dma_semaphore, #tpu.memory_space<semaphore_mem>>)
      %add3A_30 = arith.constant 1 : i32
      %add3A_31 = arith.addi %mul3A_17, %add3A_30 : i32
      %dma_start3A_32 = arith.constant 0 : i32
      %dma_start3A_33 = arith.constant 0 : i32
      %dma_start3A_34 = tpu.memref_slice %arg9[%dma_start3A_32, %dma_start3A_33] : memref<1x100xi32, #tpu.memory_space<vmem>> -> memref<1x100xi32, #tpu.memory_space<vmem>>
      %dma_start3A_35 = tpu.memref_squeeze %dma_start3A_34 : memref<1x100xi32, #tpu.memory_space<vmem>> -> memref<100xi32, #tpu.memory_space<vmem>>
      %dma_start3A_36 = arith.constant 0 : i32
      %dma_start3A_37 = tpu.memref_slice %arg4[%add3A, %add3A_31, %dma_start3A_36] : memref<32x100x100xi32, #tpu.memory_space<hbm>> -> memref<1x1x100xi32, #tpu.memory_space<hbm>>
      %dma_start3A_38 = tpu.memref_squeeze %dma_start3A_37 : memref<1x1x100xi32, #tpu.memory_space<hbm>> -> memref<100xi32, #tpu.memory_space<hbm>>
      %dma_start3A_39 = arith.constant 0 : i32
      %dma_start3A_40 = tpu.memref_slice %arg9[%dma_start3A_32, %dma_start3A_39] : memref<1x100xi32, #tpu.memory_space<vmem>> -> memref<1x100xi32, #tpu.memory_space<vmem>>
      %dma_start3A_41 = tpu.memref_squeeze %dma_start3A_40 : memref<1x100xi32, #tpu.memory_space<vmem>> -> memref<100xi32, #tpu.memory_space<vmem>>
      %dma_start3A_42 = arith.constant 0 : i32
      %dma_start3A_43 = tpu.memref_slice %arg4[%add3A, %add3A_31, %dma_start3A_42] : memref<32x100x100xi32, #tpu.memory_space<hbm>> -> memref<1x1x100xi32, #tpu.memory_space<hbm>>
      %dma_start3A_44 = tpu.memref_squeeze %dma_start3A_43 : memref<1x1x100xi32, #tpu.memory_space<hbm>> -> memref<100xi32, #tpu.memory_space<hbm>>
      tpu.enqueue_dma source(%dma_start3A_44 : memref<100xi32, #tpu.memory_space<hbm>>) target(%dma_start3A_41 : memref<100xi32, #tpu.memory_space<vmem>>) target_semaphore(%arg14 : memref<!tpu.dma_semaphore, #tpu.memory_space<semaphore_mem>>)
      %dma_start3A_45 = arith.constant 0 : i32
      %dma_start3A_46 = tpu.memref_slice %arg7[%mul3A_17, %dma_start3A_45] : memref<100x100xi32, #tpu.memory_space<vmem>> -> memref<1x100xi32, #tpu.memory_space<vmem>>
      %dma_start3A_47 = tpu.memref_squeeze %dma_start3A_46 : memref<1x100xi32, #tpu.memory_space<vmem>> -> memref<100xi32, #tpu.memory_space<vmem>>
      %dma_start3A_48 = arith.constant 0 : i32
      %dma_start3A_49 = arith.constant 0 : i32
      %dma_start3A_50 = tpu.memref_slice %arg2[%dma_start3A_48, %dma_start3A_49] : memref<10240x128xf32, #tpu.memory_space<hbm>> -> memref<10240x128xf32, #tpu.memory_space<hbm>>
      tpu.enqueue_indirect_dma source(%dma_start3A_50 : memref<10240x128xf32, #tpu.memory_space<hbm>>) target(%arg10 : memref<100x128xf32, #tpu.memory_space<vmem>>) offsets(%dma_start3A_47 : memref<100xi32, #tpu.memory_space<vmem>>) semaphore(%arg15 : memref<!tpu.dma_semaphore, #tpu.memory_space<semaphore_mem>>)
      %add3A_51 = arith.constant 1 : i32
      %add3A_52 = arith.addi %mul3A_17, %add3A_51 : i32
      %dma_start3A_53 = arith.constant 0 : i32
      %dma_start3A_54 = tpu.memref_slice %arg7[%add3A_52, %dma_start3A_53] : memref<100x100xi32, #tpu.memory_space<vmem>> -> memref<1x100xi32, #tpu.memory_space<vmem>>
      %dma_start3A_55 = tpu.memref_squeeze %dma_start3A_54 : memref<1x100xi32, #tpu.memory_space<vmem>> -> memref<100xi32, #tpu.memory_space<vmem>>
      %dma_start3A_56 = arith.constant 0 : i32
      %dma_start3A_57 = arith.constant 0 : i32
      %dma_start3A_58 = tpu.memref_slice %arg2[%dma_start3A_56, %dma_start3A_57] : memref<10240x128xf32, #tpu.memory_space<hbm>> -> memref<10240x128xf32, #tpu.memory_space<hbm>>
      tpu.enqueue_indirect_dma source(%dma_start3A_58 : memref<10240x128xf32, #tpu.memory_space<hbm>>) target(%arg11 : memref<100x128xf32, #tpu.memory_space<vmem>>) offsets(%dma_start3A_55 : memref<100xi32, #tpu.memory_space<vmem>>) semaphore(%arg16 : memref<!tpu.dma_semaphore, #tpu.memory_space<semaphore_mem>>)
      %dma_wait3A = arith.constant 0 : i32
      %dma_wait3A_59 = tpu.memref_slice %arg7[%mul3A_17, %dma_wait3A] : memref<100x100xi32, #tpu.memory_space<vmem>> -> memref<1x100xi32, #tpu.memory_space<vmem>>
      %dma_wait3A_60 = tpu.memref_squeeze %dma_wait3A_59 : memref<1x100xi32, #tpu.memory_space<vmem>> -> memref<100xi32, #tpu.memory_space<vmem>>
      %dma_wait3A_61 = arith.constant 0 : i32
      %dma_wait3A_62 = arith.constant 0 : i32
      %dma_wait3A_63 = tpu.memref_slice %arg2[%dma_wait3A_61, %dma_wait3A_62] : memref<10240x128xf32, #tpu.memory_space<hbm>> -> memref<10240x128xf32, #tpu.memory_space<hbm>>
      tpu.wait_indirect_dma semaphore(%arg15 : memref<!tpu.dma_semaphore, #tpu.memory_space<semaphore_mem>>) src(%dma_wait3A_63 : memref<10240x128xf32, #tpu.memory_space<hbm>>) dst(%arg10 : memref<100x128xf32, #tpu.memory_space<vmem>>)
      %dma_wait3A_64 = arith.constant 0 : i32
      %dma_wait3A_65 = arith.constant 0 : i32
      %dma_wait3A_66 = tpu.memref_slice %arg8[%dma_wait3A_64, %dma_wait3A_65] : memref<1x100xi32, #tpu.memory_space<vmem>> -> memref<1x100xi32, #tpu.memory_space<vmem>>
      %dma_wait3A_67 = tpu.memref_squeeze %dma_wait3A_66 : memref<1x100xi32, #tpu.memory_space<vmem>> -> memref<100xi32, #tpu.memory_space<vmem>>
      %dma_wait3A_68 = arith.constant 0 : i32
      %dma_wait3A_69 = tpu.memref_slice %arg4[%add3A, %mul3A_17, %dma_wait3A_68] : memref<32x100x100xi32, #tpu.memory_space<hbm>> -> memref<1x1x100xi32, #tpu.memory_space<hbm>>
      %dma_wait3A_70 = tpu.memref_squeeze %dma_wait3A_69 : memref<1x1x100xi32, #tpu.memory_space<hbm>> -> memref<100xi32, #tpu.memory_space<hbm>>
      %dma_wait3A_71 = arith.constant 0 : i32
      %dma_wait3A_72 = tpu.memref_slice %arg8[%dma_wait3A_64, %dma_wait3A_71] : memref<1x100xi32, #tpu.memory_space<vmem>> -> memref<1x100xi32, #tpu.memory_space<vmem>>
      %dma_wait3A_73 = tpu.memref_squeeze %dma_wait3A_72 : memref<1x100xi32, #tpu.memory_space<vmem>> -> memref<100xi32, #tpu.memory_space<vmem>>
      %dma_wait3A_74 = arith.constant 0 : i32
      %dma_wait3A_75 = tpu.memref_slice %arg4[%add3A, %mul3A_17, %dma_wait3A_74] : memref<32x100x100xi32, #tpu.memory_space<hbm>> -> memref<1x1x100xi32, #tpu.memory_space<hbm>>
      %dma_wait3A_76 = tpu.memref_squeeze %dma_wait3A_75 : memref<1x1x100xi32, #tpu.memory_space<hbm>> -> memref<100xi32, #tpu.memory_space<hbm>>
      tpu.wait_dma2 semaphore(%arg13 : memref<!tpu.dma_semaphore, #tpu.memory_space<semaphore_mem>>) src(%dma_wait3A_76 : memref<100xi32, #tpu.memory_space<hbm>>) dst(%dma_wait3A_73 : memref<100xi32, #tpu.memory_space<vmem>>)
      %run_scoped3A = arith.constant 0 : i32
      "tpu.region"() ({
        %run_scoped3A_98 = tpu.sem_alloc : memref<!tpu.dma_semaphore, #tpu.memory_space<semaphore_mem>>
        %dma_start3A_99 = arith.constant 0 : i32
        %dma_start3A_100 = tpu.memref_slice %arg8[%run_scoped3A, %dma_start3A_99] : memref<1x100xi32, #tpu.memory_space<vmem>> -> memref<1x100xi32, #tpu.memory_space<vmem>>
        %dma_start3A_101 = tpu.memref_squeeze %dma_start3A_100 : memref<1x100xi32, #tpu.memory_space<vmem>> -> memref<100xi32, #tpu.memory_space<vmem>>
        %dma_start3A_102 = arith.constant 0 : i32
        %dma_start3A_103 = arith.constant 0 : i32
        %dma_start3A_104 = tpu.memref_slice %arg12[%dma_start3A_102, %dma_start3A_103] : memref<10240x128xf32, #tpu.memory_space<vmem_shared>> -> memref<10240x128xf32, #tpu.memory_space<vmem_shared>>
        tpu.enqueue_indirect_dma source(%arg10 : memref<100x128xf32, #tpu.memory_space<vmem>>) target(%dma_start3A_104 : memref<10240x128xf32, #tpu.memory_space<vmem_shared>>) offsets(%dma_start3A_101 : memref<100xi32, #tpu.memory_space<vmem>>) semaphore(%run_scoped3A_98 : memref<!tpu.dma_semaphore, #tpu.memory_space<semaphore_mem>>) {add = true}
        %dma_wait3A_105 = arith.constant 0 : i32
        %dma_wait3A_106 = tpu.memref_slice %arg8[%run_scoped3A, %dma_wait3A_105] : memref<1x100xi32, #tpu.memory_space<vmem>> -> memref<1x100xi32, #tpu.memory_space<vmem>>
        %dma_wait3A_107 = tpu.memref_squeeze %dma_wait3A_106 : memref<1x100xi32, #tpu.memory_space<vmem>> -> memref<100xi32, #tpu.memory_space<vmem>>
        %dma_wait3A_108 = arith.constant 0 : i32
        %dma_wait3A_109 = arith.constant 0 : i32
        %dma_wait3A_110 = tpu.memref_slice %arg12[%dma_wait3A_108, %dma_wait3A_109] : memref<10240x128xf32, #tpu.memory_space<vmem_shared>> -> memref<10240x128xf32, #tpu.memory_space<vmem_shared>>
        tpu.wait_indirect_dma semaphore(%run_scoped3A_98 : memref<!tpu.dma_semaphore, #tpu.memory_space<semaphore_mem>>) src(%arg10 : memref<100x128xf32, #tpu.memory_space<vmem>>) dst(%dma_wait3A_110 : memref<10240x128xf32, #tpu.memory_space<vmem_shared>>)
        tpu.yield
      }) : () -> ()
      %dma_wait3A_77 = arith.constant 0 : i32
      %dma_wait3A_78 = tpu.memref_slice %arg7[%add3A_52, %dma_wait3A_77] : memref<100x100xi32, #tpu.memory_space<vmem>> -> memref<1x100xi32, #tpu.memory_space<vmem>>
      %dma_wait3A_79 = tpu.memref_squeeze %dma_wait3A_78 : memref<1x100xi32, #tpu.memory_space<vmem>> -> memref<100xi32, #tpu.memory_space<vmem>>
      %dma_wait3A_80 = arith.constant 0 : i32
      %dma_wait3A_81 = arith.constant 0 : i32
      %dma_wait3A_82 = tpu.memref_slice %arg2[%dma_wait3A_80, %dma_wait3A_81] : memref<10240x128xf32, #tpu.memory_space<hbm>> -> memref<10240x128xf32, #tpu.memory_space<hbm>>
      tpu.wait_indirect_dma semaphore(%arg16 : memref<!tpu.dma_semaphore, #tpu.memory_space<semaphore_mem>>) src(%dma_wait3A_82 : memref<10240x128xf32, #tpu.memory_space<hbm>>) dst(%arg11 : memref<100x128xf32, #tpu.memory_space<vmem>>)
      %dma_wait3A_83 = arith.constant 0 : i32
      %dma_wait3A_84 = arith.constant 0 : i32
      %dma_wait3A_85 = tpu.memref_slice %arg9[%dma_wait3A_83, %dma_wait3A_84] : memref<1x100xi32, #tpu.memory_space<vmem>> -> memref<1x100xi32, #tpu.memory_space<vmem>>
      %dma_wait3A_86 = tpu.memref_squeeze %dma_wait3A_85 : memref<1x100xi32, #tpu.memory_space<vmem>> -> memref<100xi32, #tpu.memory_space<vmem>>
      %dma_wait3A_87 = arith.constant 0 : i32
      %dma_wait3A_88 = tpu.memref_slice %arg4[%add3A, %add3A_31, %dma_wait3A_87] : memref<32x100x100xi32, #tpu.memory_space<hbm>> -> memref<1x1x100xi32, #tpu.memory_space<hbm>>
      %dma_wait3A_89 = tpu.memref_squeeze %dma_wait3A_88 : memref<1x1x100xi32, #tpu.memory_space<hbm>> -> memref<100xi32, #tpu.memory_space<hbm>>
      %dma_wait3A_90 = arith.constant 0 : i32
      %dma_wait3A_91 = tpu.memref_slice %arg9[%dma_wait3A_83, %dma_wait3A_90] : memref<1x100xi32, #tpu.memory_space<vmem>> -> memref<1x100xi32, #tpu.memory_space<vmem>>
      %dma_wait3A_92 = tpu.memref_squeeze %dma_wait3A_91 : memref<1x100xi32, #tpu.memory_space<vmem>> -> memref<100xi32, #tpu.memory_space<vmem>>
      %dma_wait3A_93 = arith.constant 0 : i32
      %dma_wait3A_94 = tpu.memref_slice %arg4[%add3A, %add3A_31, %dma_wait3A_93] : memref<32x100x100xi32, #tpu.memory_space<hbm>> -> memref<1x1x100xi32, #tpu.memory_space<hbm>>
      %dma_wait3A_95 = tpu.memref_squeeze %dma_wait3A_94 : memref<1x1x100xi32, #tpu.memory_space<hbm>> -> memref<100xi32, #tpu.memory_space<hbm>>
      tpu.wait_dma2 semaphore(%arg14 : memref<!tpu.dma_semaphore, #tpu.memory_space<semaphore_mem>>) src(%dma_wait3A_95 : memref<100xi32, #tpu.memory_space<hbm>>) dst(%dma_wait3A_92 : memref<100xi32, #tpu.memory_space<vmem>>)
      %run_scoped3A_96 = arith.constant 0 : i32
      "tpu.region"() ({
        %run_scoped3A_98 = tpu.sem_alloc : memref<!tpu.dma_semaphore, #tpu.memory_space<semaphore_mem>>
        %dma_start3A_99 = arith.constant 0 : i32
        %dma_start3A_100 = tpu.memref_slice %arg9[%run_scoped3A_96, %dma_start3A_99] : memref<1x100xi32, #tpu.memory_space<vmem>> -> memref<1x100xi32, #tpu.memory_space<vmem>>
        %dma_start3A_101 = tpu.memref_squeeze %dma_start3A_100 : memref<1x100xi32, #tpu.memory_space<vmem>> -> memref<100xi32, #tpu.memory_space<vmem>>
        %dma_start3A_102 = arith.constant 0 : i32
        %dma_start3A_103 = arith.constant 0 : i32
        %dma_start3A_104 = tpu.memref_slice %arg12[%dma_start3A_102, %dma_start3A_103] : memref<10240x128xf32, #tpu.memory_space<vmem_shared>> -> memref<10240x128xf32, #tpu.memory_space<vmem_shared>>
        tpu.enqueue_indirect_dma source(%arg11 : memref<100x128xf32, #tpu.memory_space<vmem>>) target(%dma_start3A_104 : memref<10240x128xf32, #tpu.memory_space<vmem_shared>>) offsets(%dma_start3A_101 : memref<100xi32, #tpu.memory_space<vmem>>) semaphore(%run_scoped3A_98 : memref<!tpu.dma_semaphore, #tpu.memory_space<semaphore_mem>>) {add = true}
        %dma_wait3A_105 = arith.constant 0 : i32
        %dma_wait3A_106 = tpu.memref_slice %arg9[%run_scoped3A_96, %dma_wait3A_105] : memref<1x100xi32, #tpu.memory_space<vmem>> -> memref<1x100xi32, #tpu.memory_space<vmem>>
        %dma_wait3A_107 = tpu.memref_squeeze %dma_wait3A_106 : memref<1x100xi32, #tpu.memory_space<vmem>> -> memref<100xi32, #tpu.memory_space<vmem>>
        %dma_wait3A_108 = arith.constant 0 : i32
        %dma_wait3A_109 = arith.constant 0 : i32
        %dma_wait3A_110 = tpu.memref_slice %arg12[%dma_wait3A_108, %dma_wait3A_109] : memref<10240x128xf32, #tpu.memory_space<vmem_shared>> -> memref<10240x128xf32, #tpu.memory_space<vmem_shared>>
        tpu.wait_indirect_dma semaphore(%run_scoped3A_98 : memref<!tpu.dma_semaphore, #tpu.memory_space<semaphore_mem>>) src(%arg11 : memref<100x128xf32, #tpu.memory_space<vmem>>) dst(%dma_wait3A_110 : memref<10240x128xf32, #tpu.memory_space<vmem_shared>>)
        tpu.yield
      }) : () -> ()
      %scan3A_97 = arith.constant 0 : i32
      scf.yield %scan3A_97 : i32
    }
    %scan3A_8 = arith.constant 50 : i32
    %barrier3A_9 = arith.constant 0 : index
    tpu.barrier barrier_id(%barrier3A_9)
    %mul3A_10 = arith.constant 640 : i32
    %mul3A_11 = arith.muli %arg1, %mul3A_10 : i32
    %mul3A_12 = arith.constant 640 : i32
    %mul3A_13 = arith.muli %arg1, %mul3A_12 : i32
    "tpu.region"() ({
      %run_scoped3A = tpu.sem_alloc : memref<!tpu.dma_semaphore, #tpu.memory_space<semaphore_mem>>
      %dma_start3A = arith.constant 0 : i32
      %dma_start3A_14 = tpu.memref_slice %arg6[%arg0, %mul3A_13, %dma_start3A] : memref<2x10240x128xf32, #tpu.memory_space<hbm>> -> memref<1x640x128xf32, #tpu.memory_space<hbm>>
      %dma_start3A_15 = tpu.memref_squeeze %dma_start3A_14 : memref<1x640x128xf32, #tpu.memory_space<hbm>> -> memref<640x128xf32, #tpu.memory_space<hbm>>
      %dma_start3A_16 = arith.constant 0 : i32
      %dma_start3A_17 = tpu.memref_slice %arg12[%mul3A_11, %dma_start3A_16] : memref<10240x128xf32, #tpu.memory_space<vmem_shared>> -> memref<640x128xf32, #tpu.memory_space<vmem_shared>>
      tpu.enqueue_dma source(%dma_start3A_17 : memref<640x128xf32, #tpu.memory_space<vmem_shared>>) target(%dma_start3A_15 : memref<640x128xf32, #tpu.memory_space<hbm>>) target_semaphore(%run_scoped3A : memref<!tpu.dma_semaphore, #tpu.memory_space<semaphore_mem>>)
      %dma_wait3A = arith.constant 0 : i32
      %dma_wait3A_18 = tpu.memref_slice %arg6[%arg0, %mul3A_13, %dma_wait3A] : memref<2x10240x128xf32, #tpu.memory_space<hbm>> -> memref<1x640x128xf32, #tpu.memory_space<hbm>>
      %dma_wait3A_19 = tpu.memref_squeeze %dma_wait3A_18 : memref<1x640x128xf32, #tpu.memory_space<hbm>> -> memref<640x128xf32, #tpu.memory_space<hbm>>
      %dma_wait3A_20 = arith.constant 0 : i32
      %dma_wait3A_21 = tpu.memref_slice %arg12[%mul3A_11, %dma_wait3A_20] : memref<10240x128xf32, #tpu.memory_space<vmem_shared>> -> memref<640x128xf32, #tpu.memory_space<vmem_shared>>
      tpu.wait_dma2 semaphore(%run_scoped3A : memref<!tpu.dma_semaphore, #tpu.memory_space<semaphore_mem>>) src(%dma_wait3A_21 : memref<640x128xf32, #tpu.memory_space<vmem_shared>>) dst(%dma_wait3A_19 : memref<640x128xf32, #tpu.memory_space<hbm>>)
      tpu.yield
    }) : () -> ()
    return
  }
}

module attributes {stable_mosaic.version = 14 : i64} {
  func.func @_mm_body(%arg0: memref<1000x128xf32, #tpu.memory_space<vmem>>, %arg1: memref<128x128xf32, #tpu.memory_space<vmem>>, %arg2: memref<1000x128xf32, #tpu.memory_space<vmem>>) attributes {dimension_semantics = [], scalar_prefetch = 0 : i64, scratch_operands = 0 : i64, tpu.core_type = #tpu.core_type<tc>} {
    %get3A = arith.constant 0 : index
    %get3A_0 = arith.constant 0 : index
    %get3A_1 = vector.load %arg0[%get3A, %get3A_0] : memref<1000x128xf32, #tpu.memory_space<vmem>>, vector<1000x128xf32>
    %get3A_2 = arith.constant 0 : index
    %get3A_3 = arith.constant 0 : index
    %get3A_4 = vector.load %arg1[%get3A_2, %get3A_3] : memref<128x128xf32, #tpu.memory_space<vmem>>, vector<128x128xf32>
    %dot_general3A = arith.constant dense<0.000000e+00> : vector<1000x128xf32>
    %dot_general3A_5 = tpu.matmul %get3A_1, %get3A_4, %dot_general3A {dimension_numbers = #tpu.dot_dimension_numbers<[1], [0], [0], [1], [0, 0, 1, 1], [], []>, transpose_lhs_hint = false} : vector<1000x128xf32>, vector<128x128xf32>, vector<1000x128xf32> -> vector<1000x128xf32>
    %swap3A = arith.constant 0 : index
    %swap3A_6 = arith.constant 0 : index
    %swap3A_7 = vector.load %arg2[%swap3A, %swap3A_6] : memref<1000x128xf32, #tpu.memory_space<vmem>>, vector<1000x128xf32>
    tpu.vector_store %arg2[%swap3A, %swap3A_6], %dot_general3A_5 {strides = array<i32>} : memref<1000x128xf32, #tpu.memory_space<vmem>>, vector<1000x128xf32>,
    return
  }
}

module attributes {stable_mosaic.version = 14 : i64} {
  func.func @body(%arg0: memref<2x10240x128xf32, #tpu.memory_space<vmem>>, %arg1: memref<2x10240x8xf32, #tpu.memory_space<vmem>>, %arg2: memref<1x128xf32, #tpu.memory_space<vmem>>, %arg3: memref<128x128xf32, #tpu.memory_space<vmem>>, %arg4: memref<10240x128xf32, #tpu.memory_space<vmem>>, %arg5: memref<10240x128xf32, #tpu.memory_space<vmem>>) attributes {dimension_semantics = [], scalar_prefetch = 0 : i64, scratch_operands = 0 : i64, tpu.core_type = #tpu.core_type<tc>} {
    %get3A = arith.constant 0 : index
    %get3A_0 = arith.constant 0 : index
    %get3A_1 = arith.constant 0 : index
    %get3A_2 = vector.load %arg0[%get3A, %get3A_0, %get3A_1] : memref<2x10240x128xf32, #tpu.memory_space<vmem>>, vector<1x10240x128xf32>
    %get3A_3 = vector.shape_cast %get3A_2 : vector<1x10240x128xf32> to vector<10240x128xf32>
    %get3A_4 = arith.constant 1 : index
    %get3A_5 = arith.constant 0 : index
    %get3A_6 = arith.constant 0 : index
    %get3A_7 = vector.load %arg0[%get3A_4, %get3A_5, %get3A_6] : memref<2x10240x128xf32, #tpu.memory_space<vmem>>, vector<1x10240x128xf32>
    %get3A_8 = vector.shape_cast %get3A_7 : vector<1x10240x128xf32> to vector<10240x128xf32>
    %add3A = arith.addf %get3A_3, %get3A_8 : vector<10240x128xf32>
    %get3A_9 = arith.constant 0 : index
    %get3A_10 = arith.constant 0 : index
    %get3A_11 = arith.constant 0 : index
    %get3A_12 = vector.load %arg1[%get3A_9, %get3A_10, %get3A_11] : memref<2x10240x8xf32, #tpu.memory_space<vmem>>, vector<1x10240x1xf32>
    %get3A_13 = vector.shape_cast %get3A_12 : vector<1x10240x1xf32> to vector<10240x1xf32>
    %get3A_14 = arith.constant 1 : index
    %get3A_15 = arith.constant 0 : index
    %get3A_16 = arith.constant 0 : index
    %get3A_17 = vector.load %arg1[%get3A_14, %get3A_15, %get3A_16] : memref<2x10240x8xf32, #tpu.memory_space<vmem>>, vector<1x10240x1xf32>
    %get3A_18 = vector.shape_cast %get3A_17 : vector<1x10240x1xf32> to vector<10240x1xf32>
    %add3A_19 = arith.addf %get3A_13, %get3A_18 : vector<10240x1xf32>
    %jit3A = arith.constant 1.000000e+00 : f32
    %max3A = vector.broadcast %jit3A : f32 to vector<10240x1xf32>
    %max3A_20 = arith.maximumf %max3A, %add3A_19 : vector<10240x1xf32>
    %div3A = vector.broadcast %max3A_20 : vector<10240x1xf32> to vector<10240x128xf32>
    %div3A_21 = arith.divf %add3A, %div3A : vector<10240x128xf32>
    %get3A_22 = arith.constant 0 : index
    %get3A_23 = arith.constant 0 : index
    %get3A_24 = vector.load %arg2[%get3A_22, %get3A_23] : memref<1x128xf32, #tpu.memory_space<vmem>>, vector<1x128xf32>
    %add3A_25 = vector.broadcast %get3A_24 : vector<1x128xf32> to vector<10240x128xf32>
    %add3A_26 = arith.addf %div3A_21, %add3A_25 : vector<10240x128xf32>
    %max3A_27 = arith.constant 0.000000e+00 : f32
    %max3A_28 = vector.broadcast %max3A_27 : f32 to vector<10240x128xf32>
    %max3A_29 = arith.maximumf %add3A_26, %max3A_28 : vector<10240x128xf32>
    %swap3A = arith.constant 0 : index
    %swap3A_30 = arith.constant 0 : index
    %swap3A_31 = vector.load %arg4[%swap3A, %swap3A_30] : memref<10240x128xf32, #tpu.memory_space<vmem>>, vector<10240x128xf32>
    tpu.vector_store %arg4[%swap3A, %swap3A_30], %max3A_29 {strides = array<i32>} : memref<10240x128xf32, #tpu.memory_space<vmem>>, vector<10240x128xf32>,
    %get3A_32 = arith.constant 0 : index
    %get3A_33 = arith.constant 0 : index
    %get3A_34 = vector.load %arg3[%get3A_32, %get3A_33] : memref<128x128xf32, #tpu.memory_space<vmem>>, vector<128x128xf32>
    %dot_general3A = arith.constant dense<0.000000e+00> : vector<10240x128xf32>
    %dot_general3A_35 = tpu.matmul %max3A_29, %get3A_34, %dot_general3A {dimension_numbers = #tpu.dot_dimension_numbers<[1], [0], [0], [1], [0, 0, 1, 1], [], []>, transpose_lhs_hint = false} : vector<10240x128xf32>, vector<128x128xf32>, vector<10240x128xf32> -> vector<10240x128xf32>
    %swap3A_36 = arith.constant 0 : index
    %swap3A_37 = arith.constant 0 : index
    %swap3A_38 = vector.load %arg5[%swap3A_36, %swap3A_37] : memref<10240x128xf32, #tpu.memory_space<vmem>>, vector<10240x128xf32>
    tpu.vector_store %arg5[%swap3A_36, %swap3A_37], %dot_general3A_35 {strides = array<i32>} : memref<10240x128xf32, #tpu.memory_space<vmem>>, vector<10240x128xf32>,
    return
  }
}

module attributes {stable_mosaic.version = 14 : i64} {
  func.func @body(%arg0: memref<2x10240x128xf32, #tpu.memory_space<vmem>>, %arg1: memref<2x10240x8xf32, #tpu.memory_space<vmem>>, %arg2: memref<1x128xf32, #tpu.memory_space<vmem>>, %arg3: memref<10240x128xf32, #tpu.memory_space<vmem>>, %arg4: memref<128x128xf32, #tpu.memory_space<vmem>>, %arg5: memref<10240x128xf32, #tpu.memory_space<vmem>>, %arg6: memref<10240x128xf32, #tpu.memory_space<vmem>>) attributes {dimension_semantics = [], scalar_prefetch = 0 : i64, scratch_operands = 0 : i64, tpu.core_type = #tpu.core_type<tc>} {
    %get3A = arith.constant 0 : index
    %get3A_0 = arith.constant 0 : index
    %get3A_1 = arith.constant 0 : index
    %get3A_2 = vector.load %arg0[%get3A, %get3A_0, %get3A_1] : memref<2x10240x128xf32, #tpu.memory_space<vmem>>, vector<1x10240x128xf32>
    %get3A_3 = vector.shape_cast %get3A_2 : vector<1x10240x128xf32> to vector<10240x128xf32>
    %get3A_4 = arith.constant 1 : index
    %get3A_5 = arith.constant 0 : index
    %get3A_6 = arith.constant 0 : index
    %get3A_7 = vector.load %arg0[%get3A_4, %get3A_5, %get3A_6] : memref<2x10240x128xf32, #tpu.memory_space<vmem>>, vector<1x10240x128xf32>
    %get3A_8 = vector.shape_cast %get3A_7 : vector<1x10240x128xf32> to vector<10240x128xf32>
    %add3A = arith.addf %get3A_3, %get3A_8 : vector<10240x128xf32>
    %get3A_9 = arith.constant 0 : index
    %get3A_10 = arith.constant 0 : index
    %get3A_11 = arith.constant 0 : index
    %get3A_12 = vector.load %arg1[%get3A_9, %get3A_10, %get3A_11] : memref<2x10240x8xf32, #tpu.memory_space<vmem>>, vector<1x10240x1xf32>
    %get3A_13 = vector.shape_cast %get3A_12 : vector<1x10240x1xf32> to vector<10240x1xf32>
    %get3A_14 = arith.constant 1 : index
    %get3A_15 = arith.constant 0 : index
    %get3A_16 = arith.constant 0 : index
    %get3A_17 = vector.load %arg1[%get3A_14, %get3A_15, %get3A_16] : memref<2x10240x8xf32, #tpu.memory_space<vmem>>, vector<1x10240x1xf32>
    %get3A_18 = vector.shape_cast %get3A_17 : vector<1x10240x1xf32> to vector<10240x1xf32>
    %add3A_19 = arith.addf %get3A_13, %get3A_18 : vector<10240x1xf32>
    %jit3A = arith.constant 1.000000e+00 : f32
    %max3A = vector.broadcast %jit3A : f32 to vector<10240x1xf32>
    %max3A_20 = arith.maximumf %max3A, %add3A_19 : vector<10240x1xf32>
    %div3A = vector.broadcast %max3A_20 : vector<10240x1xf32> to vector<10240x128xf32>
    %div3A_21 = arith.divf %add3A, %div3A : vector<10240x128xf32>
    %get3A_22 = arith.constant 0 : index
    %get3A_23 = arith.constant 0 : index
    %get3A_24 = vector.load %arg2[%get3A_22, %get3A_23] : memref<1x128xf32, #tpu.memory_space<vmem>>, vector<1x128xf32>
    %add3A_25 = vector.broadcast %get3A_24 : vector<1x128xf32> to vector<10240x128xf32>
    %add3A_26 = arith.addf %div3A_21, %add3A_25 : vector<10240x128xf32>
    %max3A_27 = arith.constant 0.000000e+00 : f32
    %max3A_28 = vector.broadcast %max3A_27 : f32 to vector<10240x128xf32>
    %max3A_29 = arith.maximumf %add3A_26, %max3A_28 : vector<10240x128xf32>
    %get3A_30 = arith.constant 0 : index
    %get3A_31 = arith.constant 0 : index
    %get3A_32 = vector.load %arg3[%get3A_30, %get3A_31] : memref<10240x128xf32, #tpu.memory_space<vmem>>, vector<10240x128xf32>
    %add3A_33 = arith.addf %max3A_29, %get3A_32 : vector<10240x128xf32>
    %swap3A = arith.constant 0 : index
    %swap3A_34 = arith.constant 0 : index
    %swap3A_35 = vector.load %arg5[%swap3A, %swap3A_34] : memref<10240x128xf32, #tpu.memory_space<vmem>>, vector<10240x128xf32>
    tpu.vector_store %arg5[%swap3A, %swap3A_34], %add3A_33 {strides = array<i32>} : memref<10240x128xf32, #tpu.memory_space<vmem>>, vector<10240x128xf32>,
    %get3A_36 = arith.constant 0 : index
    %get3A_37 = arith.constant 0 : index
    %get3A_38 = vector.load %arg4[%get3A_36, %get3A_37] : memref<128x128xf32, #tpu.memory_space<vmem>>, vector<128x128xf32>
    %dot_general3A = arith.constant dense<0.000000e+00> : vector<10240x128xf32>
    %dot_general3A_39 = tpu.matmul %add3A_33, %get3A_38, %dot_general3A {dimension_numbers = #tpu.dot_dimension_numbers<[1], [0], [0], [1], [0, 0, 1, 1], [], []>, transpose_lhs_hint = false} : vector<10240x128xf32>, vector<128x128xf32>, vector<10240x128xf32> -> vector<10240x128xf32>
    %swap3A_40 = arith.constant 0 : index
    %swap3A_41 = arith.constant 0 : index
    %swap3A_42 = vector.load %arg6[%swap3A_40, %swap3A_41] : memref<10240x128xf32, #tpu.memory_space<vmem>>, vector<10240x128xf32>
    tpu.vector_store %arg6[%swap3A_40, %swap3A_41], %dot_general3A_39 {strides = array<i32>} : memref<10240x128xf32, #tpu.memory_space<vmem>>, vector<10240x128xf32>,
    return
  }
}

module attributes {stable_mosaic.version = 14 : i64} {
  func.func @body(%arg0: memref<2x10240x128xf32, #tpu.memory_space<vmem>>, %arg1: memref<2x10240x8xf32, #tpu.memory_space<vmem>>, %arg2: memref<1x128xf32, #tpu.memory_space<vmem>>, %arg3: memref<10240x128xf32, #tpu.memory_space<vmem>>) attributes {dimension_semantics = [], scalar_prefetch = 0 : i64, scratch_operands = 0 : i64, tpu.core_type = #tpu.core_type<tc>} {
    %get3A = arith.constant 0 : index
    %get3A_0 = arith.constant 0 : index
    %get3A_1 = arith.constant 0 : index
    %get3A_2 = vector.load %arg0[%get3A, %get3A_0, %get3A_1] : memref<2x10240x128xf32, #tpu.memory_space<vmem>>, vector<1x10240x128xf32>
    %get3A_3 = vector.shape_cast %get3A_2 : vector<1x10240x128xf32> to vector<10240x128xf32>
    %get3A_4 = arith.constant 1 : index
    %get3A_5 = arith.constant 0 : index
    %get3A_6 = arith.constant 0 : index
    %get3A_7 = vector.load %arg0[%get3A_4, %get3A_5, %get3A_6] : memref<2x10240x128xf32, #tpu.memory_space<vmem>>, vector<1x10240x128xf32>
    %get3A_8 = vector.shape_cast %get3A_7 : vector<1x10240x128xf32> to vector<10240x128xf32>
    %add3A = arith.addf %get3A_3, %get3A_8 : vector<10240x128xf32>
    %get3A_9 = arith.constant 0 : index
    %get3A_10 = arith.constant 0 : index
    %get3A_11 = arith.constant 0 : index
    %get3A_12 = vector.load %arg1[%get3A_9, %get3A_10, %get3A_11] : memref<2x10240x8xf32, #tpu.memory_space<vmem>>, vector<1x10240x1xf32>
    %get3A_13 = vector.shape_cast %get3A_12 : vector<1x10240x1xf32> to vector<10240x1xf32>
    %get3A_14 = arith.constant 1 : index
    %get3A_15 = arith.constant 0 : index
    %get3A_16 = arith.constant 0 : index
    %get3A_17 = vector.load %arg1[%get3A_14, %get3A_15, %get3A_16] : memref<2x10240x8xf32, #tpu.memory_space<vmem>>, vector<1x10240x1xf32>
    %get3A_18 = vector.shape_cast %get3A_17 : vector<1x10240x1xf32> to vector<10240x1xf32>
    %add3A_19 = arith.addf %get3A_13, %get3A_18 : vector<10240x1xf32>
    %jit3A = arith.constant 1.000000e+00 : f32
    %max3A = vector.broadcast %jit3A : f32 to vector<10240x1xf32>
    %max3A_20 = arith.maximumf %max3A, %add3A_19 : vector<10240x1xf32>
    %div3A = vector.broadcast %max3A_20 : vector<10240x1xf32> to vector<10240x128xf32>
    %div3A_21 = arith.divf %add3A, %div3A : vector<10240x128xf32>
    %get3A_22 = arith.constant 0 : index
    %get3A_23 = arith.constant 0 : index
    %get3A_24 = vector.load %arg2[%get3A_22, %get3A_23] : memref<1x128xf32, #tpu.memory_space<vmem>>, vector<1x128xf32>
    %add3A_25 = vector.broadcast %get3A_24 : vector<1x128xf32> to vector<10240x128xf32>
    %add3A_26 = arith.addf %div3A_21, %add3A_25 : vector<10240x128xf32>
    %max3A_27 = arith.constant 0.000000e+00 : f32
    %max3A_28 = vector.broadcast %max3A_27 : f32 to vector<10240x128xf32>
    %max3A_29 = arith.maximumf %add3A_26, %max3A_28 : vector<10240x128xf32>
    %swap3A = arith.constant 0 : index
    %swap3A_30 = arith.constant 0 : index
    %swap3A_31 = vector.load %arg3[%swap3A, %swap3A_30] : memref<10240x128xf32, #tpu.memory_space<vmem>>, vector<10240x128xf32>
    tpu.vector_store %arg3[%swap3A, %swap3A_30], %max3A_29 {strides = array<i32>} : memref<10240x128xf32, #tpu.memory_space<vmem>>, vector<10240x128xf32>,
    return
  }
}

</mosaic_0001>

<sc_bundles>
// kernel: kernel.14.cloned.1.call-start
scs
__scs_entry_jumppad:
0x0: {  	(pc) =	sbr.rel $0x88, $3  }
0x1: {  	(tag) =	ssettag $0x0;
	lr =	simm.s32 $0x1  }
0x2: {  	[smem:$0x3F94] =	sst lr;
	_ =	strace $0xD0000000  }
0x3: {  	_ = 	snop  }
0x4: {  	_ = 	snop  }
0x5: {  	_ = 	snop  }
0x6: {  	_ = 	snop  }
0x7: {  	_ = 	snop  }
__scs_overlays_trampoline_lowered:
0x8: {  	[smem:$0x3FA3] =	sst s0  }
0x9: {  	[smem:$0x3FA4] =	sst s1  }
0xa: {  	[smem:$0x3FA5] =	sst s2  }
0xb: {  	[smem:$0x3FA6] =	sst s3  }
0xc: {  	[smem:$0x3FA7] =	sst s4  }
0xd: {  	[smem:$0x3FA8] =	sst s5  }
0xe: {  	[smem:$0x3FA9] =	sst s6  }
0xf: {  	[smem:$0x3FAA] =	sst s7  }
0x10: {  	[smem:$0x3FAB] =	sst s8  }
0x11: {  	[smem:$0x3FAC] =	sst s9;
	s0 =	simm.s32 @!p0 $0x0  }
0x12: {  	s1 =	sld [smem:$0x3F92];
	s0 =	simm.s32 @p0 $0x1  }
0x13: {  	[smem:$0x3FAD] =	sst s0;
	s0 =	simm.s32 @!p1 $0x0  }
0x14: {  	s2 =	sld [smem:$0x3F91];
	s0 =	simm.s32 @p1 $0x1  }
0x15: {  	[smem:$0x3FAE] =	sst s0;
	s0 =	simm.s32 @!p2 $0x0  }
0x16: {  	s3 =	sld [smem:$0x3FDB];
	s0 =	simm.s32 @p2 $0x1  }
0x17: {  	s4 =	simm.s32 $0x1BF5;
	[smem:$0x3FB0] =	sst s0  }
0x18: {  	s0 =	sld [smem:$0x3F93];
	_ =	swait.ge [sflag:s4], $0x0  }
0x19: {  	s7 =	sld [smem:$0x3F94]  }
0x1a: {  	s8 =	sadd.s32 $0xFFFFE003, lr  }
0x1b: {  	s9 =	sadd.s32 $0xFFFFFEF7, lr;
	s5 =	simm.s32 $0xFFFFFFFF;
	p2 =	slt.u32 s8, $0xFFFFF086  }
0x1c: {  	p1 =	slt.u32 s9, $0xF7A;
	s5 =	simm.s32 @!p2 $0x0  }
0x1d: {  	s5 =	simm.s32 @p1 $0x1;
	p0 =	seq.s32 s7, s2  }
0x1e: {  	s7 =	smul.u32 @!p0 $0xF7A, s2;
	p2 =	seq.s32 @!p0 s5, $0x0  }
0x1f: {  	s9 =	smul.u32 $0xF7A, s1;
	s8 =	simm.s32 @!p0 $0x1BF5;
	p2 =	por !p2, p0  }
0x20: {  	[sflag:s8] =	ssyncset.s32 @!p0 $0xFFFFF086;
	s6 =	sadd.s32 @!p0 s3, s7;
	s7 =	simm.s32 @!p0 $0x108  }
0x21: {  	s3 =	sadd.s32 s3, s9;
	s6 =	sadd.s32 @!p0 $0x88, s6;
	s7 =	simm.s32 @p2 $0x1082  }
0x22: {  	[simem:s7], [sflag:s8] =	dma.local @!p0 [hbm:s6], $0xF7A  }
0x23: {  	s9 =	sor.u32 $0xD0000000, s2;
	s6 =	simm.s32 $0x108;
	_ =	swait.ge @!p0 [sflag:s8], $0x0  }
0x24: {  	s3 =	sadd.s32 $0x88, s3;
	s6 =	simm.s32 @!p1 $0x1082;
	[sflag:s4] =	ssyncset.s32 $0xFFFFF086  }
0x25: {  	[simem:s6], [sflag:s4] =	dma.local [hbm:s3], $0xF7A  }
0x26: {  	[smem:$0x3F94] =	sst s1;
	(tag) =	ssettag s2;
	_ =	strace s9  }
0x27: {  	s1 =	sld [smem:$0x3FA4]  }
0x28: {  	s2 =	sld [smem:$0x3FA5]  }
0x29: {  	s4 =	sld [smem:$0x3FA7]  }
0x2a: {  	p0 =	seq.s32 s5, $0x0;
	s5 =	sld [smem:$0x3FA8]  }
0x2b: {  	s6 =	sld [smem:$0x3FA9]  }
0x2c: {  	s7 =	sld [smem:$0x3FAA]  }
0x2d: {  	s3 =	simm.s32 $0x108;
	s8 =	sld [smem:$0x3FAB]  }
0x2e: {  	s3 =	simm.s32 @!p0 $0x1082;
	s9 =	sld [smem:$0x3FAC]  }
0x2f: {  	lr =	sadd.s32 s0, s3;
	s0 =	sld [smem:$0x3FA3]  }
0x30: {  	s3 =	sld [smem:$0x3FA6]  }
0x31: {  	[smem:$0x3FAF] =	sst s10  }
0x32: {  	s10 =	sld [smem:$0x3FAD];
	_ =	sdelay $0x3  }
0x33: {  	p0 =	seq.s32 s10, $0x1;
	s10 =	sld [smem:$0x3FAF];
	_ =	sdelay $0x3  }
0x34: {  	[smem:$0x3FAF] =	sst s10  }
0x35: {  	s10 =	sld [smem:$0x3FAE];
	_ =	sdelay $0x3  }
0x36: {  	p1 =	seq.s32 s10, $0x1;
	s10 =	sld [smem:$0x3FAF];
	_ =	sdelay $0x3  }
0x37: {  	[smem:$0x3FAF] =	sst s10  }
0x38: {  	s10 =	sld [smem:$0x3FB0]  }
0x39: {  	_ = 	snop;
	(pc) =	sbr.ind lr, $3  }
0x3a: {  	_ = 	snop  }
0x3b: {  	_ = 	snop  }
0x3c: {  	p2 =	seq.s32 s10, $0x1;
	s10 =	sld [smem:$0x3FAF]  }
0x3d: {  	_ =	shalt  }
0x3e: {  	_ =	shalt  }
0x3f: {  	_ =	shalt  }
0x40: {  	_ =	shalt  }
0x41: {  	_ =	shalt  }
0x42: {  	_ =	shalt  }
0x43: {  	_ =	shalt  }
0x44: {  	_ =	shalt  }
0x45: {  	_ =	shalt  }
0x46: {  	_ =	shalt  }
0x47: {  	_ =	shalt  }
0x48: {  	_ =	shalt  }
0x49: {  	_ =	shalt  }
0x4a: {  	_ =	shalt  }
0x4b: {  	_ =	shalt  }
0x4c: {  	_ =	shalt  }
0x4d: {  	_ =	shalt  }
0x4e: {  	_ =	shalt  }
0x4f: {  	_ =	shalt  }
0x50: {  	_ =	shalt  }
0x51: {  	_ =	shalt  }
0x52: {  	_ =	shalt  }
0x53: {  	_ =	shalt  }
0x54: {  	_ =	shalt  }
0x55: {  	_ =	shalt  }
0x56: {  	_ =	shalt  }
0x57: {  	_ =	shalt  }
0x58: {  	_ =	shalt  }
0x59: {  	_ =	shalt  }
0x5a: {  	_ =	shalt  }
0x5b: {  	_ =	shalt  }
0x5c: {  	_ =	shalt  }
0x5d: {  	_ =	shalt  }
0x5e: {  	_ =	shalt  }
0x5f: {  	_ =	shalt  }
0x60: {  	_ =	shalt  }
0x61: {  	_ =	shalt  }
0x62: {  	_ =	shalt  }
0x63: {  	_ =	shalt  }
0x64: {  	_ =	shalt  }
0x65: {  	_ =	shalt  }
0x66: {  	_ =	shalt  }
0x67: {  	_ =	shalt  }
0x68: {  	_ =	shalt  }
0x69: {  	_ =	shalt  }
0x6a: {  	_ =	shalt  }
0x6b: {  	_ =	shalt  }
0x6c: {  	_ =	shalt  }
0x6d: {  	_ =	shalt  }
0x6e: {  	_ =	shalt  }
0x6f: {  	_ =	shalt  }
0x70: {  	_ =	shalt  }
0x71: {  	_ =	shalt  }
0x72: {  	_ =	shalt  }
0x73: {  	_ =	shalt  }
0x74: {  	_ =	shalt  }
0x75: {  	_ =	shalt  }
0x76: {  	_ =	shalt  }
0x77: {  	_ =	shalt  }
0x78: {  	_ =	shalt  }
0x79: {  	_ =	shalt  }
0x7a: {  	_ =	shalt  }
0x7b: {  	_ =	shalt  }
0x7c: {  	_ =	shalt  }
0x7d: {  	_ =	shalt  }
0x7e: {  	_ =	shalt  }
0x7f: {  	_ =	shalt  }
0x80: {  	_ =	shalt  }
0x81: {  	_ =	shalt  }
0x82: {  	_ =	shalt  }
0x83: {  	_ =	shalt  }
0x84: {  	_ =	shalt  }
0x85: {  	_ =	shalt  }
0x86: {  	_ =	shalt  }
0x87: {  	_ =	shalt  }
.Lfunc_end0:
.L_simem_size_0:
called_computation_lowered:
.L_overlay_start_0:
0x88: {  	s2 =	sld [smem:$0x3FD9]  }
0x89: {  	s3 =	sld [smem:$0x3FFE];
	_ =	sdelay $0x1  }
0x8a: {  	s1 =	srdreg.scid  }
0x8b: {  	s0 =	sand.u32 $0x1, s1  }
0x8c: {  	s17 =	sshll.u32 s0, $0xA;
	s2 =	sadd.s32 s3, s2  }
0x8d: {  	s2 =	sadd.s32 s2, s17  }
0x8e: {  	[smem:$0x3FBB] =	sst s2  }
0x8f: {  	_ = 	snop  }
0x90: {  	s2 =	sld [smem:$0x3FD0];
	(tm) =	ssettm $0x1  }
0x91: {  	s18 =	sld [smem:$0x3FFB];
	_ =	sdelay $0x3  }
0x92: {  	_ =	strace s18  }
0x93: {  	s3 =	sld [smem:$0x3FFC];
	_ =	sdelay $0x3  }
0x94: {  	_ =	strace s3  }
0x95: {  	s3 =	sld [smem:$0x3FFD];
	_ =	sdelay $0x3  }
0x96: {  	_ =	strace s3  }
0x97: {  	_ =	strace $0x8FFFFFFF  }
0x98: {  	s19 =	sld [smem:$0x3FDB];
	_ =	sdelay $0x1  }
0x99: {  	s4 =	simm.s32 $_scs_section_size  }
0x9a: {  	s5 =	simm.s32 $_size__tile_overlayer_lowered;
	s6 =	simm.s32 $_tile_overlayer_lowered  }
0x9b: {  	s22 =	simm.s32 $0x1BFF;
	s21 =	sshll.u32 s6, $0x1;
	s3 =	sadd.s32 s4, s19  }
0x9c: {  	s7 =	simm.s32 $0x0;
	s20 =	sshll.u32 s5, $0x1;
	s5 =	sadd.s32 s21, s3  }
0x9d: {  	[timem:s7], [sflag:s22] =	dma.local [hbm:s5], s20  }
0x9e: {  	_ =	swait.ge [sflag:s22], s20  }
0x9f: {  	s4 =	ssub.s32 $0x0, s20;
	[sflag:s22] =	ssyncset.done $0x0  }
0xa0: {  	[sflag:s22] =	ssyncadd.s32 s4;
	_ =	sdelay $0x1  }
0xa1: {  	s23 =	simm.s32 $0x1B8B  }
0xa2: {  	_ =	swait.ge [sflag:s23], $0x1  }
0xa3: {  	[sflag:s23] =	ssyncset.done $0x0  }
0xa4: {  	s25 =	simm.s32 $0x1B8E;
	s24 =	sld [smem:$0x3FFE];
	[sflag:s23] =	ssyncadd.s32 $0xFFFFFFFF  }
0xa5: {  	s26 =	simm.s32 $execute0_lowered;
	[smem:$0x3FD2] =	sst s25  }
0xa6: {  	s5 =	sshll.u32 s26, $0x1;
	_ =	strace $0x80000046;
	[dreg:$0x1] =	wrdreg $0xFFFFFFFF  }
0xa7: {  	s28 =	simm.s32 $_size_execute0_lowered;
	s3 =	sadd.s32 s3, s5;
	[dreg:$0x0] =	wrdreg $0x0  }
0xa8: {  	s5 =	sshll.u32 s28, $0x1;
	[dreg:$0x2] =	wrdreg s3  }
0xa9: {  	[dreg:$0x3] =	wrdreg s5  }
0xaa: {  	[dreg:$0x4] =	wrdreg $0xC0  }
0xab: {  	_ =	task [dreg:s7], $0x5FFFF  }
0xac: {  	[dreg:$0x1] =	wrdreg $0xFFFFFFFF  }
0xad: {  	[dreg:$0x0] =	wrdreg $0x60  }
0xae: {  	[dreg:$0x2] =	wrdreg s24  }
0xaf: {  	[dreg:$0x3] =	wrdreg s2  }
0xb0: {  	[dreg:$0x4] =	wrdreg $0x92000  }
0xb1: {  	[dreg:$0x5] =	wrdreg $0x9  }
0xb2: {  	_ =	task.clear_ibuf [dreg:s7], $0x6FFFF;
	_ =	strace $0x90000046  }
0xb3: {  	s29 =	simm.s32 $0x9;
	_ =	strace $0x80000048  }
0xb4: {  	_ =	swait.ge [sflag:s29], $0x1  }
0xb5: {  	[sflag:s29] =	ssyncadd.s32 $0xFFFFFFFF  }
0xb6: {  	_ =	strace $0x90000048  }
0xb7: {  	_ =	sfence  }
0xb8: {  	s30 =	sld [smem:$0x0];
	_ =	sdelay $0x2  }
0xb9: {  	s31 =	sshll.u32 s1, $0xD;
	s1 =	sshrl.u32 s1, $0x2  }
0xba: {  	s3 =	sand.u32 $0x4000, s31;
	s1 =	sadd.s32 s1, s30  }
0xbb: {  	s0 =	sor.u32 s3, s0;
	s1 =	sshll.u32 s1, $0x11  }
0xbc: {  	s0 =	sor.u32 s1, s0  }
0xbd: {  	s0 =	sadd.s32 $0x8F2B, s0  }
0xbe: {  	[sflag:s0] =	ssyncadd.remote.s32 $0x1  }
0xbf: {  	_ =	sfence.sel $0xFFFF  }
0xc0: {  	[dreg:$0x0] =	wrdreg $0xFFFFFFFF;
	(pc) =	sbr.abs _section_cstart, $3  }
0xc1: {  	[dreg:$0x1] =	wrdreg $0xFFFFFFFF  }
0xc2: {  	_ =	task.clear_ibuf [dreg:s7], $0x2FFFF;
	_ =	strace $0x9FFFFFFF  }
0xc3: {  	(tm) =	ssettm $0x7FFFFFFF  }
tec
execute0_lowered:
.L_overlay_start_1:
0x0: {  	(tag) =	ssettag $0x1  }
0x1: {  	s6 =	rddreg [dreg:$0x0]  }
0x2: {  	s12 =	rddreg [dreg:$0x1]  }
0x3: {  	s1 =	rddreg [dreg:$0x2];
	s2 =	srdreg.scid  }
0x4: {  	s3 =	simm.s32 $0x0;
	s0 =	stileid.u32;
	s18 =	simm.s32 $0x200  }
0x5: {  	s19 =	simm.s32 $0x1;
	s21 =	simm.s32 $0x100;
	s22 =	simm.s32 $0x180  }
0x6: {  	s23 =	simm.s32 $0x2A00;
	s28 =	simm.s32 $0x3;
	s29 =	simm.s32 $0x0  }
0x7: {  	s7 =	sand.u32 $0x1, s2;
	[smem:$0x7FF] =	sst s3;
	s9 =	smul.u32 $0x14000, s0  }
0x8: {  	s11 =	smul.u32 $0x50000, s0;
	s13 =	sadd.s32 $0xB200, s6;
	s30 =	sshll.u32 s0, $0x6  }
0x9: {  	s4 =	sshll.u32 s7, $0x4;
	s5 =	smul.u32 $0x140000, s7;
	_ =	strace $0x80000047  }
0xa: {  	s24 =	ssub.s32 $0x2, s7;
	s8 =	sor.u32 s0, s4;
	s4 =	sadd.s32 $0x4A00, s6  }
0xb: {  	s7 =	sshrl.u32 s24, $0x1;
	s25 =	sshrl.u32 s11, $0x2;
	s10 =	sshll.u32 s8, $0x6  }
0xc: {  	s9 =	sadd.s32 s9, s5;
	s5 =	sadd.s32 $0x8A00, s6;
	s26 =	smul.u32 $0xA000, s8  }
0xd: {  	s15 =	ssub.s32 s24, s7;
	s16 =	sadd.s32 s25, s1;
	s31 =	smul.u32 $0x1400, s8  }
0xe: {  	s17 =	smul.u32 $0x680, s8;
	s24 =	simm.s32 $0x64;
	s9 =	sshrl.u32 s9, $0x3  }
0xf: {  	s25 =	simm.s32 $0x5E00;
	s10 =	sadd.s32 s10, s6;
	s14 =	sadd.s32 s9, s6  }
0x10: {  	s6 =	sor.u32 $0x1C04, s30;
	s11 =	sshrl.u32 s26, $0x3;
	s7 =	sadd.s32 $0x4200, s10  }
0x11: {  	s8 =	sadd.s32 s13, s31;
	s12 =	sadd.s32 s12, s17;
	s17 =	simm.s32 $0x50  }
0x12: {  	s26 =	simm.s32 $0x2;
	s11 =	sadd.s32 s13, s11;
	s13 =	sadd.s32 $0x33200, s14  }
0x13: {  	s14 =	smax.u32 s15, $0x1;
	s15 =	sshrl.u32 s16, $0x3;
	s16 =	simm.s32 $0x4  }
0x14: {  	v0 =	vimm.f32 $1.000000000e+00;
	s9 =	sadd.s32 $0x500, s11;
	s10 =	sadd.s32 $0xA00, s11;
	s11 =	sadd.s32 $0xF00, s11  }
.LBB2_1:
0x15: {  	[spmem:s15], [sflag:s6] =	dma.local [hbm:s5], $0x2800  }
0x16: {  	_ =	swait.ge [sflag:s16], $0x2800  }
0x17: {  	[sflag:s16] =	ssyncset.done $0x0  }
0x18: {  	[sflag:s16] =	ssyncadd.s32 $0xFFFFD800  }
0x19: {  	[bflag:$0x0] =	sbarrier.arrive $0xFFFF  }
0x1a: {  	[tilespmem:s3], [sflag:$0x4] =	stream.linear.gather [hbm4b:s7+s3], $0x200, $0x38;
	[tilespmem:$0x1D200] =	vst v63  }
0x1b: {  	_ =	swait.ge [sflag:s16], $0x200  }
0x1c: {  	[sflag:s16] =	ssyncset.done $0x0  }
0x1d: {  	[sflag:s16] =	ssyncadd.s32 $0xFFFFFE00  }
0x1e: {  	[tilespmem:s18], [sflag:$0x1] =	stream.indirect.gather [hbm4b:s4+s17], $0x80, s3, s17, $0xb8;
	[tilespmem:$0x1D200] =	vst v63  }
0x1f: {  	_ =	swait.ge [sflag:s19], $0x2800  }
0x20: {  	[sflag:s19] =	ssyncset.done $0x0  }
0x21: {  	[sflag:s19] =	ssyncadd.s32 $0xFFFFD800  }
0x22: {  	[hbm4b:s8+s3] =	stream.linear.scatter [tilespmem:s18], [sflag:$0x4], $0x2800, $0x38;
	[tilespmem:$0x1D200] =	vst v63  }
0x23: {  	_ =	swait.ge [sflag:s16], $0x2800  }
0x24: {  	[sflag:s16] =	ssyncset.done $0x0  }
0x25: {  	s0 =	simm.s32 $0x80;
	[sflag:s16] =	ssyncadd.s32 $0xFFFFD800  }
0x26: {  	[tilespmem:s18], [sflag:$0x1] =	stream.indirect.gather [hbm4b:s4+s17], $0x80, s0, s17, $0xb8;
	[tilespmem:$0x1D200] =	vst v63  }
0x27: {  	_ =	swait.ge [sflag:s19], $0x2800  }
0x28: {  	[sflag:s19] =	ssyncset.done $0x0  }
0x29: {  	[sflag:s19] =	ssyncadd.s32 $0xFFFFD800  }
0x2a: {  	[hbm4b:s9+s3] =	stream.linear.scatter [tilespmem:s18], [sflag:$0x4], $0x2800, $0x38;
	[tilespmem:$0x1D200] =	vst v63  }
0x2b: {  	_ =	swait.ge [sflag:s16], $0x2800  }
0x2c: {  	[sflag:s16] =	ssyncset.done $0x0  }
0x2d: {  	[sflag:s16] =	ssyncadd.s32 $0xFFFFD800  }
0x2e: {  	[tilespmem:s18], [sflag:$0x1] =	stream.indirect.gather [hbm4b:s4+s17], $0x80, s21, s17, $0xb8;
	[tilespmem:$0x1D200] =	vst v63  }
0x2f: {  	_ =	swait.ge [sflag:s19], $0x2800  }
0x30: {  	[sflag:s19] =	ssyncset.done $0x0  }
0x31: {  	[sflag:s19] =	ssyncadd.s32 $0xFFFFD800  }
0x32: {  	[hbm4b:s10+s3] =	stream.linear.scatter [tilespmem:s18], [sflag:$0x4], $0x2800, $0x38;
	[tilespmem:$0x1D200] =	vst v63  }
0x33: {  	_ =	swait.ge [sflag:s16], $0x2800  }
0x34: {  	[sflag:s16] =	ssyncset.done $0x0  }
0x35: {  	[sflag:s16] =	ssyncadd.s32 $0xFFFFD800  }
0x36: {  	[tilespmem:s18], [sflag:$0x1] =	stream.indirect.gather [hbm4b:s4+s17], $0x80, s22, s17, $0xb8;
	[tilespmem:$0x1D200] =	vst v63  }
0x37: {  	_ =	swait.ge [sflag:s19], $0x2800  }
0x38: {  	[sflag:s19] =	ssyncset.done $0x0  }
0x39: {  	[sflag:s19] =	ssyncadd.s32 $0xFFFFD800  }
0x3a: {  	[hbm4b:s11+s3] =	stream.linear.scatter [tilespmem:s18], [sflag:$0x4], $0x2800, $0x38;
	[tilespmem:$0x1D200] =	vst v63  }
0x3b: {  	_ =	swait.ge [sflag:s16], $0x2800  }
0x3c: {  	[sflag:s16] =	ssyncset.done $0x0  }
0x3d: {  	[sflag:s16] =	ssyncadd.s32 $0xFFFFD800  }
0x3e: {  	[tilespmem:s23], [sflag:$0x4] =	stream.linear.gather [hbm4b:s12+s3], $0x3200, $0x38;
	[tilespmem:$0x1D200] =	vst v63  }
0x3f: {  	_ =	swait.ge [sflag:s16], $0x3200  }
0x40: {  	[sflag:s16] =	ssyncset.done $0x0  }
0x41: {  	s30 =	simm.s32 $0x0;
	s31 =	simm.s32 $0x200;
	[sflag:s16] =	ssyncadd.s32 $0xFFFFCE00  }
.LBB2_2:
0x42: {  	p0 =	sne.s32 s31, $0xC600;
	[tilespmem:s30+$0x5E70] =	vst v0  }
0x43: {  	[tilespmem:s30+$0x5E00] =	vst v0  }
0x44: {  	[tilespmem:s30+$0x5E10] =	vst v0  }
.Ltmp0:
0x45: {  	[tilespmem:s30+$0x5E20] =	vst v0;
	(pc) =	sbr.rel @p0 .LBB2_2-.Ltmp0, $4  }
0x46: {  	[tilespmem:s30+$0x5E30] =	vst v0  }
0x47: {  	[tilespmem:s30+$0x5E40] =	vst v0  }
0x48: {  	[tilespmem:s30+$0x5E50] =	vst v0  }
0x49: {  	[tilespmem:s30+$0x5E60] =	vst v0;
	s30 =	sshra.s32 s31, $0x2;
	s31 =	sadd.s32 $0x200, s31  }
0x4a: {  	[tilespmem:s30+$0x5E70] =	vst v0  }
0x4b: {  	[tilespmem:s30+$0x5E00] =	vst v0  }
0x4c: {  	[tilespmem:s30+$0x5E10] =	vst v0  }
0x4d: {  	[tilespmem:s30+$0x5E20] =	vst v0  }
0x4e: {  	[tilespmem:s30+$0x5E30] =	vst v0  }
0x4f: {  	[tilespmem:s30+$0x5E40] =	vst v0  }
0x50: {  	[tilespmem:s30+$0x5E50] =	vst v0  }
0x51: {  	[tilespmem:s30+$0x5E60] =	vst v0;
	s30 =	simm.s32 $0x2A00  }
0x52: {  	[spmem:s1] =	stream.indirect.scatter.add.f32 [tilespmem:s25], [sflag:$0x2], $0x80, s30, s24, $0xb8;
	[tilespmem:$0x1D200] =	vst v63  }
0x53: {  	s30 =	simm.s32 $0x2A80  }
0x54: {  	[spmem:s1] =	stream.indirect.scatter.add.f32 [tilespmem:s25], [sflag:$0x3], $0x80, s30, s24, $0xb8;
	[tilespmem:$0x1D200] =	vst v63  }
0x55: {  	_ =	swait.ge [sflag:s26], $0x3200  }
0x56: {  	[sflag:s26] =	ssyncset.done $0x0  }
0x57: {  	[sflag:s26] =	ssyncadd.s32 $0xFFFFCE00  }
0x58: {  	_ =	swait.ge [sflag:s28], $0x3200  }
0x59: {  	s31 =	simm.s32 $0x800;
	s30 =	simm.s32 $0x100;
	[sflag:s28] =	ssyncset.done $0x0  }
.LBB2_4:
0x5a: {  	s0 =	sadd.s32 $0x2A00, s30  }
0x5b: {  	[sflag:s28] =	ssyncadd.s32 $0xFFFFCE00;
	s2 =	smov.u32 s31;
	s20 =	sadd.s32 $0x400, s31  }
0x5c: {  	[spmem:s1] =	stream.indirect.scatter.add.f32 [tilespmem:s25], [sflag:$0x2], $0x80, s0, s24, $0xb8;
	[tilespmem:$0x1D200] =	vst v63  }
0x5d: {  	p0 =	sne.s32 s31, $0xC400;
	s0 =	sadd.s32 $0x2A80, s30  }
0x5e: {  	[spmem:s1] =	stream.indirect.scatter.add.f32 [tilespmem:s25], [sflag:$0x3], $0x80, s0, s24, $0xb8;
	[tilespmem:$0x1D200] =	vst v63  }
.Ltmp1:
0x5f: {  	_ =	swait.ge [sflag:s26], $0x3200;
	(pc) =	sbr.rel @p0 .LBB2_4-.Ltmp1, $4  }
0x60: {  	[sflag:s26] =	ssyncset.done $0x0  }
0x61: {  	[sflag:s26] =	ssyncadd.s32 $0xFFFFCE00  }
0x62: {  	_ =	swait.ge [sflag:s28], $0x3200  }
0x63: {  	s30 =	sshra.s32 s2, $0x2;
	s31 =	smov.u32 s20;
	[sflag:s28] =	ssyncset.done $0x0  }
0x64: {  	s0 =	sadd.s32 $0x2A00, s30;
	[sflag:s28] =	ssyncadd.s32 $0xFFFFCE00  }
0x65: {  	[spmem:s1] =	stream.indirect.scatter.add.f32 [tilespmem:s25], [sflag:$0x2], $0x80, s0, s24, $0xb8;
	[tilespmem:$0x1D200] =	vst v63  }
0x66: {  	s31 =	sadd.s32 $0x2A80, s30  }
0x67: {  	[spmem:s1] =	stream.indirect.scatter.add.f32 [tilespmem:s25], [sflag:$0x3], $0x80, s31, s24, $0xb8;
	[tilespmem:$0x1D200] =	vst v63  }
0x68: {  	_ =	swait.ge [sflag:s26], $0x3200  }
0x69: {  	[sflag:s26] =	ssyncset.done $0x0  }
0x6a: {  	[sflag:s26] =	ssyncadd.s32 $0xFFFFCE00  }
0x6b: {  	_ =	swait.ge [sflag:s28], $0x3200  }
0x6c: {  	s29 =	sadd.s32 $0x1, s29;
	[sflag:s28] =	ssyncset.done $0x0  }
0x6d: {  	p0 =	sne.s32 s29, s14;
	[sflag:s28] =	ssyncadd.s32 $0xFFFFCE00  }
.Ltmp2:
0x6e: {  	[bflag:$0x0] =	sbarrier.arrive $0xFFFF;
	(pc) =	sbr.rel @p0 .LBB2_1-.Ltmp2, $4  }
0x6f: {  	[hbm:s13], [sflag:s6] =	dma.local [spmem:s15], $0x2800  }
0x70: {  	_ =	swait.ge [sflag:s16], $0x2800  }
0x71: {  	[sflag:s16] =	ssyncset.done $0x0  }
0x72: {  	[sflag:s16] =	ssyncadd.s32 $0xFFFFD800  }
0x73: {  	_ =	sfence.sel $0x180000  }
0x74: {  	[bflag:$0x0] =	sbarrier.arrive $0xFFFF  }
0x75: {  	_ =	strace $0x90000047  }
0x76: {  	s0 =	stileid.u32;
	[bflag:$0x2] =	sbarrier.arrive $0xFFFF  }
0x77: {  	p0 =	sne.s32 s0, $0x0;
	s0 =	rddreg [dreg:$0x3]  }
0x78: {  	s0 =	sadd.s32 @!p0 $0x100000, s0  }
0x79: {  	[sflag:s0] =	ssyncadd.tile.s32 @!p0 $0x1;
	_ =	shalt  }
.Lfunc_end2:
_tile_overlayer_lowered:
.L_overlay_start_2:
0x7a: {  	(tag) =	ssettag $0x2  }
0x7b: {  	s0 =	rddreg [dreg:$0x0];
	s2 =	stileid.u32  }
0x7c: {  	s1 =	rddreg [dreg:$0x1];
	p0 =	sne.s32 s2, $0x0  }
0x7d: {  	s3 =	rddreg [dreg:$0x2];
	[bflag:$0x3] =	sbarrier.arrive $0xFFFF;
	s2 =	simm.s32 @!p0 $0x1C04  }
0x7e: {  	[timem:s3], [sflag:s2] =	dma.local @!p0 [hbm:s0], s1  }
0x7f: {  	s0 =	simm.s32 @!p0 $0x4  }
0x80: {  	_ =	swait.ge @!p0 [sflag:s0], s1  }
0x81: {  	s1 =	ssub.s32 @!p0 $0x0, s1;
	[sflag:s0] =	ssyncset.done @!p0 $0x0  }
0x82: {  	[sflag:s0] =	ssyncadd.s32 @!p0 s1  }
0x83: {  	[bflag:$0x3] =	sbarrier.arrive $0xFFFF  }
0x84: {  	_ =	shalt  }

// kernel: kernel.17.cloned.1.call-start
scs
__scs_entry_jumppad:
0x0: {  	(pc) =	sbr.rel $0x88, $3  }
0x1: {  	(tag) =	ssettag $0x0;
	lr =	simm.s32 $0x1  }
0x2: {  	[smem:$0x3F94] =	sst lr;
	_ =	strace $0xD0000000  }
0x3: {  	_ = 	snop  }
0x4: {  	_ = 	snop  }
0x5: {  	_ = 	snop  }
0x6: {  	_ = 	snop  }
0x7: {  	_ = 	snop  }
__scs_overlays_trampoline_lowered:
0x8: {  	[smem:$0x3FA3] =	sst s0  }
0x9: {  	[smem:$0x3FA4] =	sst s1  }
0xa: {  	[smem:$0x3FA5] =	sst s2  }
0xb: {  	[smem:$0x3FA6] =	sst s3  }
0xc: {  	[smem:$0x3FA7] =	sst s4  }
0xd: {  	[smem:$0x3FA8] =	sst s5  }
0xe: {  	[smem:$0x3FA9] =	sst s6  }
0xf: {  	[smem:$0x3FAA] =	sst s7  }
0x10: {  	[smem:$0x3FAB] =	sst s8  }
0x11: {  	[smem:$0x3FAC] =	sst s9;
	s0 =	simm.s32 @!p0 $0x0  }
0x12: {  	s1 =	sld [smem:$0x3F92];
	s0 =	simm.s32 @p0 $0x1  }
0x13: {  	[smem:$0x3FAD] =	sst s0;
	s0 =	simm.s32 @!p1 $0x0  }
0x14: {  	s2 =	sld [smem:$0x3F91];
	s0 =	simm.s32 @p1 $0x1  }
0x15: {  	[smem:$0x3FAE] =	sst s0;
	s0 =	simm.s32 @!p2 $0x0  }
0x16: {  	s3 =	sld [smem:$0x3FDB];
	s0 =	simm.s32 @p2 $0x1  }
0x17: {  	s4 =	simm.s32 $0x1BF5;
	[smem:$0x3FB0] =	sst s0  }
0x18: {  	s0 =	sld [smem:$0x3F93];
	_ =	swait.ge [sflag:s4], $0x0  }
0x19: {  	s7 =	sld [smem:$0x3F94]  }
0x1a: {  	s8 =	sadd.s32 $0xFFFFE003, lr  }
0x1b: {  	s9 =	sadd.s32 $0xFFFFFEF7, lr;
	s5 =	simm.s32 $0xFFFFFFFF;
	p2 =	slt.u32 s8, $0xFFFFF086  }
0x1c: {  	p1 =	slt.u32 s9, $0xF7A;
	s5 =	simm.s32 @!p2 $0x0  }
0x1d: {  	s5 =	simm.s32 @p1 $0x1;
	p0 =	seq.s32 s7, s2  }
0x1e: {  	s7 =	smul.u32 @!p0 $0xF7A, s2;
	p2 =	seq.s32 @!p0 s5, $0x0  }
0x1f: {  	s9 =	smul.u32 $0xF7A, s1;
	s8 =	simm.s32 @!p0 $0x1BF5;
	p2 =	por !p2, p0  }
0x20: {  	[sflag:s8] =	ssyncset.s32 @!p0 $0xFFFFF086;
	s6 =	sadd.s32 @!p0 s3, s7;
	s7 =	simm.s32 @!p0 $0x108  }
0x21: {  	s3 =	sadd.s32 s3, s9;
	s6 =	sadd.s32 @!p0 $0x88, s6;
	s7 =	simm.s32 @p2 $0x1082  }
0x22: {  	[simem:s7], [sflag:s8] =	dma.local @!p0 [hbm:s6], $0xF7A  }
0x23: {  	s9 =	sor.u32 $0xD0000000, s2;
	s6 =	simm.s32 $0x108;
	_ =	swait.ge @!p0 [sflag:s8], $0x0  }
0x24: {  	s3 =	sadd.s32 $0x88, s3;
	s6 =	simm.s32 @!p1 $0x1082;
	[sflag:s4] =	ssyncset.s32 $0xFFFFF086  }
0x25: {  	[simem:s6], [sflag:s4] =	dma.local [hbm:s3], $0xF7A  }
0x26: {  	[smem:$0x3F94] =	sst s1;
	(tag) =	ssettag s2;
	_ =	strace s9  }
0x27: {  	s1 =	sld [smem:$0x3FA4]  }
0x28: {  	s2 =	sld [smem:$0x3FA5]  }
0x29: {  	s4 =	sld [smem:$0x3FA7]  }
0x2a: {  	p0 =	seq.s32 s5, $0x0;
	s5 =	sld [smem:$0x3FA8]  }
0x2b: {  	s6 =	sld [smem:$0x3FA9]  }
0x2c: {  	s7 =	sld [smem:$0x3FAA]  }
0x2d: {  	s3 =	simm.s32 $0x108;
	s8 =	sld [smem:$0x3FAB]  }
0x2e: {  	s3 =	simm.s32 @!p0 $0x1082;
	s9 =	sld [smem:$0x3FAC]  }
0x2f: {  	lr =	sadd.s32 s0, s3;
	s0 =	sld [smem:$0x3FA3]  }
0x30: {  	s3 =	sld [smem:$0x3FA6]  }
0x31: {  	[smem:$0x3FAF] =	sst s10  }
0x32: {  	s10 =	sld [smem:$0x3FAD];
	_ =	sdelay $0x3  }
0x33: {  	p0 =	seq.s32 s10, $0x1;
	s10 =	sld [smem:$0x3FAF];
	_ =	sdelay $0x3  }
0x34: {  	[smem:$0x3FAF] =	sst s10  }
0x35: {  	s10 =	sld [smem:$0x3FAE];
	_ =	sdelay $0x3  }
0x36: {  	p1 =	seq.s32 s10, $0x1;
	s10 =	sld [smem:$0x3FAF];
	_ =	sdelay $0x3  }
0x37: {  	[smem:$0x3FAF] =	sst s10  }
0x38: {  	s10 =	sld [smem:$0x3FB0]  }
0x39: {  	_ = 	snop;
	(pc) =	sbr.ind lr, $3  }
0x3a: {  	_ = 	snop  }
0x3b: {  	_ = 	snop  }
0x3c: {  	p2 =	seq.s32 s10, $0x1;
	s10 =	sld [smem:$0x3FAF]  }
0x3d: {  	_ =	shalt  }
0x3e: {  	_ =	shalt  }
0x3f: {  	_ =	shalt  }
0x40: {  	_ =	shalt  }
0x41: {  	_ =	shalt  }
0x42: {  	_ =	shalt  }
0x43: {  	_ =	shalt  }
0x44: {  	_ =	shalt  }
0x45: {  	_ =	shalt  }
0x46: {  	_ =	shalt  }
0x47: {  	_ =	shalt  }
0x48: {  	_ =	shalt  }
0x49: {  	_ =	shalt  }
0x4a: {  	_ =	shalt  }
0x4b: {  	_ =	shalt  }
0x4c: {  	_ =	shalt  }
0x4d: {  	_ =	shalt  }
0x4e: {  	_ =	shalt  }
0x4f: {  	_ =	shalt  }
0x50: {  	_ =	shalt  }
0x51: {  	_ =	shalt  }
0x52: {  	_ =	shalt  }
0x53: {  	_ =	shalt  }
0x54: {  	_ =	shalt  }
0x55: {  	_ =	shalt  }
0x56: {  	_ =	shalt  }
0x57: {  	_ =	shalt  }
0x58: {  	_ =	shalt  }
0x59: {  	_ =	shalt  }
0x5a: {  	_ =	shalt  }
0x5b: {  	_ =	shalt  }
0x5c: {  	_ =	shalt  }
0x5d: {  	_ =	shalt  }
0x5e: {  	_ =	shalt  }
0x5f: {  	_ =	shalt  }
0x60: {  	_ =	shalt  }
0x61: {  	_ =	shalt  }
0x62: {  	_ =	shalt  }
0x63: {  	_ =	shalt  }
0x64: {  	_ =	shalt  }
0x65: {  	_ =	shalt  }
0x66: {  	_ =	shalt  }
0x67: {  	_ =	shalt  }
0x68: {  	_ =	shalt  }
0x69: {  	_ =	shalt  }
0x6a: {  	_ =	shalt  }
0x6b: {  	_ =	shalt  }
0x6c: {  	_ =	shalt  }
0x6d: {  	_ =	shalt  }
0x6e: {  	_ =	shalt  }
0x6f: {  	_ =	shalt  }
0x70: {  	_ =	shalt  }
0x71: {  	_ =	shalt  }
0x72: {  	_ =	shalt  }
0x73: {  	_ =	shalt  }
0x74: {  	_ =	shalt  }
0x75: {  	_ =	shalt  }
0x76: {  	_ =	shalt  }
0x77: {  	_ =	shalt  }
0x78: {  	_ =	shalt  }
0x79: {  	_ =	shalt  }
0x7a: {  	_ =	shalt  }
0x7b: {  	_ =	shalt  }
0x7c: {  	_ =	shalt  }
0x7d: {  	_ =	shalt  }
0x7e: {  	_ =	shalt  }
0x7f: {  	_ =	shalt  }
0x80: {  	_ =	shalt  }
0x81: {  	_ =	shalt  }
0x82: {  	_ =	shalt  }
0x83: {  	_ =	shalt  }
0x84: {  	_ =	shalt  }
0x85: {  	_ =	shalt  }
0x86: {  	_ =	shalt  }
0x87: {  	_ =	shalt  }
.Lfunc_end0:
.L_simem_size_0:
called_computation.1_lowered:
.L_overlay_start_0:
0x88: {  	s2 =	sld [smem:$0x3FD9]  }
0x89: {  	s3 =	sld [smem:$0x3FFE];
	_ =	sdelay $0x1  }
0x8a: {  	s1 =	srdreg.scid  }
0x8b: {  	s0 =	sand.u32 $0x1, s1  }
0x8c: {  	s17 =	sshll.u32 s0, $0xA;
	s2 =	sadd.s32 s3, s2  }
0x8d: {  	s2 =	sadd.s32 s2, s17  }
0x8e: {  	[smem:$0x3FBB] =	sst s2  }
0x8f: {  	_ = 	snop  }
0x90: {  	s2 =	sld [smem:$0x3FD0];
	(tm) =	ssettm $0x1  }
0x91: {  	s18 =	sld [smem:$0x3FFB];
	_ =	sdelay $0x3  }
0x92: {  	_ =	strace s18  }
0x93: {  	s3 =	sld [smem:$0x3FFC];
	_ =	sdelay $0x3  }
0x94: {  	_ =	strace s3  }
0x95: {  	s3 =	sld [smem:$0x3FFD];
	_ =	sdelay $0x3  }
0x96: {  	_ =	strace s3  }
0x97: {  	_ =	strace $0x8FFFFFFF  }
0x98: {  	s19 =	sld [smem:$0x3FDB];
	_ =	sdelay $0x1  }
0x99: {  	s4 =	simm.s32 $_scs_section_size  }
0x9a: {  	s5 =	simm.s32 $_size__tile_overlayer_lowered;
	s6 =	simm.s32 $_tile_overlayer_lowered  }
0x9b: {  	s22 =	simm.s32 $0x1BFF;
	s21 =	sshll.u32 s6, $0x1;
	s3 =	sadd.s32 s4, s19  }
0x9c: {  	s7 =	simm.s32 $0x0;
	s20 =	sshll.u32 s5, $0x1;
	s5 =	sadd.s32 s21, s3  }
0x9d: {  	[timem:s7], [sflag:s22] =	dma.local [hbm:s5], s20  }
0x9e: {  	_ =	swait.ge [sflag:s22], s20  }
0x9f: {  	s4 =	ssub.s32 $0x0, s20;
	[sflag:s22] =	ssyncset.done $0x0  }
0xa0: {  	[sflag:s22] =	ssyncadd.s32 s4;
	_ =	sdelay $0x1  }
0xa1: {  	s23 =	simm.s32 $0x1B8B  }
0xa2: {  	_ =	swait.ge [sflag:s23], $0x1  }
0xa3: {  	[sflag:s23] =	ssyncset.done $0x0  }
0xa4: {  	s25 =	simm.s32 $0x1B8E;
	s24 =	sld [smem:$0x3FFE];
	[sflag:s23] =	ssyncadd.s32 $0xFFFFFFFF  }
0xa5: {  	s26 =	simm.s32 $execute0_lowered;
	[smem:$0x3FD2] =	sst s25  }
0xa6: {  	s5 =	sshll.u32 s26, $0x1;
	_ =	strace $0x80000049;
	[dreg:$0x1] =	wrdreg $0xFFFFFFFF  }
0xa7: {  	s28 =	simm.s32 $_size_execute0_lowered;
	s3 =	sadd.s32 s3, s5;
	[dreg:$0x0] =	wrdreg $0x0  }
0xa8: {  	s5 =	sshll.u32 s28, $0x1;
	[dreg:$0x2] =	wrdreg s3  }
0xa9: {  	[dreg:$0x3] =	wrdreg s5  }
0xaa: {  	[dreg:$0x4] =	wrdreg $0xC0  }
0xab: {  	_ =	task [dreg:s7], $0x5FFFF  }
0xac: {  	[dreg:$0x1] =	wrdreg $0xFFFFFFFF  }
0xad: {  	[dreg:$0x0] =	wrdreg $0x60  }
0xae: {  	[dreg:$0x2] =	wrdreg s24  }
0xaf: {  	[dreg:$0x3] =	wrdreg s2  }
0xb0: {  	[dreg:$0x4] =	wrdreg $0x9D000  }
0xb1: {  	[dreg:$0x5] =	wrdreg $0x9  }
0xb2: {  	_ =	task.clear_ibuf [dreg:s7], $0x6FFFF;
	_ =	strace $0x90000049  }
0xb3: {  	s29 =	simm.s32 $0x9;
	_ =	strace $0x8000004B  }
0xb4: {  	_ =	swait.ge [sflag:s29], $0x1  }
0xb5: {  	[sflag:s29] =	ssyncadd.s32 $0xFFFFFFFF  }
0xb6: {  	_ =	strace $0x9000004B  }
0xb7: {  	_ =	sfence  }
0xb8: {  	s30 =	sld [smem:$0x0];
	_ =	sdelay $0x2  }
0xb9: {  	s31 =	sshll.u32 s1, $0xD;
	s1 =	sshrl.u32 s1, $0x2  }
0xba: {  	s3 =	sand.u32 $0x4000, s31;
	s1 =	sadd.s32 s1, s30  }
0xbb: {  	s0 =	sor.u32 s3, s0;
	s1 =	sshll.u32 s1, $0x11  }
0xbc: {  	s0 =	sor.u32 s1, s0  }
0xbd: {  	s0 =	sadd.s32 $0x8F2B, s0  }
0xbe: {  	[sflag:s0] =	ssyncadd.remote.s32 $0x1  }
0xbf: {  	_ =	sfence.sel $0xFFFF  }
0xc0: {  	[dreg:$0x0] =	wrdreg $0xFFFFFFFF;
	(pc) =	sbr.abs _section_cstart, $3  }
0xc1: {  	[dreg:$0x1] =	wrdreg $0xFFFFFFFF  }
0xc2: {  	_ =	task.clear_ibuf [dreg:s7], $0x2FFFF;
	_ =	strace $0x9FFFFFFF  }
0xc3: {  	(tm) =	ssettm $0x7FFFFFFF  }
tec
execute0_lowered:
.L_overlay_start_1:
0x0: {  	(tag) =	ssettag $0x1  }
0x1: {  	s9 =	rddreg [dreg:$0x0]  }
0x2: {  	s0 =	srdreg.scid;
	s2 =	rddreg [dreg:$0x1]  }
0x3: {  	s3 =	rddreg [dreg:$0x2];
	s5 =	simm.s32 $0x0;
	s15 =	simm.s32 $0x3480  }
0x4: {  	s16 =	simm.s32 $0x64;
	s17 =	simm.s32 $0x3500;
	s18 =	simm.s32 $0x6900  }
0x5: {  	s19 =	simm.s32 $0x3;
	s20 =	simm.s32 $0x1;
	s21 =	simm.s32 $0x4  }
0x6: {  	s22 =	simm.s32 $0x2;
	s8 =	sand.u32 $0x1, s0;
	s0 =	stileid.u32  }
0x7: {  	s23 =	simm.s32 $0x0;
	[smem:$0x7FF] =	sst s5;
	s7 =	smul.u32 $0x140000, s8  }
0x8: {  	s6 =	sadd.s32 $0xB200, s9;
	s1 =	sshll.u32 s8, $0x4;
	s10 =	smul.u32 $0x14000, s0  }
0x9: {  	s12 =	smul.u32 $0x50000, s0;
	s8 =	ssub.s32 $0x2, s8;
	s1 =	sor.u32 s0, s1  }
0xa: {  	s13 =	sshll.u32 s0, $0x6;
	s31 =	sshrl.u32 s8, $0x1;
	s4 =	smul.u32 $0x3400, s1  }
0xb: {  	s1 =	rddreg [dreg:$0x3];
	_ =	strace $0x8000004A;
	s7 =	sadd.s32 s10, s7  }
0xc: {  	s12 =	sshrl.u32 s12, $0x2;
	s14 =	ssub.s32 s8, s31;
	s8 =	sor.u32 $0x1C05, s13  }
0xd: {  	s13 =	simm.s32 $0x5;
	s30 =	sshrl.u32 s7, $0x3;
	s11 =	sshrl.u32 s4, $0x3  }
0xe: {  	s7 =	sadd.s32 $0x8A00, s9;
	s12 =	sadd.s32 s12, s3;
	s29 =	sadd.s32 s11, s9  }
0xf: {  	s12 =	sshrl.u32 s12, $0x3;
	s11 =	sadd.s32 s30, s9;
	s9 =	sadd.s32 $0x83200, s29  }
0x10: {  	s10 =	sadd.s32 $0x90200, s11;
	s11 =	smax.u32 s14, $0x1;
	s14 =	simm.s32 $0x3400  }
.LBB2_1:
0x11: {  	[spmem:s12], [sflag:s8] =	dma.local [hbm:s7], $0x2800  }
0x12: {  	_ =	swait.ge [sflag:s13], $0x2800  }
0x13: {  	s24 =	simm.s32 $0x0;
	[sflag:s13] =	ssyncset.done $0x0  }
0x14: {  	s26 =	simm.s32 $0x80;
	s25 =	sand.u32 $0x3C00, s24;
	[sflag:s13] =	ssyncadd.s32 $0xFFFFD800  }
0x15: {  	[tilespmem:s5], [sflag:$0x5] =	stream.linear.gather [hbm4b:s9+s5], $0x3200, $0x38;
	[tilespmem:$0x1DD00] =	vst v63  }
0x16: {  	s24 =	sand.u32 $0x300, s24;
	s25 =	sadd.s32 s4, s25;
	_ =	swait.ge [sflag:s13], $0x3200  }
0x17: {  	s26 =	sand.u32 $0x380, s26;
	s24 =	sor.u32 s24, s25;
	[sflag:s13] =	ssyncset.done $0x0  }
0x18: {  	s25 =	sor.u32 s25, s26;
	s24 =	sshrl.u32 s24, $0x3;
	[sflag:s13] =	ssyncadd.s32 $0xFFFFCE00  }
0x19: {  	s25 =	sshrl.u32 s25, $0x3;
	s24 =	sadd.s32 s2, s24;
	[bflag:$0x0] =	sbarrier.arrive $0xFFFF  }
0x1a: {  	[tilespmem:s14], [sflag:$0x1] =	stream.linear.gather [hbm4b:s24+s5], $0x80, $0x38;
	[tilespmem:$0x1DD00] =	vst v63  }
0x1b: {  	s29 =	sadd.s32 s2, s25  }
0x1c: {  	[tilespmem:s15], [sflag:$0x2] =	stream.linear.gather [hbm4b:s29+s5], $0x80, $0x38;
	[tilespmem:$0x1DD00] =	vst v63  }
0x1d: {  	_ = 	snop  }
0x1e: {  	[tilespmem:s17], [sflag:$0x3] =	stream.indirect.gather [hbm4b:s6+s16], $0x80, s5, s16, $0xb8;
	[tilespmem:$0x1DD00] =	vst v63  }
0x1f: {  	s30 =	simm.s32 $0x80  }
0x20: {  	[tilespmem:s18], [sflag:$0x4] =	stream.indirect.gather [hbm4b:s6+s16], $0x80, s30, s16, $0xb8;
	[tilespmem:$0x1DD00] =	vst v63  }
0x21: {  	_ =	swait.ge [sflag:s19], $0x3200  }
0x22: {  	[sflag:s19] =	ssyncset.done $0x0  }
0x23: {  	[sflag:s19] =	ssyncadd.s32 $0xFFFFCE00  }
0x24: {  	_ =	swait.ge [sflag:s20], $0x80  }
0x25: {  	[sflag:s20] =	ssyncset.done $0x0  }
0x26: {  	[sflag:s20] =	ssyncadd.s32 $0xFFFFFF80  }
0x27: {  	[spmem:s3] =	stream.indirect.scatter.add.f32 [tilespmem:s17], [sflag:$0x5], $0x80, s14, s16, $0xb8;
	[tilespmem:$0x1DD00] =	vst v63  }
0x28: {  	_ =	swait.ge [sflag:s13], $0x3200  }
0x29: {  	[sflag:s13] =	ssyncset.done $0x0  }
0x2a: {  	[sflag:s13] =	ssyncadd.s32 $0xFFFFCE00  }
0x2b: {  	s31 =	simm.s32 $0x180;
	s28 =	simm.s32 $0x100;
	_ =	swait.ge [sflag:s21], $0x3200  }
0x2c: {  	s26 =	sand.u32 $0x380, s31;
	s25 =	simm.s32 $0x280;
	[sflag:s21] =	ssyncset.done $0x0  }
0x2d: {  	s24 =	simm.s32 $0x100;
	s29 =	sand.u32 $0x3C00, s28;
	[sflag:s21] =	ssyncadd.s32 $0xFFFFCE00  }
0x2e: {  	s28 =	sand.u32 $0x300, s28;
	s29 =	sadd.s32 s4, s29;
	_ =	swait.ge [sflag:s22], $0x80  }
0x2f: {  	s28 =	sor.u32 s28, s29;
	s26 =	sor.u32 s29, s26;
	[sflag:s22] =	ssyncset.done $0x0  }
0x30: {  	s28 =	sshrl.u32 s28, $0x3;
	s26 =	sshrl.u32 s26, $0x3;
	[sflag:s22] =	ssyncadd.s32 $0xFFFFFF80  }
.LBB2_2:
0x31: {  	[spmem:s3] =	stream.indirect.scatter.add.f32 [tilespmem:s18], [sflag:$0x5], $0x80, s15, s16, $0xb8;
	[tilespmem:$0x1DD00] =	vst v63  }
0x32: {  	s29 =	smov.u32 s25  }
0x33: {  	p0 =	sne.s32 s25, $0x3180;
	s25 =	sadd.s32 $0x100, s25;
	_ =	swait.ge [sflag:s13], $0x3200  }
0x34: {  	[sflag:s13] =	ssyncset.done $0x0  }
0x35: {  	s28 =	sadd.s32 s2, s28;
	[sflag:s13] =	ssyncadd.s32 $0xFFFFCE00  }
0x36: {  	[tilespmem:s14], [sflag:$0x1] =	stream.linear.gather [hbm4b:s28+s5], $0x80, $0x38;
	[tilespmem:$0x1DD00] =	vst v63  }
0x37: {  	s26 =	sadd.s32 s2, s26  }
0x38: {  	[tilespmem:s15], [sflag:$0x2] =	stream.linear.gather [hbm4b:s26+s5], $0x80, $0x38;
	[tilespmem:$0x1DD00] =	vst v63  }
0x39: {  	_ = 	snop  }
0x3a: {  	[tilespmem:s17], [sflag:$0x3] =	stream.indirect.gather [hbm4b:s6+s16], $0x80, s24, s16, $0xb8;
	[tilespmem:$0x1DD00] =	vst v63  }
0x3b: {  	s26 =	sadd.s32 $0x80, s24  }
0x3c: {  	[tilespmem:s18], [sflag:$0x4] =	stream.indirect.gather [hbm4b:s6+s16], $0x80, s26, s16, $0xb8;
	[tilespmem:$0x1DD00] =	vst v63  }
0x3d: {  	_ =	swait.ge [sflag:s19], $0x3200  }
0x3e: {  	[sflag:s19] =	ssyncset.done $0x0  }
0x3f: {  	[sflag:s19] =	ssyncadd.s32 $0xFFFFCE00  }
0x40: {  	_ =	swait.ge [sflag:s20], $0x80  }
0x41: {  	[sflag:s20] =	ssyncset.done $0x0  }
0x42: {  	[sflag:s20] =	ssyncadd.s32 $0xFFFFFF80  }
0x43: {  	[spmem:s3] =	stream.indirect.scatter.add.f32 [tilespmem:s17], [sflag:$0x5], $0x80, s14, s16, $0xb8;
	[tilespmem:$0x1DD00] =	vst v63  }
0x44: {  	_ =	swait.ge [sflag:s13], $0x3200  }
0x45: {  	[sflag:s13] =	ssyncset.done $0x0  }
0x46: {  	[sflag:s13] =	ssyncadd.s32 $0xFFFFCE00  }
0x47: {  	s24 =	sadd.s32 $0x100, s24;
	_ =	swait.ge [sflag:s21], $0x3200  }
.Ltmp0:
0x48: {  	s26 =	sadd.s32 $0xFFFFFF80, s29;
	[sflag:s21] =	ssyncset.done $0x0;
	(pc) =	sbr.rel @p0 .LBB2_2-.Ltmp0, $4  }
0x49: {  	s29 =	sand.u32 $0x380, s29;
	s28 =	sand.u32 $0x3C00, s26;
	[sflag:s21] =	ssyncadd.s32 $0xFFFFCE00  }
0x4a: {  	s26 =	sand.u32 $0x300, s26;
	s28 =	sadd.s32 s4, s28;
	_ =	swait.ge [sflag:s22], $0x80  }
0x4b: {  	s26 =	sor.u32 s26, s28;
	s29 =	sor.u32 s28, s29;
	[sflag:s22] =	ssyncset.done $0x0  }
0x4c: {  	s28 =	sshrl.u32 s26, $0x3;
	s26 =	sshrl.u32 s29, $0x3;
	[sflag:s22] =	ssyncadd.s32 $0xFFFFFF80  }
0x4d: {  	[spmem:s3] =	stream.indirect.scatter.add.f32 [tilespmem:s18], [sflag:$0x5], $0x80, s15, s16, $0xb8;
	[tilespmem:$0x1DD00] =	vst v63  }
0x4e: {  	_ =	swait.ge [sflag:s13], $0x3200  }
0x4f: {  	[sflag:s13] =	ssyncset.done $0x0  }
0x50: {  	s25 =	sadd.s32 s2, s28;
	[sflag:s13] =	ssyncadd.s32 $0xFFFFCE00  }
0x51: {  	[tilespmem:s14], [sflag:$0x1] =	stream.linear.gather [hbm4b:s25+s5], $0x80, $0x38;
	[tilespmem:$0x1DD00] =	vst v63  }
0x52: {  	s30 =	sadd.s32 s2, s26  }
0x53: {  	[tilespmem:s15], [sflag:$0x2] =	stream.linear.gather [hbm4b:s30+s5], $0x80, $0x38;
	[tilespmem:$0x1DD00] =	vst v63  }
0x54: {  	_ = 	snop  }
0x55: {  	[tilespmem:s17], [sflag:$0x3] =	stream.indirect.gather [hbm4b:s6+s16], $0x80, s24, s16, $0xb8;
	[tilespmem:$0x1DD00] =	vst v63  }
0x56: {  	s31 =	sadd.s32 $0x80, s24  }
0x57: {  	[tilespmem:s18], [sflag:$0x4] =	stream.indirect.gather [hbm4b:s6+s16], $0x80, s31, s16, $0xb8;
	[tilespmem:$0x1DD00] =	vst v63  }
0x58: {  	_ =	swait.ge [sflag:s19], $0x3200  }
0x59: {  	[sflag:s19] =	ssyncset.done $0x0  }
0x5a: {  	[sflag:s19] =	ssyncadd.s32 $0xFFFFCE00  }
0x5b: {  	_ =	swait.ge [sflag:s20], $0x80  }
0x5c: {  	[sflag:s20] =	ssyncset.done $0x0  }
0x5d: {  	[sflag:s20] =	ssyncadd.s32 $0xFFFFFF80  }
0x5e: {  	[spmem:s3] =	stream.indirect.scatter.add.f32 [tilespmem:s17], [sflag:$0x5], $0x80, s14, s16, $0xb8;
	[tilespmem:$0x1DD00] =	vst v63  }
0x5f: {  	_ =	swait.ge [sflag:s13], $0x3200  }
0x60: {  	[sflag:s13] =	ssyncset.done $0x0  }
0x61: {  	[sflag:s13] =	ssyncadd.s32 $0xFFFFCE00  }
0x62: {  	_ =	swait.ge [sflag:s21], $0x3200  }
0x63: {  	[sflag:s21] =	ssyncset.done $0x0  }
0x64: {  	[sflag:s21] =	ssyncadd.s32 $0xFFFFCE00  }
0x65: {  	_ =	swait.ge [sflag:s22], $0x80  }
0x66: {  	[sflag:s22] =	ssyncset.done $0x0  }
0x67: {  	[sflag:s22] =	ssyncadd.s32 $0xFFFFFF80  }
0x68: {  	[spmem:s3] =	stream.indirect.scatter.add.f32 [tilespmem:s18], [sflag:$0x5], $0x80, s15, s16, $0xb8;
	[tilespmem:$0x1DD00] =	vst v63  }
0x69: {  	_ =	swait.ge [sflag:s13], $0x3200  }
0x6a: {  	s23 =	sadd.s32 $0x1, s23;
	[sflag:s13] =	ssyncset.done $0x0  }
0x6b: {  	p0 =	sne.s32 s23, s11;
	[sflag:s13] =	ssyncadd.s32 $0xFFFFCE00  }
.Ltmp1:
0x6c: {  	[bflag:$0x0] =	sbarrier.arrive $0xFFFF;
	(pc) =	sbr.rel @p0 .LBB2_1-.Ltmp1, $4  }
0x6d: {  	[hbm:s10], [sflag:s8] =	dma.local [spmem:s12], $0x2800  }
0x6e: {  	_ =	swait.ge [sflag:s13], $0x2800  }
0x6f: {  	[sflag:s13] =	ssyncset.done $0x0  }
0x70: {  	[sflag:s13] =	ssyncadd.s32 $0xFFFFD800  }
0x71: {  	_ =	sfence.sel $0x180000  }
0x72: {  	[bflag:$0x0] =	sbarrier.arrive $0xFFFF  }
0x73: {  	p0 =	sne.s32 s0, $0x0;
	_ =	strace $0x9000004A  }
0x74: {  	s0 =	sadd.s32 @!p0 $0x100000, s1;
	[bflag:$0x2] =	sbarrier.arrive $0xFFFF  }
0x75: {  	[sflag:s0] =	ssyncadd.tile.s32 @!p0 $0x1;
	_ =	shalt  }
.Lfunc_end2:
_tile_overlayer_lowered:
.L_overlay_start_2:
0x76: {  	(tag) =	ssettag $0x2  }
0x77: {  	s0 =	rddreg [dreg:$0x0];
	s2 =	stileid.u32  }
0x78: {  	s1 =	rddreg [dreg:$0x1];
	p0 =	sne.s32 s2, $0x0  }
0x79: {  	s3 =	rddreg [dreg:$0x2];
	[bflag:$0x3] =	sbarrier.arrive $0xFFFF;
	s2 =	simm.s32 @!p0 $0x1C05  }
0x7a: {  	[timem:s3], [sflag:s2] =	dma.local @!p0 [hbm:s0], s1  }
0x7b: {  	s0 =	simm.s32 @!p0 $0x5  }
0x7c: {  	_ =	swait.ge @!p0 [sflag:s0], s1  }
0x7d: {  	s1 =	ssub.s32 @!p0 $0x0, s1;
	[sflag:s0] =	ssyncset.done @!p0 $0x0  }
0x7e: {  	[sflag:s0] =	ssyncadd.s32 @!p0 s1  }
0x7f: {  	[bflag:$0x3] =	sbarrier.arrive $0xFFFF  }
0x80: {  	_ =	shalt  }

// kernel: kernel.20.cloned.1.call-start
scs
__scs_entry_jumppad:
0x0: {  	(pc) =	sbr.rel $0x88, $3  }
0x1: {  	(tag) =	ssettag $0x0;
	lr =	simm.s32 $0x1  }
0x2: {  	[smem:$0x3F94] =	sst lr;
	_ =	strace $0xD0000000  }
0x3: {  	_ = 	snop  }
0x4: {  	_ = 	snop  }
0x5: {  	_ = 	snop  }
0x6: {  	_ = 	snop  }
0x7: {  	_ = 	snop  }
__scs_overlays_trampoline_lowered:
0x8: {  	[smem:$0x3FA3] =	sst s0  }
0x9: {  	[smem:$0x3FA4] =	sst s1  }
0xa: {  	[smem:$0x3FA5] =	sst s2  }
0xb: {  	[smem:$0x3FA6] =	sst s3  }
0xc: {  	[smem:$0x3FA7] =	sst s4  }
0xd: {  	[smem:$0x3FA8] =	sst s5  }
0xe: {  	[smem:$0x3FA9] =	sst s6  }
0xf: {  	[smem:$0x3FAA] =	sst s7  }
0x10: {  	[smem:$0x3FAB] =	sst s8  }
0x11: {  	[smem:$0x3FAC] =	sst s9;
	s0 =	simm.s32 @!p0 $0x0  }
0x12: {  	s1 =	sld [smem:$0x3F92];
	s0 =	simm.s32 @p0 $0x1  }
0x13: {  	[smem:$0x3FAD] =	sst s0;
	s0 =	simm.s32 @!p1 $0x0  }
0x14: {  	s2 =	sld [smem:$0x3F91];
	s0 =	simm.s32 @p1 $0x1  }
0x15: {  	[smem:$0x3FAE] =	sst s0;
	s0 =	simm.s32 @!p2 $0x0  }
0x16: {  	s3 =	sld [smem:$0x3FDB];
	s0 =	simm.s32 @p2 $0x1  }
0x17: {  	s4 =	simm.s32 $0x1BF5;
	[smem:$0x3FB0] =	sst s0  }
0x18: {  	s0 =	sld [smem:$0x3F93];
	_ =	swait.ge [sflag:s4], $0x0  }
0x19: {  	s7 =	sld [smem:$0x3F94]  }
0x1a: {  	s8 =	sadd.s32 $0xFFFFE003, lr  }
0x1b: {  	s9 =	sadd.s32 $0xFFFFFEF7, lr;
	s5 =	simm.s32 $0xFFFFFFFF;
	p2 =	slt.u32 s8, $0xFFFFF086  }
0x1c: {  	p1 =	slt.u32 s9, $0xF7A;
	s5 =	simm.s32 @!p2 $0x0  }
0x1d: {  	s5 =	simm.s32 @p1 $0x1;
	p0 =	seq.s32 s7, s2  }
0x1e: {  	s7 =	smul.u32 @!p0 $0xF7A, s2;
	p2 =	seq.s32 @!p0 s5, $0x0  }
0x1f: {  	s9 =	smul.u32 $0xF7A, s1;
	s8 =	simm.s32 @!p0 $0x1BF5;
	p2 =	por !p2, p0  }
0x20: {  	[sflag:s8] =	ssyncset.s32 @!p0 $0xFFFFF086;
	s6 =	sadd.s32 @!p0 s3, s7;
	s7 =	simm.s32 @!p0 $0x108  }
0x21: {  	s3 =	sadd.s32 s3, s9;
	s6 =	sadd.s32 @!p0 $0x88, s6;
	s7 =	simm.s32 @p2 $0x1082  }
0x22: {  	[simem:s7], [sflag:s8] =	dma.local @!p0 [hbm:s6], $0xF7A  }
0x23: {  	s9 =	sor.u32 $0xD0000000, s2;
	s6 =	simm.s32 $0x108;
	_ =	swait.ge @!p0 [sflag:s8], $0x0  }
0x24: {  	s3 =	sadd.s32 $0x88, s3;
	s6 =	simm.s32 @!p1 $0x1082;
	[sflag:s4] =	ssyncset.s32 $0xFFFFF086  }
0x25: {  	[simem:s6], [sflag:s4] =	dma.local [hbm:s3], $0xF7A  }
0x26: {  	[smem:$0x3F94] =	sst s1;
	(tag) =	ssettag s2;
	_ =	strace s9  }
0x27: {  	s1 =	sld [smem:$0x3FA4]  }
0x28: {  	s2 =	sld [smem:$0x3FA5]  }
0x29: {  	s4 =	sld [smem:$0x3FA7]  }
0x2a: {  	p0 =	seq.s32 s5, $0x0;
	s5 =	sld [smem:$0x3FA8]  }
0x2b: {  	s6 =	sld [smem:$0x3FA9]  }
0x2c: {  	s7 =	sld [smem:$0x3FAA]  }
0x2d: {  	s3 =	simm.s32 $0x108;
	s8 =	sld [smem:$0x3FAB]  }
0x2e: {  	s3 =	simm.s32 @!p0 $0x1082;
	s9 =	sld [smem:$0x3FAC]  }
0x2f: {  	lr =	sadd.s32 s0, s3;
	s0 =	sld [smem:$0x3FA3]  }
0x30: {  	s3 =	sld [smem:$0x3FA6]  }
0x31: {  	[smem:$0x3FAF] =	sst s10  }
0x32: {  	s10 =	sld [smem:$0x3FAD];
	_ =	sdelay $0x3  }
0x33: {  	p0 =	seq.s32 s10, $0x1;
	s10 =	sld [smem:$0x3FAF];
	_ =	sdelay $0x3  }
0x34: {  	[smem:$0x3FAF] =	sst s10  }
0x35: {  	s10 =	sld [smem:$0x3FAE];
	_ =	sdelay $0x3  }
0x36: {  	p1 =	seq.s32 s10, $0x1;
	s10 =	sld [smem:$0x3FAF];
	_ =	sdelay $0x3  }
0x37: {  	[smem:$0x3FAF] =	sst s10  }
0x38: {  	s10 =	sld [smem:$0x3FB0]  }
0x39: {  	_ = 	snop;
	(pc) =	sbr.ind lr, $3  }
0x3a: {  	_ = 	snop  }
0x3b: {  	_ = 	snop  }
0x3c: {  	p2 =	seq.s32 s10, $0x1;
	s10 =	sld [smem:$0x3FAF]  }
0x3d: {  	_ =	shalt  }
0x3e: {  	_ =	shalt  }
0x3f: {  	_ =	shalt  }
0x40: {  	_ =	shalt  }
0x41: {  	_ =	shalt  }
0x42: {  	_ =	shalt  }
0x43: {  	_ =	shalt  }
0x44: {  	_ =	shalt  }
0x45: {  	_ =	shalt  }
0x46: {  	_ =	shalt  }
0x47: {  	_ =	shalt  }
0x48: {  	_ =	shalt  }
0x49: {  	_ =	shalt  }
0x4a: {  	_ =	shalt  }
0x4b: {  	_ =	shalt  }
0x4c: {  	_ =	shalt  }
0x4d: {  	_ =	shalt  }
0x4e: {  	_ =	shalt  }
0x4f: {  	_ =	shalt  }
0x50: {  	_ =	shalt  }
0x51: {  	_ =	shalt  }
0x52: {  	_ =	shalt  }
0x53: {  	_ =	shalt  }
0x54: {  	_ =	shalt  }
0x55: {  	_ =	shalt  }
0x56: {  	_ =	shalt  }
0x57: {  	_ =	shalt  }
0x58: {  	_ =	shalt  }
0x59: {  	_ =	shalt  }
0x5a: {  	_ =	shalt  }
0x5b: {  	_ =	shalt  }
0x5c: {  	_ =	shalt  }
0x5d: {  	_ =	shalt  }
0x5e: {  	_ =	shalt  }
0x5f: {  	_ =	shalt  }
0x60: {  	_ =	shalt  }
0x61: {  	_ =	shalt  }
0x62: {  	_ =	shalt  }
0x63: {  	_ =	shalt  }
0x64: {  	_ =	shalt  }
0x65: {  	_ =	shalt  }
0x66: {  	_ =	shalt  }
0x67: {  	_ =	shalt  }
0x68: {  	_ =	shalt  }
0x69: {  	_ =	shalt  }
0x6a: {  	_ =	shalt  }
0x6b: {  	_ =	shalt  }
0x6c: {  	_ =	shalt  }
0x6d: {  	_ =	shalt  }
0x6e: {  	_ =	shalt  }
0x6f: {  	_ =	shalt  }
0x70: {  	_ =	shalt  }
0x71: {  	_ =	shalt  }
0x72: {  	_ =	shalt  }
0x73: {  	_ =	shalt  }
0x74: {  	_ =	shalt  }
0x75: {  	_ =	shalt  }
0x76: {  	_ =	shalt  }
0x77: {  	_ =	shalt  }
0x78: {  	_ =	shalt  }
0x79: {  	_ =	shalt  }
0x7a: {  	_ =	shalt  }
0x7b: {  	_ =	shalt  }
0x7c: {  	_ =	shalt  }
0x7d: {  	_ =	shalt  }
0x7e: {  	_ =	shalt  }
0x7f: {  	_ =	shalt  }
0x80: {  	_ =	shalt  }
0x81: {  	_ =	shalt  }
0x82: {  	_ =	shalt  }
0x83: {  	_ =	shalt  }
0x84: {  	_ =	shalt  }
0x85: {  	_ =	shalt  }
0x86: {  	_ =	shalt  }
0x87: {  	_ =	shalt  }
.Lfunc_end0:
.L_simem_size_0:
called_computation.2_lowered:
.L_overlay_start_0:
0x88: {  	s2 =	sld [smem:$0x3FD9]  }
0x89: {  	s3 =	sld [smem:$0x3FFE];
	_ =	sdelay $0x1  }
0x8a: {  	s1 =	srdreg.scid  }
0x8b: {  	s0 =	sand.u32 $0x1, s1  }
0x8c: {  	s17 =	sshll.u32 s0, $0xA;
	s2 =	sadd.s32 s3, s2  }
0x8d: {  	s2 =	sadd.s32 s2, s17  }
0x8e: {  	[smem:$0x3FBB] =	sst s2  }
0x8f: {  	_ = 	snop  }
0x90: {  	s2 =	sld [smem:$0x3FD0];
	(tm) =	ssettm $0x1  }
0x91: {  	s18 =	sld [smem:$0x3FFB];
	_ =	sdelay $0x3  }
0x92: {  	_ =	strace s18  }
0x93: {  	s3 =	sld [smem:$0x3FFC];
	_ =	sdelay $0x3  }
0x94: {  	_ =	strace s3  }
0x95: {  	s3 =	sld [smem:$0x3FFD];
	_ =	sdelay $0x3  }
0x96: {  	_ =	strace s3  }
0x97: {  	_ =	strace $0x8FFFFFFF  }
0x98: {  	s19 =	sld [smem:$0x3FDB];
	_ =	sdelay $0x1  }
0x99: {  	s4 =	simm.s32 $_scs_section_size  }
0x9a: {  	s5 =	simm.s32 $_size__tile_overlayer_lowered;
	s6 =	simm.s32 $_tile_overlayer_lowered  }
0x9b: {  	s22 =	simm.s32 $0x1BFF;
	s21 =	sshll.u32 s6, $0x1;
	s3 =	sadd.s32 s4, s19  }
0x9c: {  	s7 =	simm.s32 $0x0;
	s20 =	sshll.u32 s5, $0x1;
	s5 =	sadd.s32 s21, s3  }
0x9d: {  	[timem:s7], [sflag:s22] =	dma.local [hbm:s5], s20  }
0x9e: {  	_ =	swait.ge [sflag:s22], s20  }
0x9f: {  	s4 =	ssub.s32 $0x0, s20;
	[sflag:s22] =	ssyncset.done $0x0  }
0xa0: {  	[sflag:s22] =	ssyncadd.s32 s4;
	_ =	sdelay $0x1  }
0xa1: {  	s23 =	simm.s32 $0x1B8B  }
0xa2: {  	_ =	swait.ge [sflag:s23], $0x1  }
0xa3: {  	[sflag:s23] =	ssyncset.done $0x0  }
0xa4: {  	s25 =	simm.s32 $0x1B8E;
	s24 =	sld [smem:$0x3FFE];
	[sflag:s23] =	ssyncadd.s32 $0xFFFFFFFF  }
0xa5: {  	s26 =	simm.s32 $execute0_lowered;
	[smem:$0x3FD2] =	sst s25  }
0xa6: {  	s5 =	sshll.u32 s26, $0x1;
	_ =	strace $0x8000004C;
	[dreg:$0x1] =	wrdreg $0xFFFFFFFF  }
0xa7: {  	s28 =	simm.s32 $_size_execute0_lowered;
	s3 =	sadd.s32 s3, s5;
	[dreg:$0x0] =	wrdreg $0x0  }
0xa8: {  	s5 =	sshll.u32 s28, $0x1;
	[dreg:$0x2] =	wrdreg s3  }
0xa9: {  	[dreg:$0x3] =	wrdreg s5  }
0xaa: {  	[dreg:$0x4] =	wrdreg $0xC0  }
0xab: {  	_ =	task [dreg:s7], $0x5FFFF  }
0xac: {  	[dreg:$0x1] =	wrdreg $0xFFFFFFFF  }
0xad: {  	[dreg:$0x0] =	wrdreg $0x60  }
0xae: {  	[dreg:$0x2] =	wrdreg s24  }
0xaf: {  	[dreg:$0x3] =	wrdreg s2  }
0xb0: {  	[dreg:$0x4] =	wrdreg $0x9D000  }
0xb1: {  	[dreg:$0x5] =	wrdreg $0x9  }
0xb2: {  	_ =	task.clear_ibuf [dreg:s7], $0x6FFFF;
	_ =	strace $0x9000004C  }
0xb3: {  	s29 =	simm.s32 $0x9;
	_ =	strace $0x8000004E  }
0xb4: {  	_ =	swait.ge [sflag:s29], $0x1  }
0xb5: {  	[sflag:s29] =	ssyncadd.s32 $0xFFFFFFFF  }
0xb6: {  	_ =	strace $0x9000004E  }
0xb7: {  	_ =	sfence  }
0xb8: {  	s30 =	sld [smem:$0x0];
	_ =	sdelay $0x2  }
0xb9: {  	s31 =	sshll.u32 s1, $0xD;
	s1 =	sshrl.u32 s1, $0x2  }
0xba: {  	s3 =	sand.u32 $0x4000, s31;
	s1 =	sadd.s32 s1, s30  }
0xbb: {  	s0 =	sor.u32 s3, s0;
	s1 =	sshll.u32 s1, $0x11  }
0xbc: {  	s0 =	sor.u32 s1, s0  }
0xbd: {  	s0 =	sadd.s32 $0x8F2B, s0  }
0xbe: {  	[sflag:s0] =	ssyncadd.remote.s32 $0x1  }
0xbf: {  	_ =	sfence.sel $0xFFFF  }
0xc0: {  	[dreg:$0x0] =	wrdreg $0xFFFFFFFF;
	(pc) =	sbr.abs _section_cstart, $3  }
0xc1: {  	[dreg:$0x1] =	wrdreg $0xFFFFFFFF  }
0xc2: {  	_ =	task.clear_ibuf [dreg:s7], $0x2FFFF;
	_ =	strace $0x9FFFFFFF  }
0xc3: {  	(tm) =	ssettm $0x7FFFFFFF  }
tec
execute0_lowered:
.L_overlay_start_1:
0x0: {  	(tag) =	ssettag $0x1  }
0x1: {  	s9 =	rddreg [dreg:$0x0]  }
0x2: {  	s0 =	srdreg.scid;
	s2 =	rddreg [dreg:$0x1]  }
0x3: {  	s3 =	rddreg [dreg:$0x2];
	s5 =	simm.s32 $0x0;
	s15 =	simm.s32 $0x3480  }
0x4: {  	s16 =	simm.s32 $0x64;
	s17 =	simm.s32 $0x3500;
	s18 =	simm.s32 $0x6900  }
0x5: {  	s19 =	simm.s32 $0x3;
	s20 =	simm.s32 $0x1;
	s21 =	simm.s32 $0x4  }
0x6: {  	s22 =	simm.s32 $0x2;
	s8 =	sand.u32 $0x1, s0;
	s0 =	stileid.u32  }
0x7: {  	s23 =	simm.s32 $0x0;
	[smem:$0x7FF] =	sst s5;
	s7 =	smul.u32 $0x140000, s8  }
0x8: {  	s6 =	sadd.s32 $0xB200, s9;
	s1 =	sshll.u32 s8, $0x4;
	s10 =	smul.u32 $0x14000, s0  }
0x9: {  	s12 =	smul.u32 $0x50000, s0;
	s8 =	ssub.s32 $0x2, s8;
	s1 =	sor.u32 s0, s1  }
0xa: {  	s13 =	sshll.u32 s0, $0x6;
	s31 =	sshrl.u32 s8, $0x1;
	s4 =	smul.u32 $0x3400, s1  }
0xb: {  	s1 =	rddreg [dreg:$0x3];
	_ =	strace $0x8000004D;
	s7 =	sadd.s32 s10, s7  }
0xc: {  	s12 =	sshrl.u32 s12, $0x2;
	s14 =	ssub.s32 s8, s31;
	s8 =	sor.u32 $0x1C05, s13  }
0xd: {  	s13 =	simm.s32 $0x5;
	s30 =	sshrl.u32 s7, $0x3;
	s11 =	sshrl.u32 s4, $0x3  }
0xe: {  	s7 =	sadd.s32 $0x8A00, s9;
	s12 =	sadd.s32 s12, s3;
	s29 =	sadd.s32 s11, s9  }
0xf: {  	s12 =	sshrl.u32 s12, $0x3;
	s11 =	sadd.s32 s30, s9;
	s9 =	sadd.s32 $0x83200, s29  }
0x10: {  	s10 =	sadd.s32 $0x90200, s11;
	s11 =	smax.u32 s14, $0x1;
	s14 =	simm.s32 $0x3400  }
.LBB2_1:
0x11: {  	[spmem:s12], [sflag:s8] =	dma.local [hbm:s7], $0x2800  }
0x12: {  	_ =	swait.ge [sflag:s13], $0x2800  }
0x13: {  	s24 =	simm.s32 $0x0;
	[sflag:s13] =	ssyncset.done $0x0  }
0x14: {  	s26 =	simm.s32 $0x80;
	s25 =	sand.u32 $0x3C00, s24;
	[sflag:s13] =	ssyncadd.s32 $0xFFFFD800  }
0x15: {  	[tilespmem:s5], [sflag:$0x5] =	stream.linear.gather [hbm4b:s9+s5], $0x3200, $0x38;
	[tilespmem:$0x1DD00] =	vst v63  }
0x16: {  	s24 =	sand.u32 $0x300, s24;
	s25 =	sadd.s32 s4, s25;
	_ =	swait.ge [sflag:s13], $0x3200  }
0x17: {  	s26 =	sand.u32 $0x380, s26;
	s24 =	sor.u32 s24, s25;
	[sflag:s13] =	ssyncset.done $0x0  }
0x18: {  	s25 =	sor.u32 s25, s26;
	s24 =	sshrl.u32 s24, $0x3;
	[sflag:s13] =	ssyncadd.s32 $0xFFFFCE00  }
0x19: {  	s25 =	sshrl.u32 s25, $0x3;
	s24 =	sadd.s32 s2, s24;
	[bflag:$0x0] =	sbarrier.arrive $0xFFFF  }
0x1a: {  	[tilespmem:s14], [sflag:$0x1] =	stream.linear.gather [hbm4b:s24+s5], $0x80, $0x38;
	[tilespmem:$0x1DD00] =	vst v63  }
0x1b: {  	s29 =	sadd.s32 s2, s25  }
0x1c: {  	[tilespmem:s15], [sflag:$0x2] =	stream.linear.gather [hbm4b:s29+s5], $0x80, $0x38;
	[tilespmem:$0x1DD00] =	vst v63  }
0x1d: {  	_ = 	snop  }
0x1e: {  	[tilespmem:s17], [sflag:$0x3] =	stream.indirect.gather [hbm4b:s6+s16], $0x80, s5, s16, $0xb8;
	[tilespmem:$0x1DD00] =	vst v63  }
0x1f: {  	s30 =	simm.s32 $0x80  }
0x20: {  	[tilespmem:s18], [sflag:$0x4] =	stream.indirect.gather [hbm4b:s6+s16], $0x80, s30, s16, $0xb8;
	[tilespmem:$0x1DD00] =	vst v63  }
0x21: {  	_ =	swait.ge [sflag:s19], $0x3200  }
0x22: {  	[sflag:s19] =	ssyncset.done $0x0  }
0x23: {  	[sflag:s19] =	ssyncadd.s32 $0xFFFFCE00  }
0x24: {  	_ =	swait.ge [sflag:s20], $0x80  }
0x25: {  	[sflag:s20] =	ssyncset.done $0x0  }
0x26: {  	[sflag:s20] =	ssyncadd.s32 $0xFFFFFF80  }
0x27: {  	[spmem:s3] =	stream.indirect.scatter.add.f32 [tilespmem:s17], [sflag:$0x5], $0x80, s14, s16, $0xb8;
	[tilespmem:$0x1DD00] =	vst v63  }
0x28: {  	_ =	swait.ge [sflag:s13], $0x3200  }
0x29: {  	[sflag:s13] =	ssyncset.done $0x0  }
0x2a: {  	[sflag:s13] =	ssyncadd.s32 $0xFFFFCE00  }
0x2b: {  	s31 =	simm.s32 $0x180;
	s28 =	simm.s32 $0x100;
	_ =	swait.ge [sflag:s21], $0x3200  }
0x2c: {  	s26 =	sand.u32 $0x380, s31;
	s25 =	simm.s32 $0x280;
	[sflag:s21] =	ssyncset.done $0x0  }
0x2d: {  	s24 =	simm.s32 $0x100;
	s29 =	sand.u32 $0x3C00, s28;
	[sflag:s21] =	ssyncadd.s32 $0xFFFFCE00  }
0x2e: {  	s28 =	sand.u32 $0x300, s28;
	s29 =	sadd.s32 s4, s29;
	_ =	swait.ge [sflag:s22], $0x80  }
0x2f: {  	s28 =	sor.u32 s28, s29;
	s26 =	sor.u32 s29, s26;
	[sflag:s22] =	ssyncset.done $0x0  }
0x30: {  	s28 =	sshrl.u32 s28, $0x3;
	s26 =	sshrl.u32 s26, $0x3;
	[sflag:s22] =	ssyncadd.s32 $0xFFFFFF80  }
.LBB2_2:
0x31: {  	[spmem:s3] =	stream.indirect.scatter.add.f32 [tilespmem:s18], [sflag:$0x5], $0x80, s15, s16, $0xb8;
	[tilespmem:$0x1DD00] =	vst v63  }
0x32: {  	s29 =	smov.u32 s25  }
0x33: {  	p0 =	sne.s32 s25, $0x3180;
	s25 =	sadd.s32 $0x100, s25;
	_ =	swait.ge [sflag:s13], $0x3200  }
0x34: {  	[sflag:s13] =	ssyncset.done $0x0  }
0x35: {  	s28 =	sadd.s32 s2, s28;
	[sflag:s13] =	ssyncadd.s32 $0xFFFFCE00  }
0x36: {  	[tilespmem:s14], [sflag:$0x1] =	stream.linear.gather [hbm4b:s28+s5], $0x80, $0x38;
	[tilespmem:$0x1DD00] =	vst v63  }
0x37: {  	s26 =	sadd.s32 s2, s26  }
0x38: {  	[tilespmem:s15], [sflag:$0x2] =	stream.linear.gather [hbm4b:s26+s5], $0x80, $0x38;
	[tilespmem:$0x1DD00] =	vst v63  }
0x39: {  	_ = 	snop  }
0x3a: {  	[tilespmem:s17], [sflag:$0x3] =	stream.indirect.gather [hbm4b:s6+s16], $0x80, s24, s16, $0xb8;
	[tilespmem:$0x1DD00] =	vst v63  }
0x3b: {  	s26 =	sadd.s32 $0x80, s24  }
0x3c: {  	[tilespmem:s18], [sflag:$0x4] =	stream.indirect.gather [hbm4b:s6+s16], $0x80, s26, s16, $0xb8;
	[tilespmem:$0x1DD00] =	vst v63  }
0x3d: {  	_ =	swait.ge [sflag:s19], $0x3200  }
0x3e: {  	[sflag:s19] =	ssyncset.done $0x0  }
0x3f: {  	[sflag:s19] =	ssyncadd.s32 $0xFFFFCE00  }
0x40: {  	_ =	swait.ge [sflag:s20], $0x80  }
0x41: {  	[sflag:s20] =	ssyncset.done $0x0  }
0x42: {  	[sflag:s20] =	ssyncadd.s32 $0xFFFFFF80  }
0x43: {  	[spmem:s3] =	stream.indirect.scatter.add.f32 [tilespmem:s17], [sflag:$0x5], $0x80, s14, s16, $0xb8;
	[tilespmem:$0x1DD00] =	vst v63  }
0x44: {  	_ =	swait.ge [sflag:s13], $0x3200  }
0x45: {  	[sflag:s13] =	ssyncset.done $0x0  }
0x46: {  	[sflag:s13] =	ssyncadd.s32 $0xFFFFCE00  }
0x47: {  	s24 =	sadd.s32 $0x100, s24;
	_ =	swait.ge [sflag:s21], $0x3200  }
.Ltmp0:
0x48: {  	s26 =	sadd.s32 $0xFFFFFF80, s29;
	[sflag:s21] =	ssyncset.done $0x0;
	(pc) =	sbr.rel @p0 .LBB2_2-.Ltmp0, $4  }
0x49: {  	s29 =	sand.u32 $0x380, s29;
	s28 =	sand.u32 $0x3C00, s26;
	[sflag:s21] =	ssyncadd.s32 $0xFFFFCE00  }
0x4a: {  	s26 =	sand.u32 $0x300, s26;
	s28 =	sadd.s32 s4, s28;
	_ =	swait.ge [sflag:s22], $0x80  }
0x4b: {  	s26 =	sor.u32 s26, s28;
	s29 =	sor.u32 s28, s29;
	[sflag:s22] =	ssyncset.done $0x0  }
0x4c: {  	s28 =	sshrl.u32 s26, $0x3;
	s26 =	sshrl.u32 s29, $0x3;
	[sflag:s22] =	ssyncadd.s32 $0xFFFFFF80  }
0x4d: {  	[spmem:s3] =	stream.indirect.scatter.add.f32 [tilespmem:s18], [sflag:$0x5], $0x80, s15, s16, $0xb8;
	[tilespmem:$0x1DD00] =	vst v63  }
0x4e: {  	_ =	swait.ge [sflag:s13], $0x3200  }
0x4f: {  	[sflag:s13] =	ssyncset.done $0x0  }
0x50: {  	s25 =	sadd.s32 s2, s28;
	[sflag:s13] =	ssyncadd.s32 $0xFFFFCE00  }
0x51: {  	[tilespmem:s14], [sflag:$0x1] =	stream.linear.gather [hbm4b:s25+s5], $0x80, $0x38;
	[tilespmem:$0x1DD00] =	vst v63  }
0x52: {  	s30 =	sadd.s32 s2, s26  }
0x53: {  	[tilespmem:s15], [sflag:$0x2] =	stream.linear.gather [hbm4b:s30+s5], $0x80, $0x38;
	[tilespmem:$0x1DD00] =	vst v63  }
0x54: {  	_ = 	snop  }
0x55: {  	[tilespmem:s17], [sflag:$0x3] =	stream.indirect.gather [hbm4b:s6+s16], $0x80, s24, s16, $0xb8;
	[tilespmem:$0x1DD00] =	vst v63  }
0x56: {  	s31 =	sadd.s32 $0x80, s24  }
0x57: {  	[tilespmem:s18], [sflag:$0x4] =	stream.indirect.gather [hbm4b:s6+s16], $0x80, s31, s16, $0xb8;
	[tilespmem:$0x1DD00] =	vst v63  }
0x58: {  	_ =	swait.ge [sflag:s19], $0x3200  }
0x59: {  	[sflag:s19] =	ssyncset.done $0x0  }
0x5a: {  	[sflag:s19] =	ssyncadd.s32 $0xFFFFCE00  }
0x5b: {  	_ =	swait.ge [sflag:s20], $0x80  }
0x5c: {  	[sflag:s20] =	ssyncset.done $0x0  }
0x5d: {  	[sflag:s20] =	ssyncadd.s32 $0xFFFFFF80  }
0x5e: {  	[spmem:s3] =	stream.indirect.scatter.add.f32 [tilespmem:s17], [sflag:$0x5], $0x80, s14, s16, $0xb8;
	[tilespmem:$0x1DD00] =	vst v63  }
0x5f: {  	_ =	swait.ge [sflag:s13], $0x3200  }
0x60: {  	[sflag:s13] =	ssyncset.done $0x0  }
0x61: {  	[sflag:s13] =	ssyncadd.s32 $0xFFFFCE00  }
0x62: {  	_ =	swait.ge [sflag:s21], $0x3200  }
0x63: {  	[sflag:s21] =	ssyncset.done $0x0  }
0x64: {  	[sflag:s21] =	ssyncadd.s32 $0xFFFFCE00  }
0x65: {  	_ =	swait.ge [sflag:s22], $0x80  }
0x66: {  	[sflag:s22] =	ssyncset.done $0x0  }
0x67: {  	[sflag:s22] =	ssyncadd.s32 $0xFFFFFF80  }
0x68: {  	[spmem:s3] =	stream.indirect.scatter.add.f32 [tilespmem:s18], [sflag:$0x5], $0x80, s15, s16, $0xb8;
	[tilespmem:$0x1DD00] =	vst v63  }
0x69: {  	_ =	swait.ge [sflag:s13], $0x3200  }
0x6a: {  	s23 =	sadd.s32 $0x1, s23;
	[sflag:s13] =	ssyncset.done $0x0  }
0x6b: {  	p0 =	sne.s32 s23, s11;
	[sflag:s13] =	ssyncadd.s32 $0xFFFFCE00  }
.Ltmp1:
0x6c: {  	[bflag:$0x0] =	sbarrier.arrive $0xFFFF;
	(pc) =	sbr.rel @p0 .LBB2_1-.Ltmp1, $4  }
0x6d: {  	[hbm:s10], [sflag:s8] =	dma.local [spmem:s12], $0x2800  }
0x6e: {  	_ =	swait.ge [sflag:s13], $0x2800  }
0x6f: {  	[sflag:s13] =	ssyncset.done $0x0  }
0x70: {  	[sflag:s13] =	ssyncadd.s32 $0xFFFFD800  }
0x71: {  	_ =	sfence.sel $0x180000  }
0x72: {  	[bflag:$0x0] =	sbarrier.arrive $0xFFFF  }
0x73: {  	p0 =	sne.s32 s0, $0x0;
	_ =	strace $0x9000004D  }
0x74: {  	s0 =	sadd.s32 @!p0 $0x100000, s1;
	[bflag:$0x2] =	sbarrier.arrive $0xFFFF  }
0x75: {  	[sflag:s0] =	ssyncadd.tile.s32 @!p0 $0x1;
	_ =	shalt  }
.Lfunc_end2:
_tile_overlayer_lowered:
.L_overlay_start_2:
0x76: {  	(tag) =	ssettag $0x2  }
0x77: {  	s0 =	rddreg [dreg:$0x0];
	s2 =	stileid.u32  }
0x78: {  	s1 =	rddreg [dreg:$0x1];
	p0 =	sne.s32 s2, $0x0  }
0x79: {  	s3 =	rddreg [dreg:$0x2];
	[bflag:$0x3] =	sbarrier.arrive $0xFFFF;
	s2 =	simm.s32 @!p0 $0x1C05  }
0x7a: {  	[timem:s3], [sflag:s2] =	dma.local @!p0 [hbm:s0], s1  }
0x7b: {  	s0 =	simm.s32 @!p0 $0x5  }
0x7c: {  	_ =	swait.ge @!p0 [sflag:s0], s1  }
0x7d: {  	s1 =	ssub.s32 @!p0 $0x0, s1;
	[sflag:s0] =	ssyncset.done @!p0 $0x0  }
0x7e: {  	[sflag:s0] =	ssyncadd.s32 @!p0 s1  }
0x7f: {  	[bflag:$0x3] =	sbarrier.arrive $0xFFFF  }
0x80: {  	_ =	shalt  }

// kernel: kernel.23.cloned.1.call-start
scs
__scs_entry_jumppad:
0x0: {  	(pc) =	sbr.rel $0x88, $3  }
0x1: {  	(tag) =	ssettag $0x0;
	lr =	simm.s32 $0x1  }
0x2: {  	[smem:$0x3F94] =	sst lr;
	_ =	strace $0xD0000000  }
0x3: {  	_ = 	snop  }
0x4: {  	_ = 	snop  }
0x5: {  	_ = 	snop  }
0x6: {  	_ = 	snop  }
0x7: {  	_ = 	snop  }
__scs_overlays_trampoline_lowered:
0x8: {  	[smem:$0x3FA3] =	sst s0  }
0x9: {  	[smem:$0x3FA4] =	sst s1  }
0xa: {  	[smem:$0x3FA5] =	sst s2  }
0xb: {  	[smem:$0x3FA6] =	sst s3  }
0xc: {  	[smem:$0x3FA7] =	sst s4  }
0xd: {  	[smem:$0x3FA8] =	sst s5  }
0xe: {  	[smem:$0x3FA9] =	sst s6  }
0xf: {  	[smem:$0x3FAA] =	sst s7  }
0x10: {  	[smem:$0x3FAB] =	sst s8  }
0x11: {  	[smem:$0x3FAC] =	sst s9;
	s0 =	simm.s32 @!p0 $0x0  }
0x12: {  	s1 =	sld [smem:$0x3F92];
	s0 =	simm.s32 @p0 $0x1  }
0x13: {  	[smem:$0x3FAD] =	sst s0;
	s0 =	simm.s32 @!p1 $0x0  }
0x14: {  	s2 =	sld [smem:$0x3F91];
	s0 =	simm.s32 @p1 $0x1  }
0x15: {  	[smem:$0x3FAE] =	sst s0;
	s0 =	simm.s32 @!p2 $0x0  }
0x16: {  	s3 =	sld [smem:$0x3FDB];
	s0 =	simm.s32 @p2 $0x1  }
0x17: {  	s4 =	simm.s32 $0x1BF5;
	[smem:$0x3FB0] =	sst s0  }
0x18: {  	s0 =	sld [smem:$0x3F93];
	_ =	swait.ge [sflag:s4], $0x0  }
0x19: {  	s7 =	sld [smem:$0x3F94]  }
0x1a: {  	s8 =	sadd.s32 $0xFFFFE003, lr  }
0x1b: {  	s9 =	sadd.s32 $0xFFFFFEF7, lr;
	s5 =	simm.s32 $0xFFFFFFFF;
	p2 =	slt.u32 s8, $0xFFFFF086  }
0x1c: {  	p1 =	slt.u32 s9, $0xF7A;
	s5 =	simm.s32 @!p2 $0x0  }
0x1d: {  	s5 =	simm.s32 @p1 $0x1;
	p0 =	seq.s32 s7, s2  }
0x1e: {  	s7 =	smul.u32 @!p0 $0xF7A, s2;
	p2 =	seq.s32 @!p0 s5, $0x0  }
0x1f: {  	s9 =	smul.u32 $0xF7A, s1;
	s8 =	simm.s32 @!p0 $0x1BF5;
	p2 =	por !p2, p0  }
0x20: {  	[sflag:s8] =	ssyncset.s32 @!p0 $0xFFFFF086;
	s6 =	sadd.s32 @!p0 s3, s7;
	s7 =	simm.s32 @!p0 $0x108  }
0x21: {  	s3 =	sadd.s32 s3, s9;
	s6 =	sadd.s32 @!p0 $0x88, s6;
	s7 =	simm.s32 @p2 $0x1082  }
0x22: {  	[simem:s7], [sflag:s8] =	dma.local @!p0 [hbm:s6], $0xF7A  }
0x23: {  	s9 =	sor.u32 $0xD0000000, s2;
	s6 =	simm.s32 $0x108;
	_ =	swait.ge @!p0 [sflag:s8], $0x0  }
0x24: {  	s3 =	sadd.s32 $0x88, s3;
	s6 =	simm.s32 @!p1 $0x1082;
	[sflag:s4] =	ssyncset.s32 $0xFFFFF086  }
0x25: {  	[simem:s6], [sflag:s4] =	dma.local [hbm:s3], $0xF7A  }
0x26: {  	[smem:$0x3F94] =	sst s1;
	(tag) =	ssettag s2;
	_ =	strace s9  }
0x27: {  	s1 =	sld [smem:$0x3FA4]  }
0x28: {  	s2 =	sld [smem:$0x3FA5]  }
0x29: {  	s4 =	sld [smem:$0x3FA7]  }
0x2a: {  	p0 =	seq.s32 s5, $0x0;
	s5 =	sld [smem:$0x3FA8]  }
0x2b: {  	s6 =	sld [smem:$0x3FA9]  }
0x2c: {  	s7 =	sld [smem:$0x3FAA]  }
0x2d: {  	s3 =	simm.s32 $0x108;
	s8 =	sld [smem:$0x3FAB]  }
0x2e: {  	s3 =	simm.s32 @!p0 $0x1082;
	s9 =	sld [smem:$0x3FAC]  }
0x2f: {  	lr =	sadd.s32 s0, s3;
	s0 =	sld [smem:$0x3FA3]  }
0x30: {  	s3 =	sld [smem:$0x3FA6]  }
0x31: {  	[smem:$0x3FAF] =	sst s10  }
0x32: {  	s10 =	sld [smem:$0x3FAD];
	_ =	sdelay $0x3  }
0x33: {  	p0 =	seq.s32 s10, $0x1;
	s10 =	sld [smem:$0x3FAF];
	_ =	sdelay $0x3  }
0x34: {  	[smem:$0x3FAF] =	sst s10  }
0x35: {  	s10 =	sld [smem:$0x3FAE];
	_ =	sdelay $0x3  }
0x36: {  	p1 =	seq.s32 s10, $0x1;
	s10 =	sld [smem:$0x3FAF];
	_ =	sdelay $0x3  }
0x37: {  	[smem:$0x3FAF] =	sst s10  }
0x38: {  	s10 =	sld [smem:$0x3FB0]  }
0x39: {  	_ = 	snop;
	(pc) =	sbr.ind lr, $3  }
0x3a: {  	_ = 	snop  }
0x3b: {  	_ = 	snop  }
0x3c: {  	p2 =	seq.s32 s10, $0x1;
	s10 =	sld [smem:$0x3FAF]  }
0x3d: {  	_ =	shalt  }
0x3e: {  	_ =	shalt  }
0x3f: {  	_ =	shalt  }
0x40: {  	_ =	shalt  }
0x41: {  	_ =	shalt  }
0x42: {  	_ =	shalt  }
0x43: {  	_ =	shalt  }
0x44: {  	_ =	shalt  }
0x45: {  	_ =	shalt  }
0x46: {  	_ =	shalt  }
0x47: {  	_ =	shalt  }
0x48: {  	_ =	shalt  }
0x49: {  	_ =	shalt  }
0x4a: {  	_ =	shalt  }
0x4b: {  	_ =	shalt  }
0x4c: {  	_ =	shalt  }
0x4d: {  	_ =	shalt  }
0x4e: {  	_ =	shalt  }
0x4f: {  	_ =	shalt  }
0x50: {  	_ =	shalt  }
0x51: {  	_ =	shalt  }
0x52: {  	_ =	shalt  }
0x53: {  	_ =	shalt  }
0x54: {  	_ =	shalt  }
0x55: {  	_ =	shalt  }
0x56: {  	_ =	shalt  }
0x57: {  	_ =	shalt  }
0x58: {  	_ =	shalt  }
0x59: {  	_ =	shalt  }
0x5a: {  	_ =	shalt  }
0x5b: {  	_ =	shalt  }
0x5c: {  	_ =	shalt  }
0x5d: {  	_ =	shalt  }
0x5e: {  	_ =	shalt  }
0x5f: {  	_ =	shalt  }
0x60: {  	_ =	shalt  }
0x61: {  	_ =	shalt  }
0x62: {  	_ =	shalt  }
0x63: {  	_ =	shalt  }
0x64: {  	_ =	shalt  }
0x65: {  	_ =	shalt  }
0x66: {  	_ =	shalt  }
0x67: {  	_ =	shalt  }
0x68: {  	_ =	shalt  }
0x69: {  	_ =	shalt  }
0x6a: {  	_ =	shalt  }
0x6b: {  	_ =	shalt  }
0x6c: {  	_ =	shalt  }
0x6d: {  	_ =	shalt  }
0x6e: {  	_ =	shalt  }
0x6f: {  	_ =	shalt  }
0x70: {  	_ =	shalt  }
0x71: {  	_ =	shalt  }
0x72: {  	_ =	shalt  }
0x73: {  	_ =	shalt  }
0x74: {  	_ =	shalt  }
0x75: {  	_ =	shalt  }
0x76: {  	_ =	shalt  }
0x77: {  	_ =	shalt  }
0x78: {  	_ =	shalt  }
0x79: {  	_ =	shalt  }
0x7a: {  	_ =	shalt  }
0x7b: {  	_ =	shalt  }
0x7c: {  	_ =	shalt  }
0x7d: {  	_ =	shalt  }
0x7e: {  	_ =	shalt  }
0x7f: {  	_ =	shalt  }
0x80: {  	_ =	shalt  }
0x81: {  	_ =	shalt  }
0x82: {  	_ =	shalt  }
0x83: {  	_ =	shalt  }
0x84: {  	_ =	shalt  }
0x85: {  	_ =	shalt  }
0x86: {  	_ =	shalt  }
0x87: {  	_ =	shalt  }
.Lfunc_end0:
.L_simem_size_0:
called_computation.3_lowered:
.L_overlay_start_0:
0x88: {  	s2 =	sld [smem:$0x3FD9]  }
0x89: {  	s3 =	sld [smem:$0x3FFE];
	_ =	sdelay $0x1  }
0x8a: {  	s1 =	srdreg.scid  }
0x8b: {  	s0 =	sand.u32 $0x1, s1  }
0x8c: {  	s17 =	sshll.u32 s0, $0xA;
	s2 =	sadd.s32 s3, s2  }
0x8d: {  	s2 =	sadd.s32 s2, s17  }
0x8e: {  	[smem:$0x3FBB] =	sst s2  }
0x8f: {  	_ = 	snop  }
0x90: {  	s2 =	sld [smem:$0x3FD0];
	(tm) =	ssettm $0x1  }
0x91: {  	s18 =	sld [smem:$0x3FFB];
	_ =	sdelay $0x3  }
0x92: {  	_ =	strace s18  }
0x93: {  	s3 =	sld [smem:$0x3FFC];
	_ =	sdelay $0x3  }
0x94: {  	_ =	strace s3  }
0x95: {  	s3 =	sld [smem:$0x3FFD];
	_ =	sdelay $0x3  }
0x96: {  	_ =	strace s3  }
0x97: {  	_ =	strace $0x8FFFFFFF  }
0x98: {  	s19 =	sld [smem:$0x3FDB];
	_ =	sdelay $0x1  }
0x99: {  	s4 =	simm.s32 $_scs_section_size  }
0x9a: {  	s5 =	simm.s32 $_size__tile_overlayer_lowered;
	s6 =	simm.s32 $_tile_overlayer_lowered  }
0x9b: {  	s22 =	simm.s32 $0x1BFF;
	s21 =	sshll.u32 s6, $0x1;
	s3 =	sadd.s32 s4, s19  }
0x9c: {  	s7 =	simm.s32 $0x0;
	s20 =	sshll.u32 s5, $0x1;
	s5 =	sadd.s32 s21, s3  }
0x9d: {  	[timem:s7], [sflag:s22] =	dma.local [hbm:s5], s20  }
0x9e: {  	_ =	swait.ge [sflag:s22], s20  }
0x9f: {  	s4 =	ssub.s32 $0x0, s20;
	[sflag:s22] =	ssyncset.done $0x0  }
0xa0: {  	[sflag:s22] =	ssyncadd.s32 s4;
	_ =	sdelay $0x1  }
0xa1: {  	s23 =	simm.s32 $0x1B8B  }
0xa2: {  	_ =	swait.ge [sflag:s23], $0x1  }
0xa3: {  	[sflag:s23] =	ssyncset.done $0x0  }
0xa4: {  	s25 =	simm.s32 $0x1B8E;
	s24 =	sld [smem:$0x3FFE];
	[sflag:s23] =	ssyncadd.s32 $0xFFFFFFFF  }
0xa5: {  	s26 =	simm.s32 $execute0_lowered;
	[smem:$0x3FD2] =	sst s25  }
0xa6: {  	s5 =	sshll.u32 s26, $0x1;
	_ =	strace $0x8000004F;
	[dreg:$0x1] =	wrdreg $0xFFFFFFFF  }
0xa7: {  	s28 =	simm.s32 $_size_execute0_lowered;
	s3 =	sadd.s32 s3, s5;
	[dreg:$0x0] =	wrdreg $0x0  }
0xa8: {  	s5 =	sshll.u32 s28, $0x1;
	[dreg:$0x2] =	wrdreg s3  }
0xa9: {  	[dreg:$0x3] =	wrdreg s5  }
0xaa: {  	[dreg:$0x4] =	wrdreg $0xC0  }
0xab: {  	_ =	task [dreg:s7], $0x5FFFF  }
0xac: {  	[dreg:$0x1] =	wrdreg $0xFFFFFFFF  }
0xad: {  	[dreg:$0x0] =	wrdreg $0x60  }
0xae: {  	[dreg:$0x2] =	wrdreg s24  }
0xaf: {  	[dreg:$0x3] =	wrdreg s2  }
0xb0: {  	[dreg:$0x4] =	wrdreg $0x9D000  }
0xb1: {  	[dreg:$0x5] =	wrdreg $0x9  }
0xb2: {  	_ =	task.clear_ibuf [dreg:s7], $0x6FFFF;
	_ =	strace $0x9000004F  }
0xb3: {  	s29 =	simm.s32 $0x9;
	_ =	strace $0x80000051  }
0xb4: {  	_ =	swait.ge [sflag:s29], $0x1  }
0xb5: {  	[sflag:s29] =	ssyncadd.s32 $0xFFFFFFFF  }
0xb6: {  	_ =	strace $0x90000051  }
0xb7: {  	_ =	sfence  }
0xb8: {  	s30 =	sld [smem:$0x0];
	_ =	sdelay $0x2  }
0xb9: {  	s31 =	sshll.u32 s1, $0xD;
	s1 =	sshrl.u32 s1, $0x2  }
0xba: {  	s3 =	sand.u32 $0x4000, s31;
	s1 =	sadd.s32 s1, s30  }
0xbb: {  	s0 =	sor.u32 s3, s0;
	s1 =	sshll.u32 s1, $0x11  }
0xbc: {  	s0 =	sor.u32 s1, s0  }
0xbd: {  	s0 =	sadd.s32 $0x8F2B, s0  }
0xbe: {  	[sflag:s0] =	ssyncadd.remote.s32 $0x1  }
0xbf: {  	_ =	sfence.sel $0xFFFF  }
0xc0: {  	[dreg:$0x0] =	wrdreg $0xFFFFFFFF;
	(pc) =	sbr.abs _section_cstart, $3  }
0xc1: {  	[dreg:$0x1] =	wrdreg $0xFFFFFFFF  }
0xc2: {  	_ =	task.clear_ibuf [dreg:s7], $0x2FFFF;
	_ =	strace $0x9FFFFFFF  }
0xc3: {  	(tm) =	ssettm $0x7FFFFFFF  }
tec
execute0_lowered:
.L_overlay_start_1:
0x0: {  	(tag) =	ssettag $0x1  }
0x1: {  	s9 =	rddreg [dreg:$0x0]  }
0x2: {  	s0 =	srdreg.scid;
	s2 =	rddreg [dreg:$0x1]  }
0x3: {  	s3 =	rddreg [dreg:$0x2];
	s5 =	simm.s32 $0x0;
	s15 =	simm.s32 $0x3480  }
0x4: {  	s16 =	simm.s32 $0x64;
	s17 =	simm.s32 $0x3500;
	s18 =	simm.s32 $0x6900  }
0x5: {  	s19 =	simm.s32 $0x3;
	s20 =	simm.s32 $0x1;
	s21 =	simm.s32 $0x4  }
0x6: {  	s22 =	simm.s32 $0x2;
	s8 =	sand.u32 $0x1, s0;
	s0 =	stileid.u32  }
0x7: {  	s23 =	simm.s32 $0x0;
	[smem:$0x7FF] =	sst s5;
	s7 =	smul.u32 $0x140000, s8  }
0x8: {  	s6 =	sadd.s32 $0xB200, s9;
	s1 =	sshll.u32 s8, $0x4;
	s10 =	smul.u32 $0x14000, s0  }
0x9: {  	s12 =	smul.u32 $0x50000, s0;
	s8 =	ssub.s32 $0x2, s8;
	s1 =	sor.u32 s0, s1  }
0xa: {  	s13 =	sshll.u32 s0, $0x6;
	s31 =	sshrl.u32 s8, $0x1;
	s4 =	smul.u32 $0x3400, s1  }
0xb: {  	s1 =	rddreg [dreg:$0x3];
	_ =	strace $0x80000050;
	s7 =	sadd.s32 s10, s7  }
0xc: {  	s12 =	sshrl.u32 s12, $0x2;
	s14 =	ssub.s32 s8, s31;
	s8 =	sor.u32 $0x1C05, s13  }
0xd: {  	s13 =	simm.s32 $0x5;
	s30 =	sshrl.u32 s7, $0x3;
	s11 =	sshrl.u32 s4, $0x3  }
0xe: {  	s7 =	sadd.s32 $0x8A00, s9;
	s12 =	sadd.s32 s12, s3;
	s29 =	sadd.s32 s11, s9  }
0xf: {  	s12 =	sshrl.u32 s12, $0x3;
	s11 =	sadd.s32 s30, s9;
	s9 =	sadd.s32 $0x83200, s29  }
0x10: {  	s10 =	sadd.s32 $0x90200, s11;
	s11 =	smax.u32 s14, $0x1;
	s14 =	simm.s32 $0x3400  }
.LBB2_1:
0x11: {  	[spmem:s12], [sflag:s8] =	dma.local [hbm:s7], $0x2800  }
0x12: {  	_ =	swait.ge [sflag:s13], $0x2800  }
0x13: {  	s24 =	simm.s32 $0x0;
	[sflag:s13] =	ssyncset.done $0x0  }
0x14: {  	s26 =	simm.s32 $0x80;
	s25 =	sand.u32 $0x3C00, s24;
	[sflag:s13] =	ssyncadd.s32 $0xFFFFD800  }
0x15: {  	[tilespmem:s5], [sflag:$0x5] =	stream.linear.gather [hbm4b:s9+s5], $0x3200, $0x38;
	[tilespmem:$0x1DD00] =	vst v63  }
0x16: {  	s24 =	sand.u32 $0x300, s24;
	s25 =	sadd.s32 s4, s25;
	_ =	swait.ge [sflag:s13], $0x3200  }
0x17: {  	s26 =	sand.u32 $0x380, s26;
	s24 =	sor.u32 s24, s25;
	[sflag:s13] =	ssyncset.done $0x0  }
0x18: {  	s25 =	sor.u32 s25, s26;
	s24 =	sshrl.u32 s24, $0x3;
	[sflag:s13] =	ssyncadd.s32 $0xFFFFCE00  }
0x19: {  	s25 =	sshrl.u32 s25, $0x3;
	s24 =	sadd.s32 s2, s24;
	[bflag:$0x0] =	sbarrier.arrive $0xFFFF  }
0x1a: {  	[tilespmem:s14], [sflag:$0x1] =	stream.linear.gather [hbm4b:s24+s5], $0x80, $0x38;
	[tilespmem:$0x1DD00] =	vst v63  }
0x1b: {  	s29 =	sadd.s32 s2, s25  }
0x1c: {  	[tilespmem:s15], [sflag:$0x2] =	stream.linear.gather [hbm4b:s29+s5], $0x80, $0x38;
	[tilespmem:$0x1DD00] =	vst v63  }
0x1d: {  	_ = 	snop  }
0x1e: {  	[tilespmem:s17], [sflag:$0x3] =	stream.indirect.gather [hbm4b:s6+s16], $0x80, s5, s16, $0xb8;
	[tilespmem:$0x1DD00] =	vst v63  }
0x1f: {  	s30 =	simm.s32 $0x80  }
0x20: {  	[tilespmem:s18], [sflag:$0x4] =	stream.indirect.gather [hbm4b:s6+s16], $0x80, s30, s16, $0xb8;
	[tilespmem:$0x1DD00] =	vst v63  }
0x21: {  	_ =	swait.ge [sflag:s19], $0x3200  }
0x22: {  	[sflag:s19] =	ssyncset.done $0x0  }
0x23: {  	[sflag:s19] =	ssyncadd.s32 $0xFFFFCE00  }
0x24: {  	_ =	swait.ge [sflag:s20], $0x80  }
0x25: {  	[sflag:s20] =	ssyncset.done $0x0  }
0x26: {  	[sflag:s20] =	ssyncadd.s32 $0xFFFFFF80  }
0x27: {  	[spmem:s3] =	stream.indirect.scatter.add.f32 [tilespmem:s17], [sflag:$0x5], $0x80, s14, s16, $0xb8;
	[tilespmem:$0x1DD00] =	vst v63  }
0x28: {  	_ =	swait.ge [sflag:s13], $0x3200  }
0x29: {  	[sflag:s13] =	ssyncset.done $0x0  }
0x2a: {  	[sflag:s13] =	ssyncadd.s32 $0xFFFFCE00  }
0x2b: {  	s31 =	simm.s32 $0x180;
	s28 =	simm.s32 $0x100;
	_ =	swait.ge [sflag:s21], $0x3200  }
0x2c: {  	s26 =	sand.u32 $0x380, s31;
	s25 =	simm.s32 $0x280;
	[sflag:s21] =	ssyncset.done $0x0  }
0x2d: {  	s24 =	simm.s32 $0x100;
	s29 =	sand.u32 $0x3C00, s28;
	[sflag:s21] =	ssyncadd.s32 $0xFFFFCE00  }
0x2e: {  	s28 =	sand.u32 $0x300, s28;
	s29 =	sadd.s32 s4, s29;
	_ =	swait.ge [sflag:s22], $0x80  }
0x2f: {  	s28 =	sor.u32 s28, s29;
	s26 =	sor.u32 s29, s26;
	[sflag:s22] =	ssyncset.done $0x0  }
0x30: {  	s28 =	sshrl.u32 s28, $0x3;
	s26 =	sshrl.u32 s26, $0x3;
	[sflag:s22] =	ssyncadd.s32 $0xFFFFFF80  }
.LBB2_2:
0x31: {  	[spmem:s3] =	stream.indirect.scatter.add.f32 [tilespmem:s18], [sflag:$0x5], $0x80, s15, s16, $0xb8;
	[tilespmem:$0x1DD00] =	vst v63  }
0x32: {  	s29 =	smov.u32 s25  }
0x33: {  	p0 =	sne.s32 s25, $0x3180;
	s25 =	sadd.s32 $0x100, s25;
	_ =	swait.ge [sflag:s13], $0x3200  }
0x34: {  	[sflag:s13] =	ssyncset.done $0x0  }
0x35: {  	s28 =	sadd.s32 s2, s28;
	[sflag:s13] =	ssyncadd.s32 $0xFFFFCE00  }
0x36: {  	[tilespmem:s14], [sflag:$0x1] =	stream.linear.gather [hbm4b:s28+s5], $0x80, $0x38;
	[tilespmem:$0x1DD00] =	vst v63  }
0x37: {  	s26 =	sadd.s32 s2, s26  }
0x38: {  	[tilespmem:s15], [sflag:$0x2] =	stream.linear.gather [hbm4b:s26+s5], $0x80, $0x38;
	[tilespmem:$0x1DD00] =	vst v63  }
0x39: {  	_ = 	snop  }
0x3a: {  	[tilespmem:s17], [sflag:$0x3] =	stream.indirect.gather [hbm4b:s6+s16], $0x80, s24, s16, $0xb8;
	[tilespmem:$0x1DD00] =	vst v63  }
0x3b: {  	s26 =	sadd.s32 $0x80, s24  }
0x3c: {  	[tilespmem:s18], [sflag:$0x4] =	stream.indirect.gather [hbm4b:s6+s16], $0x80, s26, s16, $0xb8;
	[tilespmem:$0x1DD00] =	vst v63  }
0x3d: {  	_ =	swait.ge [sflag:s19], $0x3200  }
0x3e: {  	[sflag:s19] =	ssyncset.done $0x0  }
0x3f: {  	[sflag:s19] =	ssyncadd.s32 $0xFFFFCE00  }
0x40: {  	_ =	swait.ge [sflag:s20], $0x80  }
0x41: {  	[sflag:s20] =	ssyncset.done $0x0  }
0x42: {  	[sflag:s20] =	ssyncadd.s32 $0xFFFFFF80  }
0x43: {  	[spmem:s3] =	stream.indirect.scatter.add.f32 [tilespmem:s17], [sflag:$0x5], $0x80, s14, s16, $0xb8;
	[tilespmem:$0x1DD00] =	vst v63  }
0x44: {  	_ =	swait.ge [sflag:s13], $0x3200  }
0x45: {  	[sflag:s13] =	ssyncset.done $0x0  }
0x46: {  	[sflag:s13] =	ssyncadd.s32 $0xFFFFCE00  }
0x47: {  	s24 =	sadd.s32 $0x100, s24;
	_ =	swait.ge [sflag:s21], $0x3200  }
.Ltmp0:
0x48: {  	s26 =	sadd.s32 $0xFFFFFF80, s29;
	[sflag:s21] =	ssyncset.done $0x0;
	(pc) =	sbr.rel @p0 .LBB2_2-.Ltmp0, $4  }
0x49: {  	s29 =	sand.u32 $0x380, s29;
	s28 =	sand.u32 $0x3C00, s26;
	[sflag:s21] =	ssyncadd.s32 $0xFFFFCE00  }
0x4a: {  	s26 =	sand.u32 $0x300, s26;
	s28 =	sadd.s32 s4, s28;
	_ =	swait.ge [sflag:s22], $0x80  }
0x4b: {  	s26 =	sor.u32 s26, s28;
	s29 =	sor.u32 s28, s29;
	[sflag:s22] =	ssyncset.done $0x0  }
0x4c: {  	s28 =	sshrl.u32 s26, $0x3;
	s26 =	sshrl.u32 s29, $0x3;
	[sflag:s22] =	ssyncadd.s32 $0xFFFFFF80  }
0x4d: {  	[spmem:s3] =	stream.indirect.scatter.add.f32 [tilespmem:s18], [sflag:$0x5], $0x80, s15, s16, $0xb8;
	[tilespmem:$0x1DD00] =	vst v63  }
0x4e: {  	_ =	swait.ge [sflag:s13], $0x3200  }
0x4f: {  	[sflag:s13] =	ssyncset.done $0x0  }
0x50: {  	s25 =	sadd.s32 s2, s28;
	[sflag:s13] =	ssyncadd.s32 $0xFFFFCE00  }
0x51: {  	[tilespmem:s14], [sflag:$0x1] =	stream.linear.gather [hbm4b:s25+s5], $0x80, $0x38;
	[tilespmem:$0x1DD00] =	vst v63  }
0x52: {  	s30 =	sadd.s32 s2, s26  }
0x53: {  	[tilespmem:s15], [sflag:$0x2] =	stream.linear.gather [hbm4b:s30+s5], $0x80, $0x38;
	[tilespmem:$0x1DD00] =	vst v63  }
0x54: {  	_ = 	snop  }
0x55: {  	[tilespmem:s17], [sflag:$0x3] =	stream.indirect.gather [hbm4b:s6+s16], $0x80, s24, s16, $0xb8;
	[tilespmem:$0x1DD00] =	vst v63  }
0x56: {  	s31 =	sadd.s32 $0x80, s24  }
0x57: {  	[tilespmem:s18], [sflag:$0x4] =	stream.indirect.gather [hbm4b:s6+s16], $0x80, s31, s16, $0xb8;
	[tilespmem:$0x1DD00] =	vst v63  }
0x58: {  	_ =	swait.ge [sflag:s19], $0x3200  }
0x59: {  	[sflag:s19] =	ssyncset.done $0x0  }
0x5a: {  	[sflag:s19] =	ssyncadd.s32 $0xFFFFCE00  }
0x5b: {  	_ =	swait.ge [sflag:s20], $0x80  }
0x5c: {  	[sflag:s20] =	ssyncset.done $0x0  }
0x5d: {  	[sflag:s20] =	ssyncadd.s32 $0xFFFFFF80  }
0x5e: {  	[spmem:s3] =	stream.indirect.scatter.add.f32 [tilespmem:s17], [sflag:$0x5], $0x80, s14, s16, $0xb8;
	[tilespmem:$0x1DD00] =	vst v63  }
0x5f: {  	_ =	swait.ge [sflag:s13], $0x3200  }
0x60: {  	[sflag:s13] =	ssyncset.done $0x0  }
0x61: {  	[sflag:s13] =	ssyncadd.s32 $0xFFFFCE00  }
0x62: {  	_ =	swait.ge [sflag:s21], $0x3200  }
0x63: {  	[sflag:s21] =	ssyncset.done $0x0  }
0x64: {  	[sflag:s21] =	ssyncadd.s32 $0xFFFFCE00  }
0x65: {  	_ =	swait.ge [sflag:s22], $0x80  }
0x66: {  	[sflag:s22] =	ssyncset.done $0x0  }
0x67: {  	[sflag:s22] =	ssyncadd.s32 $0xFFFFFF80  }
0x68: {  	[spmem:s3] =	stream.indirect.scatter.add.f32 [tilespmem:s18], [sflag:$0x5], $0x80, s15, s16, $0xb8;
	[tilespmem:$0x1DD00] =	vst v63  }
0x69: {  	_ =	swait.ge [sflag:s13], $0x3200  }
0x6a: {  	s23 =	sadd.s32 $0x1, s23;
	[sflag:s13] =	ssyncset.done $0x0  }
0x6b: {  	p0 =	sne.s32 s23, s11;
	[sflag:s13] =	ssyncadd.s32 $0xFFFFCE00  }
.Ltmp1:
0x6c: {  	[bflag:$0x0] =	sbarrier.arrive $0xFFFF;
	(pc) =	sbr.rel @p0 .LBB2_1-.Ltmp1, $4  }
0x6d: {  	[hbm:s10], [sflag:s8] =	dma.local [spmem:s12], $0x2800  }
0x6e: {  	_ =	swait.ge [sflag:s13], $0x2800  }
0x6f: {  	[sflag:s13] =	ssyncset.done $0x0  }
0x70: {  	[sflag:s13] =	ssyncadd.s32 $0xFFFFD800  }
0x71: {  	_ =	sfence.sel $0x180000  }
0x72: {  	[bflag:$0x0] =	sbarrier.arrive $0xFFFF  }
0x73: {  	p0 =	sne.s32 s0, $0x0;
	_ =	strace $0x90000050  }
0x74: {  	s0 =	sadd.s32 @!p0 $0x100000, s1;
	[bflag:$0x2] =	sbarrier.arrive $0xFFFF  }
0x75: {  	[sflag:s0] =	ssyncadd.tile.s32 @!p0 $0x1;
	_ =	shalt  }
.Lfunc_end2:
_tile_overlayer_lowered:
.L_overlay_start_2:
0x76: {  	(tag) =	ssettag $0x2  }
0x77: {  	s0 =	rddreg [dreg:$0x0];
	s2 =	stileid.u32  }
0x78: {  	s1 =	rddreg [dreg:$0x1];
	p0 =	sne.s32 s2, $0x0  }
0x79: {  	s3 =	rddreg [dreg:$0x2];
	[bflag:$0x3] =	sbarrier.arrive $0xFFFF;
	s2 =	simm.s32 @!p0 $0x1C05  }
0x7a: {  	[timem:s3], [sflag:s2] =	dma.local @!p0 [hbm:s0], s1  }
0x7b: {  	s0 =	simm.s32 @!p0 $0x5  }
0x7c: {  	_ =	swait.ge @!p0 [sflag:s0], s1  }
0x7d: {  	s1 =	ssub.s32 @!p0 $0x0, s1;
	[sflag:s0] =	ssyncset.done @!p0 $0x0  }
0x7e: {  	[sflag:s0] =	ssyncadd.s32 @!p0 s1  }
0x7f: {  	[bflag:$0x3] =	sbarrier.arrive $0xFFFF  }
0x80: {  	_ =	shalt  }

// kernel: kernel.26.cloned.1.call-start
scs
__scs_entry_jumppad:
0x0: {  	(pc) =	sbr.rel $0x88, $3  }
0x1: {  	(tag) =	ssettag $0x0;
	lr =	simm.s32 $0x1  }
0x2: {  	[smem:$0x3F94] =	sst lr;
	_ =	strace $0xD0000000  }
0x3: {  	_ = 	snop  }
0x4: {  	_ = 	snop  }
0x5: {  	_ = 	snop  }
0x6: {  	_ = 	snop  }
0x7: {  	_ = 	snop  }
__scs_overlays_trampoline_lowered:
0x8: {  	[smem:$0x3FA3] =	sst s0  }
0x9: {  	[smem:$0x3FA4] =	sst s1  }
0xa: {  	[smem:$0x3FA5] =	sst s2  }
0xb: {  	[smem:$0x3FA6] =	sst s3  }
0xc: {  	[smem:$0x3FA7] =	sst s4  }
0xd: {  	[smem:$0x3FA8] =	sst s5  }
0xe: {  	[smem:$0x3FA9] =	sst s6  }
0xf: {  	[smem:$0x3FAA] =	sst s7  }
0x10: {  	[smem:$0x3FAB] =	sst s8  }
0x11: {  	[smem:$0x3FAC] =	sst s9;
	s0 =	simm.s32 @!p0 $0x0  }
0x12: {  	s1 =	sld [smem:$0x3F92];
	s0 =	simm.s32 @p0 $0x1  }
0x13: {  	[smem:$0x3FAD] =	sst s0;
	s0 =	simm.s32 @!p1 $0x0  }
0x14: {  	s2 =	sld [smem:$0x3F91];
	s0 =	simm.s32 @p1 $0x1  }
0x15: {  	[smem:$0x3FAE] =	sst s0;
	s0 =	simm.s32 @!p2 $0x0  }
0x16: {  	s3 =	sld [smem:$0x3FDB];
	s0 =	simm.s32 @p2 $0x1  }
0x17: {  	s4 =	simm.s32 $0x1BF5;
	[smem:$0x3FB0] =	sst s0  }
0x18: {  	s0 =	sld [smem:$0x3F93];
	_ =	swait.ge [sflag:s4], $0x0  }
0x19: {  	s7 =	sld [smem:$0x3F94]  }
0x1a: {  	s8 =	sadd.s32 $0xFFFFE003, lr  }
0x1b: {  	s9 =	sadd.s32 $0xFFFFFEF7, lr;
	s5 =	simm.s32 $0xFFFFFFFF;
	p2 =	slt.u32 s8, $0xFFFFF086  }
0x1c: {  	p1 =	slt.u32 s9, $0xF7A;
	s5 =	simm.s32 @!p2 $0x0  }
0x1d: {  	s5 =	simm.s32 @p1 $0x1;
	p0 =	seq.s32 s7, s2  }
0x1e: {  	s7 =	smul.u32 @!p0 $0xF7A, s2;
	p2 =	seq.s32 @!p0 s5, $0x0  }
0x1f: {  	s9 =	smul.u32 $0xF7A, s1;
	s8 =	simm.s32 @!p0 $0x1BF5;
	p2 =	por !p2, p0  }
0x20: {  	[sflag:s8] =	ssyncset.s32 @!p0 $0xFFFFF086;
	s6 =	sadd.s32 @!p0 s3, s7;
	s7 =	simm.s32 @!p0 $0x108  }
0x21: {  	s3 =	sadd.s32 s3, s9;
	s6 =	sadd.s32 @!p0 $0x88, s6;
	s7 =	simm.s32 @p2 $0x1082  }
0x22: {  	[simem:s7], [sflag:s8] =	dma.local @!p0 [hbm:s6], $0xF7A  }
0x23: {  	s9 =	sor.u32 $0xD0000000, s2;
	s6 =	simm.s32 $0x108;
	_ =	swait.ge @!p0 [sflag:s8], $0x0  }
0x24: {  	s3 =	sadd.s32 $0x88, s3;
	s6 =	simm.s32 @!p1 $0x1082;
	[sflag:s4] =	ssyncset.s32 $0xFFFFF086  }
0x25: {  	[simem:s6], [sflag:s4] =	dma.local [hbm:s3], $0xF7A  }
0x26: {  	[smem:$0x3F94] =	sst s1;
	(tag) =	ssettag s2;
	_ =	strace s9  }
0x27: {  	s1 =	sld [smem:$0x3FA4]  }
0x28: {  	s2 =	sld [smem:$0x3FA5]  }
0x29: {  	s4 =	sld [smem:$0x3FA7]  }
0x2a: {  	p0 =	seq.s32 s5, $0x0;
	s5 =	sld [smem:$0x3FA8]  }
0x2b: {  	s6 =	sld [smem:$0x3FA9]  }
0x2c: {  	s7 =	sld [smem:$0x3FAA]  }
0x2d: {  	s3 =	simm.s32 $0x108;
	s8 =	sld [smem:$0x3FAB]  }
0x2e: {  	s3 =	simm.s32 @!p0 $0x1082;
	s9 =	sld [smem:$0x3FAC]  }
0x2f: {  	lr =	sadd.s32 s0, s3;
	s0 =	sld [smem:$0x3FA3]  }
0x30: {  	s3 =	sld [smem:$0x3FA6]  }
0x31: {  	[smem:$0x3FAF] =	sst s10  }
0x32: {  	s10 =	sld [smem:$0x3FAD];
	_ =	sdelay $0x3  }
0x33: {  	p0 =	seq.s32 s10, $0x1;
	s10 =	sld [smem:$0x3FAF];
	_ =	sdelay $0x3  }
0x34: {  	[smem:$0x3FAF] =	sst s10  }
0x35: {  	s10 =	sld [smem:$0x3FAE];
	_ =	sdelay $0x3  }
0x36: {  	p1 =	seq.s32 s10, $0x1;
	s10 =	sld [smem:$0x3FAF];
	_ =	sdelay $0x3  }
0x37: {  	[smem:$0x3FAF] =	sst s10  }
0x38: {  	s10 =	sld [smem:$0x3FB0]  }
0x39: {  	_ = 	snop;
	(pc) =	sbr.ind lr, $3  }
0x3a: {  	_ = 	snop  }
0x3b: {  	_ = 	snop  }
0x3c: {  	p2 =	seq.s32 s10, $0x1;
	s10 =	sld [smem:$0x3FAF]  }
0x3d: {  	_ =	shalt  }
0x3e: {  	_ =	shalt  }
0x3f: {  	_ =	shalt  }
0x40: {  	_ =	shalt  }
0x41: {  	_ =	shalt  }
0x42: {  	_ =	shalt  }
0x43: {  	_ =	shalt  }
0x44: {  	_ =	shalt  }
0x45: {  	_ =	shalt  }
0x46: {  	_ =	shalt  }
0x47: {  	_ =	shalt  }
0x48: {  	_ =	shalt  }
0x49: {  	_ =	shalt  }
0x4a: {  	_ =	shalt  }
0x4b: {  	_ =	shalt  }
0x4c: {  	_ =	shalt  }
0x4d: {  	_ =	shalt  }
0x4e: {  	_ =	shalt  }
0x4f: {  	_ =	shalt  }
0x50: {  	_ =	shalt  }
0x51: {  	_ =	shalt  }
0x52: {  	_ =	shalt  }
0x53: {  	_ =	shalt  }
0x54: {  	_ =	shalt  }
0x55: {  	_ =	shalt  }
0x56: {  	_ =	shalt  }
0x57: {  	_ =	shalt  }
0x58: {  	_ =	shalt  }
0x59: {  	_ =	shalt  }
0x5a: {  	_ =	shalt  }
0x5b: {  	_ =	shalt  }
0x5c: {  	_ =	shalt  }
0x5d: {  	_ =	shalt  }
0x5e: {  	_ =	shalt  }
0x5f: {  	_ =	shalt  }
0x60: {  	_ =	shalt  }
0x61: {  	_ =	shalt  }
0x62: {  	_ =	shalt  }
0x63: {  	_ =	shalt  }
0x64: {  	_ =	shalt  }
0x65: {  	_ =	shalt  }
0x66: {  	_ =	shalt  }
0x67: {  	_ =	shalt  }
0x68: {  	_ =	shalt  }
0x69: {  	_ =	shalt  }
0x6a: {  	_ =	shalt  }
0x6b: {  	_ =	shalt  }
0x6c: {  	_ =	shalt  }
0x6d: {  	_ =	shalt  }
0x6e: {  	_ =	shalt  }
0x6f: {  	_ =	shalt  }
0x70: {  	_ =	shalt  }
0x71: {  	_ =	shalt  }
0x72: {  	_ =	shalt  }
0x73: {  	_ =	shalt  }
0x74: {  	_ =	shalt  }
0x75: {  	_ =	shalt  }
0x76: {  	_ =	shalt  }
0x77: {  	_ =	shalt  }
0x78: {  	_ =	shalt  }
0x79: {  	_ =	shalt  }
0x7a: {  	_ =	shalt  }
0x7b: {  	_ =	shalt  }
0x7c: {  	_ =	shalt  }
0x7d: {  	_ =	shalt  }
0x7e: {  	_ =	shalt  }
0x7f: {  	_ =	shalt  }
0x80: {  	_ =	shalt  }
0x81: {  	_ =	shalt  }
0x82: {  	_ =	shalt  }
0x83: {  	_ =	shalt  }
0x84: {  	_ =	shalt  }
0x85: {  	_ =	shalt  }
0x86: {  	_ =	shalt  }
0x87: {  	_ =	shalt  }
.Lfunc_end0:
.L_simem_size_0:
called_computation.4_lowered:
.L_overlay_start_0:
0x88: {  	s2 =	sld [smem:$0x3FD9]  }
0x89: {  	s3 =	sld [smem:$0x3FFE];
	_ =	sdelay $0x1  }
0x8a: {  	s1 =	srdreg.scid  }
0x8b: {  	s0 =	sand.u32 $0x1, s1  }
0x8c: {  	s17 =	sshll.u32 s0, $0xA;
	s2 =	sadd.s32 s3, s2  }
0x8d: {  	s2 =	sadd.s32 s2, s17  }
0x8e: {  	[smem:$0x3FBB] =	sst s2  }
0x8f: {  	_ = 	snop  }
0x90: {  	s2 =	sld [smem:$0x3FD0];
	(tm) =	ssettm $0x1  }
0x91: {  	s18 =	sld [smem:$0x3FFB];
	_ =	sdelay $0x3  }
0x92: {  	_ =	strace s18  }
0x93: {  	s3 =	sld [smem:$0x3FFC];
	_ =	sdelay $0x3  }
0x94: {  	_ =	strace s3  }
0x95: {  	s3 =	sld [smem:$0x3FFD];
	_ =	sdelay $0x3  }
0x96: {  	_ =	strace s3  }
0x97: {  	_ =	strace $0x8FFFFFFF  }
0x98: {  	s19 =	sld [smem:$0x3FDB];
	_ =	sdelay $0x1  }
0x99: {  	s4 =	simm.s32 $_scs_section_size  }
0x9a: {  	s5 =	simm.s32 $_size__tile_overlayer_lowered;
	s6 =	simm.s32 $_tile_overlayer_lowered  }
0x9b: {  	s22 =	simm.s32 $0x1BFF;
	s21 =	sshll.u32 s6, $0x1;
	s3 =	sadd.s32 s4, s19  }
0x9c: {  	s7 =	simm.s32 $0x0;
	s20 =	sshll.u32 s5, $0x1;
	s5 =	sadd.s32 s21, s3  }
0x9d: {  	[timem:s7], [sflag:s22] =	dma.local [hbm:s5], s20  }
0x9e: {  	_ =	swait.ge [sflag:s22], s20  }
0x9f: {  	s4 =	ssub.s32 $0x0, s20;
	[sflag:s22] =	ssyncset.done $0x0  }
0xa0: {  	[sflag:s22] =	ssyncadd.s32 s4;
	_ =	sdelay $0x1  }
0xa1: {  	s23 =	simm.s32 $0x1B8B  }
0xa2: {  	_ =	swait.ge [sflag:s23], $0x1  }
0xa3: {  	[sflag:s23] =	ssyncset.done $0x0  }
0xa4: {  	s25 =	simm.s32 $0x1B8E;
	s24 =	sld [smem:$0x3FFE];
	[sflag:s23] =	ssyncadd.s32 $0xFFFFFFFF  }
0xa5: {  	s26 =	simm.s32 $execute0_lowered;
	[smem:$0x3FD2] =	sst s25  }
0xa6: {  	s5 =	sshll.u32 s26, $0x1;
	_ =	strace $0x80000052;
	[dreg:$0x1] =	wrdreg $0xFFFFFFFF  }
0xa7: {  	s28 =	simm.s32 $_size_execute0_lowered;
	s3 =	sadd.s32 s3, s5;
	[dreg:$0x0] =	wrdreg $0x0  }
0xa8: {  	s5 =	sshll.u32 s28, $0x1;
	[dreg:$0x2] =	wrdreg s3  }
0xa9: {  	[dreg:$0x3] =	wrdreg s5  }
0xaa: {  	[dreg:$0x4] =	wrdreg $0xC0  }
0xab: {  	_ =	task [dreg:s7], $0x5FFFF  }
0xac: {  	[dreg:$0x1] =	wrdreg $0xFFFFFFFF  }
0xad: {  	[dreg:$0x0] =	wrdreg $0x60  }
0xae: {  	[dreg:$0x2] =	wrdreg s24  }
0xaf: {  	[dreg:$0x3] =	wrdreg s2  }
0xb0: {  	[dreg:$0x4] =	wrdreg $0x9D000  }
0xb1: {  	[dreg:$0x5] =	wrdreg $0x9  }
0xb2: {  	_ =	task.clear_ibuf [dreg:s7], $0x6FFFF;
	_ =	strace $0x90000052  }
0xb3: {  	s29 =	simm.s32 $0x9;
	_ =	strace $0x80000054  }
0xb4: {  	_ =	swait.ge [sflag:s29], $0x1  }
0xb5: {  	[sflag:s29] =	ssyncadd.s32 $0xFFFFFFFF  }
0xb6: {  	_ =	strace $0x90000054  }
0xb7: {  	_ =	sfence  }
0xb8: {  	s30 =	sld [smem:$0x0];
	_ =	sdelay $0x2  }
0xb9: {  	s31 =	sshll.u32 s1, $0xD;
	s1 =	sshrl.u32 s1, $0x2  }
0xba: {  	s3 =	sand.u32 $0x4000, s31;
	s1 =	sadd.s32 s1, s30  }
0xbb: {  	s0 =	sor.u32 s3, s0;
	s1 =	sshll.u32 s1, $0x11  }
0xbc: {  	s0 =	sor.u32 s1, s0  }
0xbd: {  	s0 =	sadd.s32 $0x8F2B, s0  }
0xbe: {  	[sflag:s0] =	ssyncadd.remote.s32 $0x1  }
0xbf: {  	_ =	sfence.sel $0xFFFF  }
0xc0: {  	[dreg:$0x0] =	wrdreg $0xFFFFFFFF;
	(pc) =	sbr.abs _section_cstart, $3  }
0xc1: {  	[dreg:$0x1] =	wrdreg $0xFFFFFFFF  }
0xc2: {  	_ =	task.clear_ibuf [dreg:s7], $0x2FFFF;
	_ =	strace $0x9FFFFFFF  }
0xc3: {  	(tm) =	ssettm $0x7FFFFFFF  }
tec
execute0_lowered:
.L_overlay_start_1:
0x0: {  	(tag) =	ssettag $0x1  }
0x1: {  	s9 =	rddreg [dreg:$0x0]  }
0x2: {  	s0 =	srdreg.scid;
	s2 =	rddreg [dreg:$0x1]  }
0x3: {  	s3 =	rddreg [dreg:$0x2];
	s5 =	simm.s32 $0x0;
	s15 =	simm.s32 $0x3480  }
0x4: {  	s16 =	simm.s32 $0x64;
	s17 =	simm.s32 $0x3500;
	s18 =	simm.s32 $0x6900  }
0x5: {  	s19 =	simm.s32 $0x3;
	s20 =	simm.s32 $0x1;
	s21 =	simm.s32 $0x4  }
0x6: {  	s22 =	simm.s32 $0x2;
	s8 =	sand.u32 $0x1, s0;
	s0 =	stileid.u32  }
0x7: {  	s23 =	simm.s32 $0x0;
	[smem:$0x7FF] =	sst s5;
	s7 =	smul.u32 $0x140000, s8  }
0x8: {  	s6 =	sadd.s32 $0xB200, s9;
	s1 =	sshll.u32 s8, $0x4;
	s10 =	smul.u32 $0x14000, s0  }
0x9: {  	s12 =	smul.u32 $0x50000, s0;
	s8 =	ssub.s32 $0x2, s8;
	s1 =	sor.u32 s0, s1  }
0xa: {  	s13 =	sshll.u32 s0, $0x6;
	s31 =	sshrl.u32 s8, $0x1;
	s4 =	smul.u32 $0x3400, s1  }
0xb: {  	s1 =	rddreg [dreg:$0x3];
	_ =	strace $0x80000053;
	s7 =	sadd.s32 s10, s7  }
0xc: {  	s12 =	sshrl.u32 s12, $0x2;
	s14 =	ssub.s32 s8, s31;
	s8 =	sor.u32 $0x1C05, s13  }
0xd: {  	s13 =	simm.s32 $0x5;
	s30 =	sshrl.u32 s7, $0x3;
	s11 =	sshrl.u32 s4, $0x3  }
0xe: {  	s7 =	sadd.s32 $0x8A00, s9;
	s12 =	sadd.s32 s12, s3;
	s29 =	sadd.s32 s11, s9  }
0xf: {  	s12 =	sshrl.u32 s12, $0x3;
	s11 =	sadd.s32 s30, s9;
	s9 =	sadd.s32 $0x83200, s29  }
0x10: {  	s10 =	sadd.s32 $0x90200, s11;
	s11 =	smax.u32 s14, $0x1;
	s14 =	simm.s32 $0x3400  }
.LBB2_1:
0x11: {  	[spmem:s12], [sflag:s8] =	dma.local [hbm:s7], $0x2800  }
0x12: {  	_ =	swait.ge [sflag:s13], $0x2800  }
0x13: {  	s24 =	simm.s32 $0x0;
	[sflag:s13] =	ssyncset.done $0x0  }
0x14: {  	s26 =	simm.s32 $0x80;
	s25 =	sand.u32 $0x3C00, s24;
	[sflag:s13] =	ssyncadd.s32 $0xFFFFD800  }
0x15: {  	[tilespmem:s5], [sflag:$0x5] =	stream.linear.gather [hbm4b:s9+s5], $0x3200, $0x38;
	[tilespmem:$0x1DD00] =	vst v63  }
0x16: {  	s24 =	sand.u32 $0x300, s24;
	s25 =	sadd.s32 s4, s25;
	_ =	swait.ge [sflag:s13], $0x3200  }
0x17: {  	s26 =	sand.u32 $0x380, s26;
	s24 =	sor.u32 s24, s25;
	[sflag:s13] =	ssyncset.done $0x0  }
0x18: {  	s25 =	sor.u32 s25, s26;
	s24 =	sshrl.u32 s24, $0x3;
	[sflag:s13] =	ssyncadd.s32 $0xFFFFCE00  }
0x19: {  	s25 =	sshrl.u32 s25, $0x3;
	s24 =	sadd.s32 s2, s24;
	[bflag:$0x0] =	sbarrier.arrive $0xFFFF  }
0x1a: {  	[tilespmem:s14], [sflag:$0x1] =	stream.linear.gather [hbm4b:s24+s5], $0x80, $0x38;
	[tilespmem:$0x1DD00] =	vst v63  }
0x1b: {  	s29 =	sadd.s32 s2, s25  }
0x1c: {  	[tilespmem:s15], [sflag:$0x2] =	stream.linear.gather [hbm4b:s29+s5], $0x80, $0x38;
	[tilespmem:$0x1DD00] =	vst v63  }
0x1d: {  	_ = 	snop  }
0x1e: {  	[tilespmem:s17], [sflag:$0x3] =	stream.indirect.gather [hbm4b:s6+s16], $0x80, s5, s16, $0xb8;
	[tilespmem:$0x1DD00] =	vst v63  }
0x1f: {  	s30 =	simm.s32 $0x80  }
0x20: {  	[tilespmem:s18], [sflag:$0x4] =	stream.indirect.gather [hbm4b:s6+s16], $0x80, s30, s16, $0xb8;
	[tilespmem:$0x1DD00] =	vst v63  }
0x21: {  	_ =	swait.ge [sflag:s19], $0x3200  }
0x22: {  	[sflag:s19] =	ssyncset.done $0x0  }
0x23: {  	[sflag:s19] =	ssyncadd.s32 $0xFFFFCE00  }
0x24: {  	_ =	swait.ge [sflag:s20], $0x80  }
0x25: {  	[sflag:s20] =	ssyncset.done $0x0  }
0x26: {  	[sflag:s20] =	ssyncadd.s32 $0xFFFFFF80  }
0x27: {  	[spmem:s3] =	stream.indirect.scatter.add.f32 [tilespmem:s17], [sflag:$0x5], $0x80, s14, s16, $0xb8;
	[tilespmem:$0x1DD00] =	vst v63  }
0x28: {  	_ =	swait.ge [sflag:s13], $0x3200  }
0x29: {  	[sflag:s13] =	ssyncset.done $0x0  }
0x2a: {  	[sflag:s13] =	ssyncadd.s32 $0xFFFFCE00  }
0x2b: {  	s31 =	simm.s32 $0x180;
	s28 =	simm.s32 $0x100;
	_ =	swait.ge [sflag:s21], $0x3200  }
0x2c: {  	s26 =	sand.u32 $0x380, s31;
	s25 =	simm.s32 $0x280;
	[sflag:s21] =	ssyncset.done $0x0  }
0x2d: {  	s24 =	simm.s32 $0x100;
	s29 =	sand.u32 $0x3C00, s28;
	[sflag:s21] =	ssyncadd.s32 $0xFFFFCE00  }
0x2e: {  	s28 =	sand.u32 $0x300, s28;
	s29 =	sadd.s32 s4, s29;
	_ =	swait.ge [sflag:s22], $0x80  }
0x2f: {  	s28 =	sor.u32 s28, s29;
	s26 =	sor.u32 s29, s26;
	[sflag:s22] =	ssyncset.done $0x0  }
0x30: {  	s28 =	sshrl.u32 s28, $0x3;
	s26 =	sshrl.u32 s26, $0x3;
	[sflag:s22] =	ssyncadd.s32 $0xFFFFFF80  }
.LBB2_2:
0x31: {  	[spmem:s3] =	stream.indirect.scatter.add.f32 [tilespmem:s18], [sflag:$0x5], $0x80, s15, s16, $0xb8;
	[tilespmem:$0x1DD00] =	vst v63  }
0x32: {  	s29 =	smov.u32 s25  }
0x33: {  	p0 =	sne.s32 s25, $0x3180;
	s25 =	sadd.s32 $0x100, s25;
	_ =	swait.ge [sflag:s13], $0x3200  }
0x34: {  	[sflag:s13] =	ssyncset.done $0x0  }
0x35: {  	s28 =	sadd.s32 s2, s28;
	[sflag:s13] =	ssyncadd.s32 $0xFFFFCE00  }
0x36: {  	[tilespmem:s14], [sflag:$0x1] =	stream.linear.gather [hbm4b:s28+s5], $0x80, $0x38;
	[tilespmem:$0x1DD00] =	vst v63  }
0x37: {  	s26 =	sadd.s32 s2, s26  }
0x38: {  	[tilespmem:s15], [sflag:$0x2] =	stream.linear.gather [hbm4b:s26+s5], $0x80, $0x38;
	[tilespmem:$0x1DD00] =	vst v63  }
0x39: {  	_ = 	snop  }
0x3a: {  	[tilespmem:s17], [sflag:$0x3] =	stream.indirect.gather [hbm4b:s6+s16], $0x80, s24, s16, $0xb8;
	[tilespmem:$0x1DD00] =	vst v63  }
0x3b: {  	s26 =	sadd.s32 $0x80, s24  }
0x3c: {  	[tilespmem:s18], [sflag:$0x4] =	stream.indirect.gather [hbm4b:s6+s16], $0x80, s26, s16, $0xb8;
	[tilespmem:$0x1DD00] =	vst v63  }
0x3d: {  	_ =	swait.ge [sflag:s19], $0x3200  }
0x3e: {  	[sflag:s19] =	ssyncset.done $0x0  }
0x3f: {  	[sflag:s19] =	ssyncadd.s32 $0xFFFFCE00  }
0x40: {  	_ =	swait.ge [sflag:s20], $0x80  }
0x41: {  	[sflag:s20] =	ssyncset.done $0x0  }
0x42: {  	[sflag:s20] =	ssyncadd.s32 $0xFFFFFF80  }
0x43: {  	[spmem:s3] =	stream.indirect.scatter.add.f32 [tilespmem:s17], [sflag:$0x5], $0x80, s14, s16, $0xb8;
	[tilespmem:$0x1DD00] =	vst v63  }
0x44: {  	_ =	swait.ge [sflag:s13], $0x3200  }
0x45: {  	[sflag:s13] =	ssyncset.done $0x0  }
0x46: {  	[sflag:s13] =	ssyncadd.s32 $0xFFFFCE00  }
0x47: {  	s24 =	sadd.s32 $0x100, s24;
	_ =	swait.ge [sflag:s21], $0x3200  }
.Ltmp0:
0x48: {  	s26 =	sadd.s32 $0xFFFFFF80, s29;
	[sflag:s21] =	ssyncset.done $0x0;
	(pc) =	sbr.rel @p0 .LBB2_2-.Ltmp0, $4  }
0x49: {  	s29 =	sand.u32 $0x380, s29;
	s28 =	sand.u32 $0x3C00, s26;
	[sflag:s21] =	ssyncadd.s32 $0xFFFFCE00  }
0x4a: {  	s26 =	sand.u32 $0x300, s26;
	s28 =	sadd.s32 s4, s28;
	_ =	swait.ge [sflag:s22], $0x80  }
0x4b: {  	s26 =	sor.u32 s26, s28;
	s29 =	sor.u32 s28, s29;
	[sflag:s22] =	ssyncset.done $0x0  }
0x4c: {  	s28 =	sshrl.u32 s26, $0x3;
	s26 =	sshrl.u32 s29, $0x3;
	[sflag:s22] =	ssyncadd.s32 $0xFFFFFF80  }
0x4d: {  	[spmem:s3] =	stream.indirect.scatter.add.f32 [tilespmem:s18], [sflag:$0x5], $0x80, s15, s16, $0xb8;
	[tilespmem:$0x1DD00] =	vst v63  }
0x4e: {  	_ =	swait.ge [sflag:s13], $0x3200  }
0x4f: {  	[sflag:s13] =	ssyncset.done $0x0  }
0x50: {  	s25 =	sadd.s32 s2, s28;
	[sflag:s13] =	ssyncadd.s32 $0xFFFFCE00  }
0x51: {  	[tilespmem:s14], [sflag:$0x1] =	stream.linear.gather [hbm4b:s25+s5], $0x80, $0x38;
	[tilespmem:$0x1DD00] =	vst v63  }
0x52: {  	s30 =	sadd.s32 s2, s26  }
0x53: {  	[tilespmem:s15], [sflag:$0x2] =	stream.linear.gather [hbm4b:s30+s5], $0x80, $0x38;
	[tilespmem:$0x1DD00] =	vst v63  }
0x54: {  	_ = 	snop  }
0x55: {  	[tilespmem:s17], [sflag:$0x3] =	stream.indirect.gather [hbm4b:s6+s16], $0x80, s24, s16, $0xb8;
	[tilespmem:$0x1DD00] =	vst v63  }
0x56: {  	s31 =	sadd.s32 $0x80, s24  }
0x57: {  	[tilespmem:s18], [sflag:$0x4] =	stream.indirect.gather [hbm4b:s6+s16], $0x80, s31, s16, $0xb8;
	[tilespmem:$0x1DD00] =	vst v63  }
0x58: {  	_ =	swait.ge [sflag:s19], $0x3200  }
0x59: {  	[sflag:s19] =	ssyncset.done $0x0  }
0x5a: {  	[sflag:s19] =	ssyncadd.s32 $0xFFFFCE00  }
0x5b: {  	_ =	swait.ge [sflag:s20], $0x80  }
0x5c: {  	[sflag:s20] =	ssyncset.done $0x0  }
0x5d: {  	[sflag:s20] =	ssyncadd.s32 $0xFFFFFF80  }
0x5e: {  	[spmem:s3] =	stream.indirect.scatter.add.f32 [tilespmem:s17], [sflag:$0x5], $0x80, s14, s16, $0xb8;
	[tilespmem:$0x1DD00] =	vst v63  }
0x5f: {  	_ =	swait.ge [sflag:s13], $0x3200  }
0x60: {  	[sflag:s13] =	ssyncset.done $0x0  }
0x61: {  	[sflag:s13] =	ssyncadd.s32 $0xFFFFCE00  }
0x62: {  	_ =	swait.ge [sflag:s21], $0x3200  }
0x63: {  	[sflag:s21] =	ssyncset.done $0x0  }
0x64: {  	[sflag:s21] =	ssyncadd.s32 $0xFFFFCE00  }
0x65: {  	_ =	swait.ge [sflag:s22], $0x80  }
0x66: {  	[sflag:s22] =	ssyncset.done $0x0  }
0x67: {  	[sflag:s22] =	ssyncadd.s32 $0xFFFFFF80  }
0x68: {  	[spmem:s3] =	stream.indirect.scatter.add.f32 [tilespmem:s18], [sflag:$0x5], $0x80, s15, s16, $0xb8;
	[tilespmem:$0x1DD00] =	vst v63  }
0x69: {  	_ =	swait.ge [sflag:s13], $0x3200  }
0x6a: {  	s23 =	sadd.s32 $0x1, s23;
	[sflag:s13] =	ssyncset.done $0x0  }
0x6b: {  	p0 =	sne.s32 s23, s11;
	[sflag:s13] =	ssyncadd.s32 $0xFFFFCE00  }
.Ltmp1:
0x6c: {  	[bflag:$0x0] =	sbarrier.arrive $0xFFFF;
	(pc) =	sbr.rel @p0 .LBB2_1-.Ltmp1, $4  }
0x6d: {  	[hbm:s10], [sflag:s8] =	dma.local [spmem:s12], $0x2800  }
0x6e: {  	_ =	swait.ge [sflag:s13], $0x2800  }
0x6f: {  	[sflag:s13] =	ssyncset.done $0x0  }
0x70: {  	[sflag:s13] =	ssyncadd.s32 $0xFFFFD800  }
0x71: {  	_ =	sfence.sel $0x180000  }
0x72: {  	[bflag:$0x0] =	sbarrier.arrive $0xFFFF  }
0x73: {  	p0 =	sne.s32 s0, $0x0;
	_ =	strace $0x90000053  }
0x74: {  	s0 =	sadd.s32 @!p0 $0x100000, s1;
	[bflag:$0x2] =	sbarrier.arrive $0xFFFF  }
0x75: {  	[sflag:s0] =	ssyncadd.tile.s32 @!p0 $0x1;
	_ =	shalt  }
.Lfunc_end2:
_tile_overlayer_lowered:
.L_overlay_start_2:
0x76: {  	(tag) =	ssettag $0x2  }
0x77: {  	s0 =	rddreg [dreg:$0x0];
	s2 =	stileid.u32  }
0x78: {  	s1 =	rddreg [dreg:$0x1];
	p0 =	sne.s32 s2, $0x0  }
0x79: {  	s3 =	rddreg [dreg:$0x2];
	[bflag:$0x3] =	sbarrier.arrive $0xFFFF;
	s2 =	simm.s32 @!p0 $0x1C05  }
0x7a: {  	[timem:s3], [sflag:s2] =	dma.local @!p0 [hbm:s0], s1  }
0x7b: {  	s0 =	simm.s32 @!p0 $0x5  }
0x7c: {  	_ =	swait.ge @!p0 [sflag:s0], s1  }
0x7d: {  	s1 =	ssub.s32 @!p0 $0x0, s1;
	[sflag:s0] =	ssyncset.done @!p0 $0x0  }
0x7e: {  	[sflag:s0] =	ssyncadd.s32 @!p0 s1  }
0x7f: {  	[bflag:$0x3] =	sbarrier.arrive $0xFFFF  }
0x80: {  	_ =	shalt  }

// kernel: kernel.29.cloned.1.call-start
scs
__scs_entry_jumppad:
0x0: {  	(pc) =	sbr.rel $0x88, $3  }
0x1: {  	(tag) =	ssettag $0x0;
	lr =	simm.s32 $0x1  }
0x2: {  	[smem:$0x3F94] =	sst lr;
	_ =	strace $0xD0000000  }
0x3: {  	_ = 	snop  }
0x4: {  	_ = 	snop  }
0x5: {  	_ = 	snop  }
0x6: {  	_ = 	snop  }
0x7: {  	_ = 	snop  }
__scs_overlays_trampoline_lowered:
0x8: {  	[smem:$0x3FA3] =	sst s0  }
0x9: {  	[smem:$0x3FA4] =	sst s1  }
0xa: {  	[smem:$0x3FA5] =	sst s2  }
0xb: {  	[smem:$0x3FA6] =	sst s3  }
0xc: {  	[smem:$0x3FA7] =	sst s4  }
0xd: {  	[smem:$0x3FA8] =	sst s5  }
0xe: {  	[smem:$0x3FA9] =	sst s6  }
0xf: {  	[smem:$0x3FAA] =	sst s7  }
0x10: {  	[smem:$0x3FAB] =	sst s8  }
0x11: {  	[smem:$0x3FAC] =	sst s9;
	s0 =	simm.s32 @!p0 $0x0  }
0x12: {  	s1 =	sld [smem:$0x3F92];
	s0 =	simm.s32 @p0 $0x1  }
0x13: {  	[smem:$0x3FAD] =	sst s0;
	s0 =	simm.s32 @!p1 $0x0  }
0x14: {  	s2 =	sld [smem:$0x3F91];
	s0 =	simm.s32 @p1 $0x1  }
0x15: {  	[smem:$0x3FAE] =	sst s0;
	s0 =	simm.s32 @!p2 $0x0  }
0x16: {  	s3 =	sld [smem:$0x3FDB];
	s0 =	simm.s32 @p2 $0x1  }
0x17: {  	s4 =	simm.s32 $0x1BF5;
	[smem:$0x3FB0] =	sst s0  }
0x18: {  	s0 =	sld [smem:$0x3F93];
	_ =	swait.ge [sflag:s4], $0x0  }
0x19: {  	s7 =	sld [smem:$0x3F94]  }
0x1a: {  	s8 =	sadd.s32 $0xFFFFE003, lr  }
0x1b: {  	s9 =	sadd.s32 $0xFFFFFEF7, lr;
	s5 =	simm.s32 $0xFFFFFFFF;
	p2 =	slt.u32 s8, $0xFFFFF086  }
0x1c: {  	p1 =	slt.u32 s9, $0xF7A;
	s5 =	simm.s32 @!p2 $0x0  }
0x1d: {  	s5 =	simm.s32 @p1 $0x1;
	p0 =	seq.s32 s7, s2  }
0x1e: {  	s7 =	smul.u32 @!p0 $0xF7A, s2;
	p2 =	seq.s32 @!p0 s5, $0x0  }
0x1f: {  	s9 =	smul.u32 $0xF7A, s1;
	s8 =	simm.s32 @!p0 $0x1BF5;
	p2 =	por !p2, p0  }
0x20: {  	[sflag:s8] =	ssyncset.s32 @!p0 $0xFFFFF086;
	s6 =	sadd.s32 @!p0 s3, s7;
	s7 =	simm.s32 @!p0 $0x108  }
0x21: {  	s3 =	sadd.s32 s3, s9;
	s6 =	sadd.s32 @!p0 $0x88, s6;
	s7 =	simm.s32 @p2 $0x1082  }
0x22: {  	[simem:s7], [sflag:s8] =	dma.local @!p0 [hbm:s6], $0xF7A  }
0x23: {  	s9 =	sor.u32 $0xD0000000, s2;
	s6 =	simm.s32 $0x108;
	_ =	swait.ge @!p0 [sflag:s8], $0x0  }
0x24: {  	s3 =	sadd.s32 $0x88, s3;
	s6 =	simm.s32 @!p1 $0x1082;
	[sflag:s4] =	ssyncset.s32 $0xFFFFF086  }
0x25: {  	[simem:s6], [sflag:s4] =	dma.local [hbm:s3], $0xF7A  }
0x26: {  	[smem:$0x3F94] =	sst s1;
	(tag) =	ssettag s2;
	_ =	strace s9  }
0x27: {  	s1 =	sld [smem:$0x3FA4]  }
0x28: {  	s2 =	sld [smem:$0x3FA5]  }
0x29: {  	s4 =	sld [smem:$0x3FA7]  }
0x2a: {  	p0 =	seq.s32 s5, $0x0;
	s5 =	sld [smem:$0x3FA8]  }
0x2b: {  	s6 =	sld [smem:$0x3FA9]  }
0x2c: {  	s7 =	sld [smem:$0x3FAA]  }
0x2d: {  	s3 =	simm.s32 $0x108;
	s8 =	sld [smem:$0x3FAB]  }
0x2e: {  	s3 =	simm.s32 @!p0 $0x1082;
	s9 =	sld [smem:$0x3FAC]  }
0x2f: {  	lr =	sadd.s32 s0, s3;
	s0 =	sld [smem:$0x3FA3]  }
0x30: {  	s3 =	sld [smem:$0x3FA6]  }
0x31: {  	[smem:$0x3FAF] =	sst s10  }
0x32: {  	s10 =	sld [smem:$0x3FAD];
	_ =	sdelay $0x3  }
0x33: {  	p0 =	seq.s32 s10, $0x1;
	s10 =	sld [smem:$0x3FAF];
	_ =	sdelay $0x3  }
0x34: {  	[smem:$0x3FAF] =	sst s10  }
0x35: {  	s10 =	sld [smem:$0x3FAE];
	_ =	sdelay $0x3  }
0x36: {  	p1 =	seq.s32 s10, $0x1;
	s10 =	sld [smem:$0x3FAF];
	_ =	sdelay $0x3  }
0x37: {  	[smem:$0x3FAF] =	sst s10  }
0x38: {  	s10 =	sld [smem:$0x3FB0]  }
0x39: {  	_ = 	snop;
	(pc) =	sbr.ind lr, $3  }
0x3a: {  	_ = 	snop  }
0x3b: {  	_ = 	snop  }
0x3c: {  	p2 =	seq.s32 s10, $0x1;
	s10 =	sld [smem:$0x3FAF]  }
0x3d: {  	_ =	shalt  }
0x3e: {  	_ =	shalt  }
0x3f: {  	_ =	shalt  }
0x40: {  	_ =	shalt  }
0x41: {  	_ =	shalt  }
0x42: {  	_ =	shalt  }
0x43: {  	_ =	shalt  }
0x44: {  	_ =	shalt  }
0x45: {  	_ =	shalt  }
0x46: {  	_ =	shalt  }
0x47: {  	_ =	shalt  }
0x48: {  	_ =	shalt  }
0x49: {  	_ =	shalt  }
0x4a: {  	_ =	shalt  }
0x4b: {  	_ =	shalt  }
0x4c: {  	_ =	shalt  }
0x4d: {  	_ =	shalt  }
0x4e: {  	_ =	shalt  }
0x4f: {  	_ =	shalt  }
0x50: {  	_ =	shalt  }
0x51: {  	_ =	shalt  }
0x52: {  	_ =	shalt  }
0x53: {  	_ =	shalt  }
0x54: {  	_ =	shalt  }
0x55: {  	_ =	shalt  }
0x56: {  	_ =	shalt  }
0x57: {  	_ =	shalt  }
0x58: {  	_ =	shalt  }
0x59: {  	_ =	shalt  }
0x5a: {  	_ =	shalt  }
0x5b: {  	_ =	shalt  }
0x5c: {  	_ =	shalt  }
0x5d: {  	_ =	shalt  }
0x5e: {  	_ =	shalt  }
0x5f: {  	_ =	shalt  }
0x60: {  	_ =	shalt  }
0x61: {  	_ =	shalt  }
0x62: {  	_ =	shalt  }
0x63: {  	_ =	shalt  }
0x64: {  	_ =	shalt  }
0x65: {  	_ =	shalt  }
0x66: {  	_ =	shalt  }
0x67: {  	_ =	shalt  }
0x68: {  	_ =	shalt  }
0x69: {  	_ =	shalt  }
0x6a: {  	_ =	shalt  }
0x6b: {  	_ =	shalt  }
0x6c: {  	_ =	shalt  }
0x6d: {  	_ =	shalt  }
0x6e: {  	_ =	shalt  }
0x6f: {  	_ =	shalt  }
0x70: {  	_ =	shalt  }
0x71: {  	_ =	shalt  }
0x72: {  	_ =	shalt  }
0x73: {  	_ =	shalt  }
0x74: {  	_ =	shalt  }
0x75: {  	_ =	shalt  }
0x76: {  	_ =	shalt  }
0x77: {  	_ =	shalt  }
0x78: {  	_ =	shalt  }
0x79: {  	_ =	shalt  }
0x7a: {  	_ =	shalt  }
0x7b: {  	_ =	shalt  }
0x7c: {  	_ =	shalt  }
0x7d: {  	_ =	shalt  }
0x7e: {  	_ =	shalt  }
0x7f: {  	_ =	shalt  }
0x80: {  	_ =	shalt  }
0x81: {  	_ =	shalt  }
0x82: {  	_ =	shalt  }
0x83: {  	_ =	shalt  }
0x84: {  	_ =	shalt  }
0x85: {  	_ =	shalt  }
0x86: {  	_ =	shalt  }
0x87: {  	_ =	shalt  }
.Lfunc_end0:
.L_simem_size_0:
called_computation.5_lowered:
.L_overlay_start_0:
0x88: {  	s2 =	sld [smem:$0x3FD9]  }
0x89: {  	s3 =	sld [smem:$0x3FFE];
	_ =	sdelay $0x1  }
0x8a: {  	s1 =	srdreg.scid  }
0x8b: {  	s0 =	sand.u32 $0x1, s1  }
0x8c: {  	s17 =	sshll.u32 s0, $0xA;
	s2 =	sadd.s32 s3, s2  }
0x8d: {  	s2 =	sadd.s32 s2, s17  }
0x8e: {  	[smem:$0x3FBB] =	sst s2  }
0x8f: {  	_ = 	snop  }
0x90: {  	s2 =	sld [smem:$0x3FD0];
	(tm) =	ssettm $0x1  }
0x91: {  	s18 =	sld [smem:$0x3FFB];
	_ =	sdelay $0x3  }
0x92: {  	_ =	strace s18  }
0x93: {  	s3 =	sld [smem:$0x3FFC];
	_ =	sdelay $0x3  }
0x94: {  	_ =	strace s3  }
0x95: {  	s3 =	sld [smem:$0x3FFD];
	_ =	sdelay $0x3  }
0x96: {  	_ =	strace s3  }
0x97: {  	_ =	strace $0x8FFFFFFF  }
0x98: {  	s19 =	sld [smem:$0x3FDB];
	_ =	sdelay $0x1  }
0x99: {  	s4 =	simm.s32 $_scs_section_size  }
0x9a: {  	s5 =	simm.s32 $_size__tile_overlayer_lowered;
	s6 =	simm.s32 $_tile_overlayer_lowered  }
0x9b: {  	s22 =	simm.s32 $0x1BFF;
	s21 =	sshll.u32 s6, $0x1;
	s3 =	sadd.s32 s4, s19  }
0x9c: {  	s7 =	simm.s32 $0x0;
	s20 =	sshll.u32 s5, $0x1;
	s5 =	sadd.s32 s21, s3  }
0x9d: {  	[timem:s7], [sflag:s22] =	dma.local [hbm:s5], s20  }
0x9e: {  	_ =	swait.ge [sflag:s22], s20  }
0x9f: {  	s4 =	ssub.s32 $0x0, s20;
	[sflag:s22] =	ssyncset.done $0x0  }
0xa0: {  	[sflag:s22] =	ssyncadd.s32 s4;
	_ =	sdelay $0x1  }
0xa1: {  	s23 =	simm.s32 $0x1B8B  }
0xa2: {  	_ =	swait.ge [sflag:s23], $0x1  }
0xa3: {  	[sflag:s23] =	ssyncset.done $0x0  }
0xa4: {  	s25 =	simm.s32 $0x1B8E;
	s24 =	sld [smem:$0x3FFE];
	[sflag:s23] =	ssyncadd.s32 $0xFFFFFFFF  }
0xa5: {  	s26 =	simm.s32 $execute0_lowered;
	[smem:$0x3FD2] =	sst s25  }
0xa6: {  	s5 =	sshll.u32 s26, $0x1;
	_ =	strace $0x80000055;
	[dreg:$0x1] =	wrdreg $0xFFFFFFFF  }
0xa7: {  	s28 =	simm.s32 $_size_execute0_lowered;
	s3 =	sadd.s32 s3, s5;
	[dreg:$0x0] =	wrdreg $0x0  }
0xa8: {  	s5 =	sshll.u32 s28, $0x1;
	[dreg:$0x2] =	wrdreg s3  }
0xa9: {  	[dreg:$0x3] =	wrdreg s5  }
0xaa: {  	[dreg:$0x4] =	wrdreg $0xC0  }
0xab: {  	_ =	task [dreg:s7], $0x5FFFF  }
0xac: {  	[dreg:$0x1] =	wrdreg $0xFFFFFFFF  }
0xad: {  	[dreg:$0x0] =	wrdreg $0x60  }
0xae: {  	[dreg:$0x2] =	wrdreg s24  }
0xaf: {  	[dreg:$0x3] =	wrdreg s2  }
0xb0: {  	[dreg:$0x4] =	wrdreg $0x9D000  }
0xb1: {  	[dreg:$0x5] =	wrdreg $0x9  }
0xb2: {  	_ =	task.clear_ibuf [dreg:s7], $0x6FFFF;
	_ =	strace $0x90000055  }
0xb3: {  	s29 =	simm.s32 $0x9;
	_ =	strace $0x80000057  }
0xb4: {  	_ =	swait.ge [sflag:s29], $0x1  }
0xb5: {  	[sflag:s29] =	ssyncadd.s32 $0xFFFFFFFF  }
0xb6: {  	_ =	strace $0x90000057  }
0xb7: {  	_ =	sfence  }
0xb8: {  	s30 =	sld [smem:$0x0];
	_ =	sdelay $0x2  }
0xb9: {  	s31 =	sshll.u32 s1, $0xD;
	s1 =	sshrl.u32 s1, $0x2  }
0xba: {  	s3 =	sand.u32 $0x4000, s31;
	s1 =	sadd.s32 s1, s30  }
0xbb: {  	s0 =	sor.u32 s3, s0;
	s1 =	sshll.u32 s1, $0x11  }
0xbc: {  	s0 =	sor.u32 s1, s0  }
0xbd: {  	s0 =	sadd.s32 $0x8F2B, s0  }
0xbe: {  	[sflag:s0] =	ssyncadd.remote.s32 $0x1  }
0xbf: {  	_ =	sfence.sel $0xFFFF  }
0xc0: {  	[dreg:$0x0] =	wrdreg $0xFFFFFFFF;
	(pc) =	sbr.abs _section_cstart, $3  }
0xc1: {  	[dreg:$0x1] =	wrdreg $0xFFFFFFFF  }
0xc2: {  	_ =	task.clear_ibuf [dreg:s7], $0x2FFFF;
	_ =	strace $0x9FFFFFFF  }
0xc3: {  	(tm) =	ssettm $0x7FFFFFFF  }
tec
execute0_lowered:
.L_overlay_start_1:
0x0: {  	(tag) =	ssettag $0x1  }
0x1: {  	s9 =	rddreg [dreg:$0x0]  }
0x2: {  	s0 =	srdreg.scid;
	s2 =	rddreg [dreg:$0x1]  }
0x3: {  	s3 =	rddreg [dreg:$0x2];
	s5 =	simm.s32 $0x0;
	s15 =	simm.s32 $0x3480  }
0x4: {  	s16 =	simm.s32 $0x64;
	s17 =	simm.s32 $0x3500;
	s18 =	simm.s32 $0x6900  }
0x5: {  	s19 =	simm.s32 $0x3;
	s20 =	simm.s32 $0x1;
	s21 =	simm.s32 $0x4  }
0x6: {  	s22 =	simm.s32 $0x2;
	s8 =	sand.u32 $0x1, s0;
	s0 =	stileid.u32  }
0x7: {  	s23 =	simm.s32 $0x0;
	[smem:$0x7FF] =	sst s5;
	s7 =	smul.u32 $0x140000, s8  }
0x8: {  	s6 =	sadd.s32 $0xB200, s9;
	s1 =	sshll.u32 s8, $0x4;
	s10 =	smul.u32 $0x14000, s0  }
0x9: {  	s12 =	smul.u32 $0x50000, s0;
	s8 =	ssub.s32 $0x2, s8;
	s1 =	sor.u32 s0, s1  }
0xa: {  	s13 =	sshll.u32 s0, $0x6;
	s31 =	sshrl.u32 s8, $0x1;
	s4 =	smul.u32 $0x3400, s1  }
0xb: {  	s1 =	rddreg [dreg:$0x3];
	_ =	strace $0x80000056;
	s7 =	sadd.s32 s10, s7  }
0xc: {  	s12 =	sshrl.u32 s12, $0x2;
	s14 =	ssub.s32 s8, s31;
	s8 =	sor.u32 $0x1C05, s13  }
0xd: {  	s13 =	simm.s32 $0x5;
	s30 =	sshrl.u32 s7, $0x3;
	s11 =	sshrl.u32 s4, $0x3  }
0xe: {  	s7 =	sadd.s32 $0x8A00, s9;
	s12 =	sadd.s32 s12, s3;
	s29 =	sadd.s32 s11, s9  }
0xf: {  	s12 =	sshrl.u32 s12, $0x3;
	s11 =	sadd.s32 s30, s9;
	s9 =	sadd.s32 $0x83200, s29  }
0x10: {  	s10 =	sadd.s32 $0x90200, s11;
	s11 =	smax.u32 s14, $0x1;
	s14 =	simm.s32 $0x3400  }
.LBB2_1:
0x11: {  	[spmem:s12], [sflag:s8] =	dma.local [hbm:s7], $0x2800  }
0x12: {  	_ =	swait.ge [sflag:s13], $0x2800  }
0x13: {  	s24 =	simm.s32 $0x0;
	[sflag:s13] =	ssyncset.done $0x0  }
0x14: {  	s26 =	simm.s32 $0x80;
	s25 =	sand.u32 $0x3C00, s24;
	[sflag:s13] =	ssyncadd.s32 $0xFFFFD800  }
0x15: {  	[tilespmem:s5], [sflag:$0x5] =	stream.linear.gather [hbm4b:s9+s5], $0x3200, $0x38;
	[tilespmem:$0x1DD00] =	vst v63  }
0x16: {  	s24 =	sand.u32 $0x300, s24;
	s25 =	sadd.s32 s4, s25;
	_ =	swait.ge [sflag:s13], $0x3200  }
0x17: {  	s26 =	sand.u32 $0x380, s26;
	s24 =	sor.u32 s24, s25;
	[sflag:s13] =	ssyncset.done $0x0  }
0x18: {  	s25 =	sor.u32 s25, s26;
	s24 =	sshrl.u32 s24, $0x3;
	[sflag:s13] =	ssyncadd.s32 $0xFFFFCE00  }
0x19: {  	s25 =	sshrl.u32 s25, $0x3;
	s24 =	sadd.s32 s2, s24;
	[bflag:$0x0] =	sbarrier.arrive $0xFFFF  }
0x1a: {  	[tilespmem:s14], [sflag:$0x1] =	stream.linear.gather [hbm4b:s24+s5], $0x80, $0x38;
	[tilespmem:$0x1DD00] =	vst v63  }
0x1b: {  	s29 =	sadd.s32 s2, s25  }
0x1c: {  	[tilespmem:s15], [sflag:$0x2] =	stream.linear.gather [hbm4b:s29+s5], $0x80, $0x38;
	[tilespmem:$0x1DD00] =	vst v63  }
0x1d: {  	_ = 	snop  }
0x1e: {  	[tilespmem:s17], [sflag:$0x3] =	stream.indirect.gather [hbm4b:s6+s16], $0x80, s5, s16, $0xb8;
	[tilespmem:$0x1DD00] =	vst v63  }
0x1f: {  	s30 =	simm.s32 $0x80  }
0x20: {  	[tilespmem:s18], [sflag:$0x4] =	stream.indirect.gather [hbm4b:s6+s16], $0x80, s30, s16, $0xb8;
	[tilespmem:$0x1DD00] =	vst v63  }
0x21: {  	_ =	swait.ge [sflag:s19], $0x3200  }
0x22: {  	[sflag:s19] =	ssyncset.done $0x0  }
0x23: {  	[sflag:s19] =	ssyncadd.s32 $0xFFFFCE00  }
0x24: {  	_ =	swait.ge [sflag:s20], $0x80  }
0x25: {  	[sflag:s20] =	ssyncset.done $0x0  }
0x26: {  	[sflag:s20] =	ssyncadd.s32 $0xFFFFFF80  }
0x27: {  	[spmem:s3] =	stream.indirect.scatter.add.f32 [tilespmem:s17], [sflag:$0x5], $0x80, s14, s16, $0xb8;
	[tilespmem:$0x1DD00] =	vst v63  }
0x28: {  	_ =	swait.ge [sflag:s13], $0x3200  }
0x29: {  	[sflag:s13] =	ssyncset.done $0x0  }
0x2a: {  	[sflag:s13] =	ssyncadd.s32 $0xFFFFCE00  }
0x2b: {  	s31 =	simm.s32 $0x180;
	s28 =	simm.s32 $0x100;
	_ =	swait.ge [sflag:s21], $0x3200  }
0x2c: {  	s26 =	sand.u32 $0x380, s31;
	s25 =	simm.s32 $0x280;
	[sflag:s21] =	ssyncset.done $0x0  }
0x2d: {  	s24 =	simm.s32 $0x100;
	s29 =	sand.u32 $0x3C00, s28;
	[sflag:s21] =	ssyncadd.s32 $0xFFFFCE00  }
0x2e: {  	s28 =	sand.u32 $0x300, s28;
	s29 =	sadd.s32 s4, s29;
	_ =	swait.ge [sflag:s22], $0x80  }
0x2f: {  	s28 =	sor.u32 s28, s29;
	s26 =	sor.u32 s29, s26;
	[sflag:s22] =	ssyncset.done $0x0  }
0x30: {  	s28 =	sshrl.u32 s28, $0x3;
	s26 =	sshrl.u32 s26, $0x3;
	[sflag:s22] =	ssyncadd.s32 $0xFFFFFF80  }
.LBB2_2:
0x31: {  	[spmem:s3] =	stream.indirect.scatter.add.f32 [tilespmem:s18], [sflag:$0x5], $0x80, s15, s16, $0xb8;
	[tilespmem:$0x1DD00] =	vst v63  }
0x32: {  	s29 =	smov.u32 s25  }
0x33: {  	p0 =	sne.s32 s25, $0x3180;
	s25 =	sadd.s32 $0x100, s25;
	_ =	swait.ge [sflag:s13], $0x3200  }
0x34: {  	[sflag:s13] =	ssyncset.done $0x0  }
0x35: {  	s28 =	sadd.s32 s2, s28;
	[sflag:s13] =	ssyncadd.s32 $0xFFFFCE00  }
0x36: {  	[tilespmem:s14], [sflag:$0x1] =	stream.linear.gather [hbm4b:s28+s5], $0x80, $0x38;
	[tilespmem:$0x1DD00] =	vst v63  }
0x37: {  	s26 =	sadd.s32 s2, s26  }
0x38: {  	[tilespmem:s15], [sflag:$0x2] =	stream.linear.gather [hbm4b:s26+s5], $0x80, $0x38;
	[tilespmem:$0x1DD00] =	vst v63  }
0x39: {  	_ = 	snop  }
0x3a: {  	[tilespmem:s17], [sflag:$0x3] =	stream.indirect.gather [hbm4b:s6+s16], $0x80, s24, s16, $0xb8;
	[tilespmem:$0x1DD00] =	vst v63  }
0x3b: {  	s26 =	sadd.s32 $0x80, s24  }
0x3c: {  	[tilespmem:s18], [sflag:$0x4] =	stream.indirect.gather [hbm4b:s6+s16], $0x80, s26, s16, $0xb8;
	[tilespmem:$0x1DD00] =	vst v63  }
0x3d: {  	_ =	swait.ge [sflag:s19], $0x3200  }
0x3e: {  	[sflag:s19] =	ssyncset.done $0x0  }
0x3f: {  	[sflag:s19] =	ssyncadd.s32 $0xFFFFCE00  }
0x40: {  	_ =	swait.ge [sflag:s20], $0x80  }
0x41: {  	[sflag:s20] =	ssyncset.done $0x0  }
0x42: {  	[sflag:s20] =	ssyncadd.s32 $0xFFFFFF80  }
0x43: {  	[spmem:s3] =	stream.indirect.scatter.add.f32 [tilespmem:s17], [sflag:$0x5], $0x80, s14, s16, $0xb8;
	[tilespmem:$0x1DD00] =	vst v63  }
0x44: {  	_ =	swait.ge [sflag:s13], $0x3200  }
0x45: {  	[sflag:s13] =	ssyncset.done $0x0  }
0x46: {  	[sflag:s13] =	ssyncadd.s32 $0xFFFFCE00  }
0x47: {  	s24 =	sadd.s32 $0x100, s24;
	_ =	swait.ge [sflag:s21], $0x3200  }
.Ltmp0:
0x48: {  	s26 =	sadd.s32 $0xFFFFFF80, s29;
	[sflag:s21] =	ssyncset.done $0x0;
	(pc) =	sbr.rel @p0 .LBB2_2-.Ltmp0, $4  }
0x49: {  	s29 =	sand.u32 $0x380, s29;
	s28 =	sand.u32 $0x3C00, s26;
	[sflag:s21] =	ssyncadd.s32 $0xFFFFCE00  }
0x4a: {  	s26 =	sand.u32 $0x300, s26;
	s28 =	sadd.s32 s4, s28;
	_ =	swait.ge [sflag:s22], $0x80  }
0x4b: {  	s26 =	sor.u32 s26, s28;
	s29 =	sor.u32 s28, s29;
	[sflag:s22] =	ssyncset.done $0x0  }
0x4c: {  	s28 =	sshrl.u32 s26, $0x3;
	s26 =	sshrl.u32 s29, $0x3;
	[sflag:s22] =	ssyncadd.s32 $0xFFFFFF80  }
0x4d: {  	[spmem:s3] =	stream.indirect.scatter.add.f32 [tilespmem:s18], [sflag:$0x5], $0x80, s15, s16, $0xb8;
	[tilespmem:$0x1DD00] =	vst v63  }
0x4e: {  	_ =	swait.ge [sflag:s13], $0x3200  }
0x4f: {  	[sflag:s13] =	ssyncset.done $0x0  }
0x50: {  	s25 =	sadd.s32 s2, s28;
	[sflag:s13] =	ssyncadd.s32 $0xFFFFCE00  }
0x51: {  	[tilespmem:s14], [sflag:$0x1] =	stream.linear.gather [hbm4b:s25+s5], $0x80, $0x38;
	[tilespmem:$0x1DD00] =	vst v63  }
0x52: {  	s30 =	sadd.s32 s2, s26  }
0x53: {  	[tilespmem:s15], [sflag:$0x2] =	stream.linear.gather [hbm4b:s30+s5], $0x80, $0x38;
	[tilespmem:$0x1DD00] =	vst v63  }
0x54: {  	_ = 	snop  }
0x55: {  	[tilespmem:s17], [sflag:$0x3] =	stream.indirect.gather [hbm4b:s6+s16], $0x80, s24, s16, $0xb8;
	[tilespmem:$0x1DD00] =	vst v63  }
0x56: {  	s31 =	sadd.s32 $0x80, s24  }
0x57: {  	[tilespmem:s18], [sflag:$0x4] =	stream.indirect.gather [hbm4b:s6+s16], $0x80, s31, s16, $0xb8;
	[tilespmem:$0x1DD00] =	vst v63  }
0x58: {  	_ =	swait.ge [sflag:s19], $0x3200  }
0x59: {  	[sflag:s19] =	ssyncset.done $0x0  }
0x5a: {  	[sflag:s19] =	ssyncadd.s32 $0xFFFFCE00  }
0x5b: {  	_ =	swait.ge [sflag:s20], $0x80  }
0x5c: {  	[sflag:s20] =	ssyncset.done $0x0  }
0x5d: {  	[sflag:s20] =	ssyncadd.s32 $0xFFFFFF80  }
0x5e: {  	[spmem:s3] =	stream.indirect.scatter.add.f32 [tilespmem:s17], [sflag:$0x5], $0x80, s14, s16, $0xb8;
	[tilespmem:$0x1DD00] =	vst v63  }
0x5f: {  	_ =	swait.ge [sflag:s13], $0x3200  }
0x60: {  	[sflag:s13] =	ssyncset.done $0x0  }
0x61: {  	[sflag:s13] =	ssyncadd.s32 $0xFFFFCE00  }
0x62: {  	_ =	swait.ge [sflag:s21], $0x3200  }
0x63: {  	[sflag:s21] =	ssyncset.done $0x0  }
0x64: {  	[sflag:s21] =	ssyncadd.s32 $0xFFFFCE00  }
0x65: {  	_ =	swait.ge [sflag:s22], $0x80  }
0x66: {  	[sflag:s22] =	ssyncset.done $0x0  }
0x67: {  	[sflag:s22] =	ssyncadd.s32 $0xFFFFFF80  }
0x68: {  	[spmem:s3] =	stream.indirect.scatter.add.f32 [tilespmem:s18], [sflag:$0x5], $0x80, s15, s16, $0xb8;
	[tilespmem:$0x1DD00] =	vst v63  }
0x69: {  	_ =	swait.ge [sflag:s13], $0x3200  }
0x6a: {  	s23 =	sadd.s32 $0x1, s23;
	[sflag:s13] =	ssyncset.done $0x0  }
0x6b: {  	p0 =	sne.s32 s23, s11;
	[sflag:s13] =	ssyncadd.s32 $0xFFFFCE00  }
.Ltmp1:
0x6c: {  	[bflag:$0x0] =	sbarrier.arrive $0xFFFF;
	(pc) =	sbr.rel @p0 .LBB2_1-.Ltmp1, $4  }
0x6d: {  	[hbm:s10], [sflag:s8] =	dma.local [spmem:s12], $0x2800  }
0x6e: {  	_ =	swait.ge [sflag:s13], $0x2800  }
0x6f: {  	[sflag:s13] =	ssyncset.done $0x0  }
0x70: {  	[sflag:s13] =	ssyncadd.s32 $0xFFFFD800  }
0x71: {  	_ =	sfence.sel $0x180000  }
0x72: {  	[bflag:$0x0] =	sbarrier.arrive $0xFFFF  }
0x73: {  	p0 =	sne.s32 s0, $0x0;
	_ =	strace $0x90000056  }
0x74: {  	s0 =	sadd.s32 @!p0 $0x100000, s1;
	[bflag:$0x2] =	sbarrier.arrive $0xFFFF  }
0x75: {  	[sflag:s0] =	ssyncadd.tile.s32 @!p0 $0x1;
	_ =	shalt  }
.Lfunc_end2:
_tile_overlayer_lowered:
.L_overlay_start_2:
0x76: {  	(tag) =	ssettag $0x2  }
0x77: {  	s0 =	rddreg [dreg:$0x0];
	s2 =	stileid.u32  }
0x78: {  	s1 =	rddreg [dreg:$0x1];
	p0 =	sne.s32 s2, $0x0  }
0x79: {  	s3 =	rddreg [dreg:$0x2];
	[bflag:$0x3] =	sbarrier.arrive $0xFFFF;
	s2 =	simm.s32 @!p0 $0x1C05  }
0x7a: {  	[timem:s3], [sflag:s2] =	dma.local @!p0 [hbm:s0], s1  }
0x7b: {  	s0 =	simm.s32 @!p0 $0x5  }
0x7c: {  	_ =	swait.ge @!p0 [sflag:s0], s1  }
0x7d: {  	s1 =	ssub.s32 @!p0 $0x0, s1;
	[sflag:s0] =	ssyncset.done @!p0 $0x0  }
0x7e: {  	[sflag:s0] =	ssyncadd.s32 @!p0 s1  }
0x7f: {  	[bflag:$0x3] =	sbarrier.arrive $0xFFFF  }
0x80: {  	_ =	shalt  }

</sc_bundles>
